<compile_context>
chip_gen: v7x
topology: tpu7x:2x2x1
jax: 0.10.2.dev20260603
libtpu: 0.0.44.dev20260713+nightly
codegen_flags: <defaults>
</compile_context>

<pallas_src>
import dataclasses
import functools

import jax
import jax.numpy as jnp
from jax import lax
from jax.experimental import pallas as pl
from jax.experimental.pallas import tpu as pltpu
from jax.experimental.pallas import tpu_sc as plsc

N = 10000
NP = 10240
DUMMY = 10000
E = 320000
CH = 128
NS = 16
G_CH = 157
E_PAD = G_CH * NS * CH
DH = 128
NG = 64
ROWS_T = 640
RU = 128


def _lin_body(x_ref, w_ref, b_ref, o_ref):
    acc = jnp.dot(x_ref[...], w_ref[0], preferred_element_type=jnp.float32)
    o_ref[...] = jnp.maximum(acc + b_ref[0], 0.0)


def _tc_linear(xp, w_stack, b_stack):
    return pl.pallas_call(
        _lin_body,
        grid=(40,),
        in_specs=[
            pl.BlockSpec((512, 128), lambda i: (i % 20, 0)),
            pl.BlockSpec((1, 128, 128), lambda i: (i // 20, 0, 0)),
            pl.BlockSpec((1, 1, 128), lambda i: (i // 20, 0, 0)),
        ],
        out_specs=pl.BlockSpec((512, 128), lambda i: (i, 0)),
        out_shape=jax.ShapeDtypeStruct((2 * NP, DH), jnp.float32),
    )(xp, w_stack, b_stack)


def _sc_body(h0, src2, dstp, ha, hb, msg, sidx, didx, rbuf, hbuf,
             zbuf, inv, sem):
    c = lax.axis_index("c")
    s = lax.axis_index("s")

    @pl.loop(0, CH)
    def _(r):
        for k in range(8):
            sl = pl.ds(k * 16, 16)
            rbuf[r, sl] = jnp.ones((16,), jnp.float32)

    @pl.loop(0, 16)
    def _(r):
        for k in range(8):
            zbuf[r, pl.ds(k * 16, 16)] = jnp.zeros((16,), jnp.float32)

    @pl.loop(0, 40)
    def _(u):
        pltpu.sync_copy(zbuf, msg.at[pl.ds(s * 640 + u * 16, 16)])

    plsc.subcore_barrier()

    @pl.loop(0, G_CH)
    def _(g):
        e0 = (s * G_CH + g) * CH
        pltpu.sync_copy(dstp.at[pl.ds(e0, CH)], didx.at[0])
        pltpu.sync_copy(rbuf, msg.at[didx.at[0]], add=True)

    plsc.subcore_barrier()

    @pl.loop(0, 5)
    def _(u):
        row0 = s * ROWS_T + u * RU
        pltpu.sync_copy(msg.at[pl.ds(row0, CH)], rbuf)

        @pl.loop(0, 8)
        def _(gq, u=u):
            ir = lax.iota(jnp.int32, 16) + gq * 16
            c16 = plsc.load_gather(rbuf, [ir, jnp.zeros((16,), jnp.int32)])
            iv16 = 0.5 / jnp.maximum(c16, 1.0)
            plsc.store_scatter(inv, [ir + u * RU], iv16)

    plsc.subcore_barrier()

    @pl.loop(0, 40)
    def _(u):
        pltpu.sync_copy(zbuf, msg.at[pl.ds(s * 640 + u * 16, 16)])

    plsc.subcore_barrier()

    h_ins = [h0, ha, hb, ha]
    h_outs = [ha, hb, ha, hb]
    for si in range(4):
        hi = h_ins[si]
        ho = h_outs[si]

        @pl.loop(0, G_CH)
        def _(g, hi=hi):
            e0 = (s * G_CH + g) * CH
            pltpu.sync_copy(src2.at[c, pl.ds(e0, CH)], sidx)
            pltpu.sync_copy(dstp.at[pl.ds(e0, CH)], didx.at[0])
            pltpu.async_copy(hi.at[sidx], rbuf, sem).wait()
            pltpu.sync_copy(rbuf, msg.at[didx.at[0]], add=True)

        plsc.subcore_barrier()

        @pl.loop(0, 5)
        def _(u, hi=hi, ho=ho):
            row0 = s * ROWS_T + u * RU
            grow0 = c * NP + row0
            pltpu.sync_copy(msg.at[pl.ds(row0, RU)], rbuf)
            pltpu.sync_copy(hi.at[pl.ds(grow0, RU)], hbuf)

            @pl.loop(0, RU)
            def _(r, u=u):
                ivv = plsc.load_gather(
                    inv, [jnp.full((16,), u * RU + r, jnp.int32)])
                for k in range(8):
                    sl = pl.ds(k * 16, 16)
                    hbuf[r, sl] = hbuf[r, sl] * 0.5 + rbuf[r, sl] * ivv

            pltpu.sync_copy(hbuf, ho.at[pl.ds(grow0, RU)])

            @pl.loop(0, 8)
            def _(j, row0=row0):
                pltpu.sync_copy(zbuf, msg.at[pl.ds(row0 + j * 16, 16)])

        plsc.subcore_barrier()


def _sc_mpnn(h0, src2, dstp):
    mesh = plsc.VectorSubcoreMesh(core_axis_name="c", subcore_axis_name="s")
    f32 = jnp.float32
    cp = pltpu.CompilerParams()
    if "needs_layout_passes" in pltpu.CompilerParams.__dataclass_fields__:
        cp = dataclasses.replace(cp, needs_layout_passes=False)
    kern = pl.kernel(
        _sc_body,
        out_type=[jax.ShapeDtypeStruct((2 * NP, DH), f32),
                  jax.ShapeDtypeStruct((2 * NP, DH), f32)],
        mesh=mesh,
        scratch_types=[
            pltpu.VMEM_SHARED((NP, DH), f32),
            pltpu.VMEM((CH,), jnp.int32),
            pltpu.VMEM((1, CH), jnp.int32),
            pltpu.VMEM((CH, DH), f32),
            pltpu.VMEM((CH, DH), f32),
            pltpu.VMEM((16, DH), f32),
            pltpu.VMEM((640,), f32),
            pltpu.SemaphoreType.DMA,
        ],
        compiler_params=cp,
    )
    return kern(h0, src2, dstp)


def _s2s_body(h_ref, bcol_ref, wih_ref, whh_ref, b_ref, wp_ref, bp_ref,
              out_ref):
    f32 = jnp.float32
    bcol = bcol_ref[...]
    valid = bcol < NG
    hm0 = jnp.where(valid, h_ref[:NP], 0.0)
    hm1 = jnp.where(valid, h_ref[NP:], 0.0)
    gid = lax.broadcasted_iota(jnp.int32, (NP, NG), 1)
    P = (bcol == gid).astype(f32)

    q_star = jnp.zeros((NG, 512), f32)
    hl = jnp.zeros((NG, 256), f32)
    cl = jnp.zeros((NG, 256), f32)
    dn00 = (((0,), (0,)), ((), ()))
    dn11 = (((1,), (1,)), ((), ()))
    for _ in range(3):
        gates = (jnp.dot(q_star, wih_ref[...], preferred_element_type=f32)
                 + jnp.dot(hl, whh_ref[...], preferred_element_type=f32)
                 + b_ref[...])
        i_g = jax.nn.sigmoid(gates[:, 0:256])
        f_g = jax.nn.sigmoid(gates[:, 256:512])
        g_g = jnp.tanh(gates[:, 512:768])
        o_g = jax.nn.sigmoid(gates[:, 768:1024])
        cl = f_g * cl + i_g * g_g
        hl = o_g * jnp.tanh(cl)

        qb0 = jnp.dot(P, hl[:, :128], preferred_element_type=f32)
        qb1 = jnp.dot(P, hl[:, 128:], preferred_element_type=f32)
        e = (jnp.sum(hm0 * qb0, axis=1, keepdims=True)
             + jnp.sum(hm1 * qb1, axis=1, keepdims=True))
        em = jnp.where(P > 0, e, -1e30)
        m = jnp.max(em, axis=0, keepdims=True)
        mb = lax.dot_general(P, m, dn11,
                             preferred_element_type=f32)
        a = jnp.exp(e - mb)
        d = lax.dot_general(P, a, dn00,
                            preferred_element_type=f32)
        r0 = lax.dot_general(P, a * hm0, dn00,
                             preferred_element_type=f32)
        r1 = lax.dot_general(P, a * hm1, dn00,
                             preferred_element_type=f32)
        r = jnp.concatenate([r0, r1], axis=1) / jnp.maximum(d, 1e-30)
        q_star = jnp.concatenate([hl, r], axis=1)

    out_ref[...] = (jnp.dot(q_star, wp_ref[...], preferred_element_type=f32)
                    + bp_ref[...])


def _tc_s2s(h4, bcol, wih_t, whh_t, bsum, wp_t, bp):
    return pl.pallas_call(
        _s2s_body,
        out_shape=jax.ShapeDtypeStruct((NG, 1), jnp.float32),
    )(h4, bcol, wih_t, whh_t, bsum, wp_t, bp)


def kernel(x, edge_index, batch, W_in, b_in, W_ih, W_hh, b_ih, b_hh,
           W_pred, b_pred):
    i32 = jnp.int32
    src = edge_index[0].astype(i32)
    dst = edge_index[1].astype(i32)
    srcp = jnp.concatenate([src, jnp.zeros((E_PAD - E,), i32)])
    dstp = jnp.concatenate([dst, jnp.full((E_PAD - E,), DUMMY, i32)])
    src2 = jnp.stack([srcp, srcp + NP])

    xp = jnp.pad(x, ((0, NP - N), (0, 0)))
    w_stack = W_in.reshape(2, 128, 128).transpose(0, 2, 1)
    b_stack = b_in.reshape(2, 1, 128)
    h0 = _tc_linear(xp, w_stack, b_stack)

    _, h4 = _sc_mpnn(h0, src2, dstp)

    bcol = jnp.pad(batch.astype(i32), (0, NP - N),
                   constant_values=NG).reshape(NP, 1)
    wih_t = W_ih.T
    whh_t = W_hh.T
    bsum = (b_ih + b_hh).reshape(1, 4 * 256)
    wp_t = W_pred.T
    bp = b_pred.reshape(1, 1)
    return _tc_s2s(h4, bcol, wih_t, whh_t, bsum, wp_t, bp)

# --- scband reference (transcript-rebuilt; emitter-appended) ---
"""Pipeline reference for scband-model-6725918785814 (READ-ONLY COPY).

The authoritative reference and input builder live on the scoring server;
editing this copy changes nothing except your own understanding.
"""

import jax, jax.numpy as jnp
import numpy as np

N_NODES = 10000
N_EDGES = 320000
D_IN = 128
D_HID = 256
MPNN_STEPS = 4
S2S_STEPS = 3
NUM_GRAPHS = 64


def setup_inputs(seed: int = 0) -> dict:
    key = jax.random.key(seed)
    ks = jax.random.split(key, 12)
    x = jax.random.normal(ks[0], (N_NODES, D_IN), dtype=jnp.float32)
    edge_index = jax.random.randint(ks[1], (2, N_EDGES), 0, N_NODES, dtype=jnp.int64)
    batch = jnp.sort(jax.random.randint(ks[2], (N_NODES,), 0, NUM_GRAPHS, dtype=jnp.int64))
    # input layer Linear(D_IN, D_HID)
    W_in = jax.random.normal(ks[3], (D_HID, D_IN), dtype=jnp.float32) * (1.0 / np.sqrt(D_IN))
    b_in = jax.random.normal(ks[4], (D_HID,), dtype=jnp.float32) * 0.01
    # Set2Set LSTM: input 2*D_HID, hidden D_HID, gate order i,f,g,o
    W_ih = jax.random.normal(ks[5], (4 * D_HID, 2 * D_HID), dtype=jnp.float32) * (1.0 / np.sqrt(2 * D_HID))
    W_hh = jax.random.normal(ks[6], (4 * D_HID, D_HID), dtype=jnp.float32) * (1.0 / np.sqrt(D_HID))
    b_ih = jax.random.normal(ks[7], (4 * D_HID,), dtype=jnp.float32) * 0.01
    b_hh = jax.random.normal(ks[8], (4 * D_HID,), dtype=jnp.float32) * 0.01
    # prediction layer Linear(2*D_HID, 1)
    W_pred = jax.random.normal(ks[9], (1, 2 * D_HID), dtype=jnp.float32) * (1.0 / np.sqrt(2 * D_HID))
    b_pred = jax.random.normal(ks[10], (1,), dtype=jnp.float32) * 0.01
    return {"x": x, "edge_index": edge_index, "batch": batch, "W_in": W_in, "b_in": b_in,
            "W_ih": W_ih, "W_hh": W_hh, "b_ih": b_ih, "b_hh": b_hh, "W_pred": W_pred, "b_pred": b_pred}


def reference(x, edge_index, batch, W_in, b_in, W_ih, W_hh, b_ih, b_hh, W_pred, b_pred):
    h = jax.nn.relu(x @ W_in.T + b_in)
    src = edge_index[0]
    dst = edge_index[1]
    # MPNN: mean-aggregate x_j over incoming edges, update x = (x + msg) / 2
    ones = jnp.ones((src.shape[0],), dtype=h.dtype)
    cnt = jax.ops.segment_sum(ones, dst, num_segments=N_NODES)
    cnt = jnp.maximum(cnt, 1.0)[:, None]
    for _ in range(MPNN_STEPS):
        msg = jax.ops.segment_sum(h[src], dst, num_segments=N_NODES)
        msg = msg / cnt
        h = (h + msg) / 2.0
    # Set2Set readout
    dim = D_HID
    q_star = jnp.zeros((NUM_GRAPHS, 2 * dim), dtype=h.dtype)
    h_lstm = jnp.zeros((NUM_GRAPHS, dim), dtype=h.dtype)
    c_lstm = jnp.zeros((NUM_GRAPHS, dim), dtype=h.dtype)
    for _ in range(S2S_STEPS):
        gates = q_star @ W_ih.T + b_ih + h_lstm @ W_hh.T + b_hh
        i_g = jax.nn.sigmoid(gates[:, 0:dim])
        f_g = jax.nn.sigmoid(gates[:, dim:2 * dim])
        g_g = jnp.tanh(gates[:, 2 * dim:3 * dim])
        o_g = jax.nn.sigmoid(gates[:, 3 * dim:4 * dim])
        c_lstm = f_g * c_lstm + i_g * g_g
        h_lstm = o_g * jnp.tanh(c_lstm)
        q = h_lstm
        e = jnp.sum(h * q[batch], axis=-1)
        m = jax.ops.segment_max(e, batch, num_segments=NUM_GRAPHS)
        a = jnp.exp(e - m[batch])
        denom = jax.ops.segment_sum(a, batch, num_segments=NUM_GRAPHS)
        a = a / denom[batch]
        r = jax.ops.segment_sum(a[:, None] * h, batch, num_segments=NUM_GRAPHS)
        q_star = jnp.concatenate([q, r], axis=1)
    out = q_star @ W_pred.T + b_pred
    return out

if __name__ == "__main__":
    import jax
    _d = setup_inputs()
    print(jax.jit(kernel)(*tuple(_d.values())))

</pallas_src>

<mosaic_0001>
#map = affine_map<(d0, d1) -> (0, 0)>
#map1 = affine_map<(d0, d1) -> (0)>
module attributes {stable_mosaic.version = 14 : i64} {
  func.func @_sc_body(%arg0: i32, %arg1: i32, %arg2: memref<20480x128xf32, #tpu.memory_space<hbm>>, %arg3: memref<2x321536xi32, #tpu.memory_space<hbm>>, %arg4: memref<321536xi32, #tpu.memory_space<hbm>>, %arg5: memref<20480x128xf32, #tpu.memory_space<hbm>>, %arg6: memref<20480x128xf32, #tpu.memory_space<hbm>>, %arg7: memref<10240x128xf32, #tpu.memory_space<vmem_shared>>, %arg8: memref<128xi32, #tpu.memory_space<vmem>>, %arg9: memref<1x128xi32, #tpu.memory_space<vmem>>, %arg10: memref<128x128xf32, #tpu.memory_space<vmem>>, %arg11: memref<128x128xf32, #tpu.memory_space<vmem>>, %arg12: memref<16x128xf32, #tpu.memory_space<vmem>>, %arg13: memref<640xf32, #tpu.memory_space<vmem>>, %arg14: memref<!tpu.dma_semaphore, #tpu.memory_space<semaphore_mem>>) attributes {dimension_semantics = [#tpu.dimension_semantics<core_parallel>, #tpu.dimension_semantics<subcore_parallel>], iteration_bounds = array<i64: 2, 16>, scalar_prefetch = 0 : i64, scratch_operands = 8 : i64, tpu.core_type = #tpu.core_type<sc_vector_subcore>, window_params = [{transform_indices = #map}, {transform_indices = #map}, {transform_indices = #map1}, {transform_indices = #map}, {transform_indices = #map}]} {
    %scan3A = arith.constant 0 : i32
    %scan3A_0 = arith.constant 128 : i32
    %scan3A_1 = arith.addi %scan3A, %scan3A_0 : i32
    %scan3A_2 = arith.constant 1 : i32
    scf.for %scan3A_80 = %scan3A to %scan3A_1 step %scan3A_2  : i32 {
      %mul3A = arith.constant 1 : i32
      %mul3A_81 = arith.muli %scan3A_80, %mul3A : i32
      %add3A = arith.constant 0 : i32
      %add3A_82 = arith.addi %add3A, %mul3A_81 : i32
      %broadcast_in_dim3A = arith.constant 1.000000e+00 : f32
      %broadcast_in_dim3A_83 = vector.broadcast %broadcast_in_dim3A : f32 to vector<16xf32>
      %swap3A = arith.index_cast %add3A_82 : i32 to index
      %swap3A_84 = arith.constant 0 : index
      %swap3A_85 = tpu.vector_load %arg10[%swap3A, %swap3A_84] {strides = array<i32>} : memref<128x128xf32, #tpu.memory_space<vmem>>, vector<16xf32>,
      tpu.vector_store %arg10[%swap3A, %swap3A_84], %broadcast_in_dim3A_83 {strides = array<i32>} : memref<128x128xf32, #tpu.memory_space<vmem>>, vector<16xf32>,
      %broadcast_in_dim3A_86 = arith.constant 1.000000e+00 : f32
      %broadcast_in_dim3A_87 = vector.broadcast %broadcast_in_dim3A_86 : f32 to vector<16xf32>
      %swap3A_88 = arith.index_cast %add3A_82 : i32 to index
      %swap3A_89 = arith.constant 16 : index
      %swap3A_90 = tpu.vector_load %arg10[%swap3A_88, %swap3A_89] {strides = array<i32>} : memref<128x128xf32, #tpu.memory_space<vmem>>, vector<16xf32>,
      tpu.vector_store %arg10[%swap3A_88, %swap3A_89], %broadcast_in_dim3A_87 {strides = array<i32>} : memref<128x128xf32, #tpu.memory_space<vmem>>, vector<16xf32>,
      %broadcast_in_dim3A_91 = arith.constant 1.000000e+00 : f32
      %broadcast_in_dim3A_92 = vector.broadcast %broadcast_in_dim3A_91 : f32 to vector<16xf32>
      %swap3A_93 = arith.index_cast %add3A_82 : i32 to index
      %swap3A_94 = arith.constant 32 : index
      %swap3A_95 = tpu.vector_load %arg10[%swap3A_93, %swap3A_94] {strides = array<i32>} : memref<128x128xf32, #tpu.memory_space<vmem>>, vector<16xf32>,
      tpu.vector_store %arg10[%swap3A_93, %swap3A_94], %broadcast_in_dim3A_92 {strides = array<i32>} : memref<128x128xf32, #tpu.memory_space<vmem>>, vector<16xf32>,
      %broadcast_in_dim3A_96 = arith.constant 1.000000e+00 : f32
      %broadcast_in_dim3A_97 = vector.broadcast %broadcast_in_dim3A_96 : f32 to vector<16xf32>
      %swap3A_98 = arith.index_cast %add3A_82 : i32 to index
      %swap3A_99 = arith.constant 48 : index
      %swap3A_100 = tpu.vector_load %arg10[%swap3A_98, %swap3A_99] {strides = array<i32>} : memref<128x128xf32, #tpu.memory_space<vmem>>, vector<16xf32>,
      tpu.vector_store %arg10[%swap3A_98, %swap3A_99], %broadcast_in_dim3A_97 {strides = array<i32>} : memref<128x128xf32, #tpu.memory_space<vmem>>, vector<16xf32>,
      %broadcast_in_dim3A_101 = arith.constant 1.000000e+00 : f32
      %broadcast_in_dim3A_102 = vector.broadcast %broadcast_in_dim3A_101 : f32 to vector<16xf32>
      %swap3A_103 = arith.index_cast %add3A_82 : i32 to index
      %swap3A_104 = arith.constant 64 : index
      %swap3A_105 = tpu.vector_load %arg10[%swap3A_103, %swap3A_104] {strides = array<i32>} : memref<128x128xf32, #tpu.memory_space<vmem>>, vector<16xf32>,
      tpu.vector_store %arg10[%swap3A_103, %swap3A_104], %broadcast_in_dim3A_102 {strides = array<i32>} : memref<128x128xf32, #tpu.memory_space<vmem>>, vector<16xf32>,
      %broadcast_in_dim3A_106 = arith.constant 1.000000e+00 : f32
      %broadcast_in_dim3A_107 = vector.broadcast %broadcast_in_dim3A_106 : f32 to vector<16xf32>
      %swap3A_108 = arith.index_cast %add3A_82 : i32 to index
      %swap3A_109 = arith.constant 80 : index
      %swap3A_110 = tpu.vector_load %arg10[%swap3A_108, %swap3A_109] {strides = array<i32>} : memref<128x128xf32, #tpu.memory_space<vmem>>, vector<16xf32>,
      tpu.vector_store %arg10[%swap3A_108, %swap3A_109], %broadcast_in_dim3A_107 {strides = array<i32>} : memref<128x128xf32, #tpu.memory_space<vmem>>, vector<16xf32>,
      %broadcast_in_dim3A_111 = arith.constant 1.000000e+00 : f32
      %broadcast_in_dim3A_112 = vector.broadcast %broadcast_in_dim3A_111 : f32 to vector<16xf32>
      %swap3A_113 = arith.index_cast %add3A_82 : i32 to index
      %swap3A_114 = arith.constant 96 : index
      %swap3A_115 = tpu.vector_load %arg10[%swap3A_113, %swap3A_114] {strides = array<i32>} : memref<128x128xf32, #tpu.memory_space<vmem>>, vector<16xf32>,
      tpu.vector_store %arg10[%swap3A_113, %swap3A_114], %broadcast_in_dim3A_112 {strides = array<i32>} : memref<128x128xf32, #tpu.memory_space<vmem>>, vector<16xf32>,
      %broadcast_in_dim3A_116 = arith.constant 1.000000e+00 : f32
      %broadcast_in_dim3A_117 = vector.broadcast %broadcast_in_dim3A_116 : f32 to vector<16xf32>
      %swap3A_118 = arith.index_cast %add3A_82 : i32 to index
      %swap3A_119 = arith.constant 112 : index
      %swap3A_120 = tpu.vector_load %arg10[%swap3A_118, %swap3A_119] {strides = array<i32>} : memref<128x128xf32, #tpu.memory_space<vmem>>, vector<16xf32>,
      tpu.vector_store %arg10[%swap3A_118, %swap3A_119], %broadcast_in_dim3A_117 {strides = array<i32>} : memref<128x128xf32, #tpu.memory_space<vmem>>, vector<16xf32>,
    }
    %scan3A_3 = arith.constant 128 : i32
    %scan3A_4 = arith.constant 0 : i32
    %scan3A_5 = arith.constant 16 : i32
    %scan3A_6 = arith.addi %scan3A_4, %scan3A_5 : i32
    %scan3A_7 = arith.constant 1 : i32
    scf.for %scan3A_80 = %scan3A_4 to %scan3A_6 step %scan3A_7  : i32 {
      %mul3A = arith.constant 1 : i32
      %mul3A_81 = arith.muli %scan3A_80, %mul3A : i32
      %add3A = arith.constant 0 : i32
      %add3A_82 = arith.addi %add3A, %mul3A_81 : i32
      %broadcast_in_dim3A = arith.constant 0.000000e+00 : f32
      %broadcast_in_dim3A_83 = vector.broadcast %broadcast_in_dim3A : f32 to vector<16xf32>
      %swap3A = arith.index_cast %add3A_82 : i32 to index
      %swap3A_84 = arith.constant 0 : index
      %swap3A_85 = tpu.vector_load %arg12[%swap3A, %swap3A_84] {strides = array<i32>} : memref<16x128xf32, #tpu.memory_space<vmem>>, vector<16xf32>,
      tpu.vector_store %arg12[%swap3A, %swap3A_84], %broadcast_in_dim3A_83 {strides = array<i32>} : memref<16x128xf32, #tpu.memory_space<vmem>>, vector<16xf32>,
      %broadcast_in_dim3A_86 = arith.constant 0.000000e+00 : f32
      %broadcast_in_dim3A_87 = vector.broadcast %broadcast_in_dim3A_86 : f32 to vector<16xf32>
      %swap3A_88 = arith.index_cast %add3A_82 : i32 to index
      %swap3A_89 = arith.constant 16 : index
      %swap3A_90 = tpu.vector_load %arg12[%swap3A_88, %swap3A_89] {strides = array<i32>} : memref<16x128xf32, #tpu.memory_space<vmem>>, vector<16xf32>,
      tpu.vector_store %arg12[%swap3A_88, %swap3A_89], %broadcast_in_dim3A_87 {strides = array<i32>} : memref<16x128xf32, #tpu.memory_space<vmem>>, vector<16xf32>,
      %broadcast_in_dim3A_91 = arith.constant 0.000000e+00 : f32
      %broadcast_in_dim3A_92 = vector.broadcast %broadcast_in_dim3A_91 : f32 to vector<16xf32>
      %swap3A_93 = arith.index_cast %add3A_82 : i32 to index
      %swap3A_94 = arith.constant 32 : index
      %swap3A_95 = tpu.vector_load %arg12[%swap3A_93, %swap3A_94] {strides = array<i32>} : memref<16x128xf32, #tpu.memory_space<vmem>>, vector<16xf32>,
      tpu.vector_store %arg12[%swap3A_93, %swap3A_94], %broadcast_in_dim3A_92 {strides = array<i32>} : memref<16x128xf32, #tpu.memory_space<vmem>>, vector<16xf32>,
      %broadcast_in_dim3A_96 = arith.constant 0.000000e+00 : f32
      %broadcast_in_dim3A_97 = vector.broadcast %broadcast_in_dim3A_96 : f32 to vector<16xf32>
      %swap3A_98 = arith.index_cast %add3A_82 : i32 to index
      %swap3A_99 = arith.constant 48 : index
      %swap3A_100 = tpu.vector_load %arg12[%swap3A_98, %swap3A_99] {strides = array<i32>} : memref<16x128xf32, #tpu.memory_space<vmem>>, vector<16xf32>,
      tpu.vector_store %arg12[%swap3A_98, %swap3A_99], %broadcast_in_dim3A_97 {strides = array<i32>} : memref<16x128xf32, #tpu.memory_space<vmem>>, vector<16xf32>,
      %broadcast_in_dim3A_101 = arith.constant 0.000000e+00 : f32
      %broadcast_in_dim3A_102 = vector.broadcast %broadcast_in_dim3A_101 : f32 to vector<16xf32>
      %swap3A_103 = arith.index_cast %add3A_82 : i32 to index
      %swap3A_104 = arith.constant 64 : index
      %swap3A_105 = tpu.vector_load %arg12[%swap3A_103, %swap3A_104] {strides = array<i32>} : memref<16x128xf32, #tpu.memory_space<vmem>>, vector<16xf32>,
      tpu.vector_store %arg12[%swap3A_103, %swap3A_104], %broadcast_in_dim3A_102 {strides = array<i32>} : memref<16x128xf32, #tpu.memory_space<vmem>>, vector<16xf32>,
      %broadcast_in_dim3A_106 = arith.constant 0.000000e+00 : f32
      %broadcast_in_dim3A_107 = vector.broadcast %broadcast_in_dim3A_106 : f32 to vector<16xf32>
      %swap3A_108 = arith.index_cast %add3A_82 : i32 to index
      %swap3A_109 = arith.constant 80 : index
      %swap3A_110 = tpu.vector_load %arg12[%swap3A_108, %swap3A_109] {strides = array<i32>} : memref<16x128xf32, #tpu.memory_space<vmem>>, vector<16xf32>,
      tpu.vector_store %arg12[%swap3A_108, %swap3A_109], %broadcast_in_dim3A_107 {strides = array<i32>} : memref<16x128xf32, #tpu.memory_space<vmem>>, vector<16xf32>,
      %broadcast_in_dim3A_111 = arith.constant 0.000000e+00 : f32
      %broadcast_in_dim3A_112 = vector.broadcast %broadcast_in_dim3A_111 : f32 to vector<16xf32>
      %swap3A_113 = arith.index_cast %add3A_82 : i32 to index
      %swap3A_114 = arith.constant 96 : index
      %swap3A_115 = tpu.vector_load %arg12[%swap3A_113, %swap3A_114] {strides = array<i32>} : memref<16x128xf32, #tpu.memory_space<vmem>>, vector<16xf32>,
      tpu.vector_store %arg12[%swap3A_113, %swap3A_114], %broadcast_in_dim3A_112 {strides = array<i32>} : memref<16x128xf32, #tpu.memory_space<vmem>>, vector<16xf32>,
      %broadcast_in_dim3A_116 = arith.constant 0.000000e+00 : f32
      %broadcast_in_dim3A_117 = vector.broadcast %broadcast_in_dim3A_116 : f32 to vector<16xf32>
      %swap3A_118 = arith.index_cast %add3A_82 : i32 to index
      %swap3A_119 = arith.constant 112 : index
      %swap3A_120 = tpu.vector_load %arg12[%swap3A_118, %swap3A_119] {strides = array<i32>} : memref<16x128xf32, #tpu.memory_space<vmem>>, vector<16xf32>,
      tpu.vector_store %arg12[%swap3A_118, %swap3A_119], %broadcast_in_dim3A_117 {strides = array<i32>} : memref<16x128xf32, #tpu.memory_space<vmem>>, vector<16xf32>,
    }
    %scan3A_8 = arith.constant 16 : i32
    %scan3A_9 = arith.constant 0 : i32
    %scan3A_10 = arith.constant 40 : i32
    %scan3A_11 = arith.addi %scan3A_9, %scan3A_10 : i32
    %scan3A_12 = arith.constant 1 : i32
    scf.for %scan3A_80 = %scan3A_9 to %scan3A_11 step %scan3A_12  : i32 {
      %mul3A = arith.constant 1 : i32
      %mul3A_81 = arith.muli %scan3A_80, %mul3A : i32
      %add3A = arith.constant 0 : i32
      %add3A_82 = arith.addi %add3A, %mul3A_81 : i32
      %mul3A_83 = arith.constant 640 : i32
      %mul3A_84 = arith.muli %arg1, %mul3A_83 : i32
      %mul3A_85 = arith.constant 16 : i32
      %mul3A_86 = arith.muli %add3A_82, %mul3A_85 : i32
      %add3A_87 = arith.addi %mul3A_84, %mul3A_86 : i32
      "tpu.region"() ({
        %run_scoped3A = tpu.sem_alloc : memref<!tpu.dma_semaphore, #tpu.memory_space<semaphore_mem>>
        %dma_start3A = arith.constant 0 : i32
        %dma_start3A_88 = tpu.memref_slice %arg7[%add3A_87, %dma_start3A] : memref<10240x128xf32, #tpu.memory_space<vmem_shared>> -> memref<16x128xf32, #tpu.memory_space<vmem_shared>>
        %dma_start3A_89 = arith.constant 0 : i32
        %dma_start3A_90 = tpu.memref_slice %arg7[%add3A_87, %dma_start3A_89] : memref<10240x128xf32, #tpu.memory_space<vmem_shared>> -> memref<16x128xf32, #tpu.memory_space<vmem_shared>>
        tpu.enqueue_dma source(%arg12 : memref<16x128xf32, #tpu.memory_space<vmem>>) target(%dma_start3A_90 : memref<16x128xf32, #tpu.memory_space<vmem_shared>>) target_semaphore(%run_scoped3A : memref<!tpu.dma_semaphore, #tpu.memory_space<semaphore_mem>>)
        %dma_wait3A = arith.constant 0 : i32
        %dma_wait3A_91 = tpu.memref_slice %arg7[%add3A_87, %dma_wait3A] : memref<10240x128xf32, #tpu.memory_space<vmem_shared>> -> memref<16x128xf32, #tpu.memory_space<vmem_shared>>
        %dma_wait3A_92 = arith.constant 0 : i32
        %dma_wait3A_93 = tpu.memref_slice %arg7[%add3A_87, %dma_wait3A_92] : memref<10240x128xf32, #tpu.memory_space<vmem_shared>> -> memref<16x128xf32, #tpu.memory_space<vmem_shared>>
        tpu.wait_dma2 semaphore(%run_scoped3A : memref<!tpu.dma_semaphore, #tpu.memory_space<semaphore_mem>>) src(%arg12 : memref<16x128xf32, #tpu.memory_space<vmem>>) dst(%dma_wait3A_93 : memref<16x128xf32, #tpu.memory_space<vmem_shared>>)
        tpu.yield
      }) : () -> ()
    }
    %scan3A_13 = arith.constant 40 : i32
    %barrier3A = arith.constant 0 : index
    tpu.barrier barrier_id(%barrier3A)
    %scan3A_14 = arith.constant 0 : i32
    %scan3A_15 = arith.constant 157 : i32
    %scan3A_16 = arith.addi %scan3A_14, %scan3A_15 : i32
    %scan3A_17 = arith.constant 1 : i32
    scf.for %scan3A_80 = %scan3A_14 to %scan3A_16 step %scan3A_17  : i32 {
      %mul3A = arith.constant 1 : i32
      %mul3A_81 = arith.muli %scan3A_80, %mul3A : i32
      %add3A = arith.constant 0 : i32
      %add3A_82 = arith.addi %add3A, %mul3A_81 : i32
      %mul3A_83 = arith.constant 157 : i32
      %mul3A_84 = arith.muli %arg1, %mul3A_83 : i32
      %add3A_85 = arith.addi %mul3A_84, %add3A_82 : i32
      %mul3A_86 = arith.constant 128 : i32
      %mul3A_87 = arith.muli %add3A_85, %mul3A_86 : i32
      %run_scoped3A = arith.constant 0 : i32
      "tpu.region"() ({
        %run_scoped3A_89 = tpu.sem_alloc : memref<!tpu.dma_semaphore, #tpu.memory_space<semaphore_mem>>
        %dma_start3A = arith.constant 0 : i32
        %dma_start3A_90 = tpu.memref_slice %arg9[%run_scoped3A, %dma_start3A] : memref<1x128xi32, #tpu.memory_space<vmem>> -> memref<1x128xi32, #tpu.memory_space<vmem>>
        %dma_start3A_91 = tpu.memref_squeeze %dma_start3A_90 : memref<1x128xi32, #tpu.memory_space<vmem>> -> memref<128xi32, #tpu.memory_space<vmem>>
        %dma_start3A_92 = tpu.memref_slice %arg4[%mul3A_87] : memref<321536xi32, #tpu.memory_space<hbm>> -> memref<128xi32, #tpu.memory_space<hbm>>
        %dma_start3A_93 = arith.constant 0 : i32
        %dma_start3A_94 = tpu.memref_slice %arg9[%run_scoped3A, %dma_start3A_93] : memref<1x128xi32, #tpu.memory_space<vmem>> -> memref<1x128xi32, #tpu.memory_space<vmem>>
        %dma_start3A_95 = tpu.memref_squeeze %dma_start3A_94 : memref<1x128xi32, #tpu.memory_space<vmem>> -> memref<128xi32, #tpu.memory_space<vmem>>
        %dma_start3A_96 = tpu.memref_slice %arg4[%mul3A_87] : memref<321536xi32, #tpu.memory_space<hbm>> -> memref<128xi32, #tpu.memory_space<hbm>>
        tpu.enqueue_dma source(%dma_start3A_96 : memref<128xi32, #tpu.memory_space<hbm>>) target(%dma_start3A_95 : memref<128xi32, #tpu.memory_space<vmem>>) target_semaphore(%run_scoped3A_89 : memref<!tpu.dma_semaphore, #tpu.memory_space<semaphore_mem>>)
        %dma_wait3A = arith.constant 0 : i32
        %dma_wait3A_97 = tpu.memref_slice %arg9[%run_scoped3A, %dma_wait3A] : memref<1x128xi32, #tpu.memory_space<vmem>> -> memref<1x128xi32, #tpu.memory_space<vmem>>
        %dma_wait3A_98 = tpu.memref_squeeze %dma_wait3A_97 : memref<1x128xi32, #tpu.memory_space<vmem>> -> memref<128xi32, #tpu.memory_space<vmem>>
        %dma_wait3A_99 = tpu.memref_slice %arg4[%mul3A_87] : memref<321536xi32, #tpu.memory_space<hbm>> -> memref<128xi32, #tpu.memory_space<hbm>>
        %dma_wait3A_100 = arith.constant 0 : i32
        %dma_wait3A_101 = tpu.memref_slice %arg9[%run_scoped3A, %dma_wait3A_100] : memref<1x128xi32, #tpu.memory_space<vmem>> -> memref<1x128xi32, #tpu.memory_space<vmem>>
        %dma_wait3A_102 = tpu.memref_squeeze %dma_wait3A_101 : memref<1x128xi32, #tpu.memory_space<vmem>> -> memref<128xi32, #tpu.memory_space<vmem>>
        %dma_wait3A_103 = tpu.memref_slice %arg4[%mul3A_87] : memref<321536xi32, #tpu.memory_space<hbm>> -> memref<128xi32, #tpu.memory_space<hbm>>
        tpu.wait_dma2 semaphore(%run_scoped3A_89 : memref<!tpu.dma_semaphore, #tpu.memory_space<semaphore_mem>>) src(%dma_wait3A_103 : memref<128xi32, #tpu.memory_space<hbm>>) dst(%dma_wait3A_102 : memref<128xi32, #tpu.memory_space<vmem>>)
        tpu.yield
      }) : () -> ()
      %run_scoped3A_88 = arith.constant 0 : i32
      "tpu.region"() ({
        %run_scoped3A_89 = tpu.sem_alloc : memref<!tpu.dma_semaphore, #tpu.memory_space<semaphore_mem>>
        %dma_start3A = arith.constant 0 : i32
        %dma_start3A_90 = tpu.memref_slice %arg9[%run_scoped3A_88, %dma_start3A] : memref<1x128xi32, #tpu.memory_space<vmem>> -> memref<1x128xi32, #tpu.memory_space<vmem>>
        %dma_start3A_91 = tpu.memref_squeeze %dma_start3A_90 : memref<1x128xi32, #tpu.memory_space<vmem>> -> memref<128xi32, #tpu.memory_space<vmem>>
        %dma_start3A_92 = arith.constant 0 : i32
        %dma_start3A_93 = arith.constant 0 : i32
        %dma_start3A_94 = tpu.memref_slice %arg7[%dma_start3A_92, %dma_start3A_93] : memref<10240x128xf32, #tpu.memory_space<vmem_shared>> -> memref<10240x128xf32, #tpu.memory_space<vmem_shared>>
        tpu.enqueue_indirect_dma source(%arg10 : memref<128x128xf32, #tpu.memory_space<vmem>>) target(%dma_start3A_94 : memref<10240x128xf32, #tpu.memory_space<vmem_shared>>) offsets(%dma_start3A_91 : memref<128xi32, #tpu.memory_space<vmem>>) semaphore(%run_scoped3A_89 : memref<!tpu.dma_semaphore, #tpu.memory_space<semaphore_mem>>) {add = true}
        %dma_wait3A = arith.constant 0 : i32
        %dma_wait3A_95 = tpu.memref_slice %arg9[%run_scoped3A_88, %dma_wait3A] : memref<1x128xi32, #tpu.memory_space<vmem>> -> memref<1x128xi32, #tpu.memory_space<vmem>>
        %dma_wait3A_96 = tpu.memref_squeeze %dma_wait3A_95 : memref<1x128xi32, #tpu.memory_space<vmem>> -> memref<128xi32, #tpu.memory_space<vmem>>
        %dma_wait3A_97 = arith.constant 0 : i32
        %dma_wait3A_98 = arith.constant 0 : i32
        %dma_wait3A_99 = tpu.memref_slice %arg7[%dma_wait3A_97, %dma_wait3A_98] : memref<10240x128xf32, #tpu.memory_space<vmem_shared>> -> memref<10240x128xf32, #tpu.memory_space<vmem_shared>>
        tpu.wait_indirect_dma semaphore(%run_scoped3A_89 : memref<!tpu.dma_semaphore, #tpu.memory_space<semaphore_mem>>) src(%arg10 : memref<128x128xf32, #tpu.memory_space<vmem>>) dst(%dma_wait3A_99 : memref<10240x128xf32, #tpu.memory_space<vmem_shared>>)
        tpu.yield
      }) : () -> ()
    }
    %scan3A_18 = arith.constant 157 : i32
    %barrier3A_19 = arith.constant 0 : index
    tpu.barrier barrier_id(%barrier3A_19)
    %scan3A_20 = arith.constant 0 : i32
    %scan3A_21 = arith.constant 5 : i32
    %scan3A_22 = arith.addi %scan3A_20, %scan3A_21 : i32
    %scan3A_23 = arith.constant 1 : i32
    scf.for %scan3A_80 = %scan3A_20 to %scan3A_22 step %scan3A_23  : i32 {
      %mul3A = arith.constant 1 : i32
      %mul3A_81 = arith.muli %scan3A_80, %mul3A : i32
      %add3A = arith.constant 0 : i32
      %add3A_82 = arith.addi %add3A, %mul3A_81 : i32
      %mul3A_83 = arith.constant 640 : i32
      %mul3A_84 = arith.muli %arg1, %mul3A_83 : i32
      %mul3A_85 = arith.constant 128 : i32
      %mul3A_86 = arith.muli %add3A_82, %mul3A_85 : i32
      %add3A_87 = arith.addi %mul3A_84, %mul3A_86 : i32
      "tpu.region"() ({
        %run_scoped3A = tpu.sem_alloc : memref<!tpu.dma_semaphore, #tpu.memory_space<semaphore_mem>>
        %dma_start3A = arith.constant 0 : i32
        %dma_start3A_93 = tpu.memref_slice %arg7[%add3A_87, %dma_start3A] : memref<10240x128xf32, #tpu.memory_space<vmem_shared>> -> memref<128x128xf32, #tpu.memory_space<vmem_shared>>
        %dma_start3A_94 = arith.constant 0 : i32
        %dma_start3A_95 = tpu.memref_slice %arg7[%add3A_87, %dma_start3A_94] : memref<10240x128xf32, #tpu.memory_space<vmem_shared>> -> memref<128x128xf32, #tpu.memory_space<vmem_shared>>
        tpu.enqueue_dma source(%dma_start3A_95 : memref<128x128xf32, #tpu.memory_space<vmem_shared>>) target(%arg10 : memref<128x128xf32, #tpu.memory_space<vmem>>) target_semaphore(%run_scoped3A : memref<!tpu.dma_semaphore, #tpu.memory_space<semaphore_mem>>)
        %dma_wait3A = arith.constant 0 : i32
        %dma_wait3A_96 = tpu.memref_slice %arg7[%add3A_87, %dma_wait3A] : memref<10240x128xf32, #tpu.memory_space<vmem_shared>> -> memref<128x128xf32, #tpu.memory_space<vmem_shared>>
        %dma_wait3A_97 = arith.constant 0 : i32
        %dma_wait3A_98 = tpu.memref_slice %arg7[%add3A_87, %dma_wait3A_97] : memref<10240x128xf32, #tpu.memory_space<vmem_shared>> -> memref<128x128xf32, #tpu.memory_space<vmem_shared>>
        tpu.wait_dma2 semaphore(%run_scoped3A : memref<!tpu.dma_semaphore, #tpu.memory_space<semaphore_mem>>) src(%dma_wait3A_98 : memref<128x128xf32, #tpu.memory_space<vmem_shared>>) dst(%arg10 : memref<128x128xf32, #tpu.memory_space<vmem>>)
        tpu.yield
      }) : () -> ()
      %scan3A_88 = arith.constant 0 : i32
      %scan3A_89 = arith.constant 8 : i32
      %scan3A_90 = arith.addi %scan3A_88, %scan3A_89 : i32
      %scan3A_91 = arith.constant 1 : i32
      scf.for %scan3A_93 = %scan3A_88 to %scan3A_90 step %scan3A_91  : i32 {
        %mul3A_94 = arith.constant 1 : i32
        %mul3A_95 = arith.muli %scan3A_93, %mul3A_94 : i32
        %add3A_96 = arith.constant 0 : i32
        %add3A_97 = arith.addi %add3A_96, %mul3A_95 : i32
        %iota3A = tpu.iota {dimensions = array<i32: 0>} : vector<16xi32>
        %mul3A_98 = arith.constant 16 : i32
        %mul3A_99 = arith.muli %add3A_97, %mul3A_98 : i32
        %add3A_100 = vector.broadcast %mul3A_99 : i32 to vector<16xi32>
        %add3A_101 = arith.addi %iota3A, %add3A_100 : vector<16xi32>
        %broadcast_in_dim3A = arith.constant 0 : i32
        %broadcast_in_dim3A_102 = vector.broadcast %broadcast_in_dim3A : i32 to vector<16xi32>
        %gather3A = tpu.vector_load_idx %arg10[%add3A_101, %broadcast_in_dim3A_102] : memref<128x128xf32, #tpu.memory_space<vmem>>[vector<16xi32>, vector<16xi32>], vector<16xf32>,
        %max3A = arith.constant 1.000000e+00 : f32
        %max3A_103 = vector.broadcast %max3A : f32 to vector<16xf32>
        %max3A_104 = arith.maximumf %gather3A, %max3A_103 : vector<16xf32>
        %div3A = arith.constant 5.000000e-01 : f32
        %div3A_105 = vector.broadcast %div3A : f32 to vector<16xf32>
        %div3A_106 = arith.divf %div3A_105, %max3A_104 : vector<16xf32>
        %mul3A_107 = arith.constant 128 : i32
        %mul3A_108 = arith.muli %add3A_82, %mul3A_107 : i32
        %add3A_109 = vector.broadcast %mul3A_108 : i32 to vector<16xi32>
        %add3A_110 = arith.addi %add3A_101, %add3A_109 : vector<16xi32>
        tpu.vector_store_idx %arg13[%add3A_110], %div3A_106 : memref<640xf32, #tpu.memory_space<vmem>>[vector<16xi32>], vector<16xf32>,
      }
      %scan3A_92 = arith.constant 8 : i32
    }
    %scan3A_24 = arith.constant 5 : i32
    %barrier3A_25 = arith.constant 0 : index
    tpu.barrier barrier_id(%barrier3A_25)
    %scan3A_26 = arith.constant 0 : i32
    %scan3A_27 = arith.constant 40 : i32
    %scan3A_28 = arith.addi %scan3A_26, %scan3A_27 : i32
    %scan3A_29 = arith.constant 1 : i32
    scf.for %scan3A_80 = %scan3A_26 to %scan3A_28 step %scan3A_29  : i32 {
      %mul3A = arith.constant 1 : i32
      %mul3A_81 = arith.muli %scan3A_80, %mul3A : i32
      %add3A = arith.constant 0 : i32
      %add3A_82 = arith.addi %add3A, %mul3A_81 : i32
      %mul3A_83 = arith.constant 640 : i32
      %mul3A_84 = arith.muli %arg1, %mul3A_83 : i32
      %mul3A_85 = arith.constant 16 : i32
      %mul3A_86 = arith.muli %add3A_82, %mul3A_85 : i32
      %add3A_87 = arith.addi %mul3A_84, %mul3A_86 : i32
      "tpu.region"() ({
        %run_scoped3A = tpu.sem_alloc : memref<!tpu.dma_semaphore, #tpu.memory_space<semaphore_mem>>
        %dma_start3A = arith.constant 0 : i32
        %dma_start3A_88 = tpu.memref_slice %arg7[%add3A_87, %dma_start3A] : memref<10240x128xf32, #tpu.memory_space<vmem_shared>> -> memref<16x128xf32, #tpu.memory_space<vmem_shared>>
        %dma_start3A_89 = arith.constant 0 : i32
        %dma_start3A_90 = tpu.memref_slice %arg7[%add3A_87, %dma_start3A_89] : memref<10240x128xf32, #tpu.memory_space<vmem_shared>> -> memref<16x128xf32, #tpu.memory_space<vmem_shared>>
        tpu.enqueue_dma source(%arg12 : memref<16x128xf32, #tpu.memory_space<vmem>>) target(%dma_start3A_90 : memref<16x128xf32, #tpu.memory_space<vmem_shared>>) target_semaphore(%run_scoped3A : memref<!tpu.dma_semaphore, #tpu.memory_space<semaphore_mem>>)
        %dma_wait3A = arith.constant 0 : i32
        %dma_wait3A_91 = tpu.memref_slice %arg7[%add3A_87, %dma_wait3A] : memref<10240x128xf32, #tpu.memory_space<vmem_shared>> -> memref<16x128xf32, #tpu.memory_space<vmem_shared>>
        %dma_wait3A_92 = arith.constant 0 : i32
        %dma_wait3A_93 = tpu.memref_slice %arg7[%add3A_87, %dma_wait3A_92] : memref<10240x128xf32, #tpu.memory_space<vmem_shared>> -> memref<16x128xf32, #tpu.memory_space<vmem_shared>>
        tpu.wait_dma2 semaphore(%run_scoped3A : memref<!tpu.dma_semaphore, #tpu.memory_space<semaphore_mem>>) src(%arg12 : memref<16x128xf32, #tpu.memory_space<vmem>>) dst(%dma_wait3A_93 : memref<16x128xf32, #tpu.memory_space<vmem_shared>>)
        tpu.yield
      }) : () -> ()
    }
    %scan3A_30 = arith.constant 40 : i32
    %barrier3A_31 = arith.constant 0 : index
    tpu.barrier barrier_id(%barrier3A_31)
    %scan3A_32 = arith.constant 0 : i32
    %scan3A_33 = arith.constant 157 : i32
    %scan3A_34 = arith.addi %scan3A_32, %scan3A_33 : i32
    %scan3A_35 = arith.constant 1 : i32
    scf.for %scan3A_80 = %scan3A_32 to %scan3A_34 step %scan3A_35  : i32 {
      %mul3A = arith.constant 1 : i32
      %mul3A_81 = arith.muli %scan3A_80, %mul3A : i32
      %add3A = arith.constant 0 : i32
      %add3A_82 = arith.addi %add3A, %mul3A_81 : i32
      %mul3A_83 = arith.constant 157 : i32
      %mul3A_84 = arith.muli %arg1, %mul3A_83 : i32
      %add3A_85 = arith.addi %mul3A_84, %add3A_82 : i32
      %mul3A_86 = arith.constant 128 : i32
      %mul3A_87 = arith.muli %add3A_85, %mul3A_86 : i32
      "tpu.region"() ({
        %run_scoped3A_93 = tpu.sem_alloc : memref<!tpu.dma_semaphore, #tpu.memory_space<semaphore_mem>>
        %dma_start3A_94 = tpu.memref_slice %arg3[%arg0, %mul3A_87] : memref<2x321536xi32, #tpu.memory_space<hbm>> -> memref<1x128xi32, #tpu.memory_space<hbm>>
        %dma_start3A_95 = tpu.memref_squeeze %dma_start3A_94 : memref<1x128xi32, #tpu.memory_space<hbm>> -> memref<128xi32, #tpu.memory_space<hbm>>
        %dma_start3A_96 = tpu.memref_slice %arg3[%arg0, %mul3A_87] : memref<2x321536xi32, #tpu.memory_space<hbm>> -> memref<1x128xi32, #tpu.memory_space<hbm>>
        %dma_start3A_97 = tpu.memref_squeeze %dma_start3A_96 : memref<1x128xi32, #tpu.memory_space<hbm>> -> memref<128xi32, #tpu.memory_space<hbm>>
        tpu.enqueue_dma source(%dma_start3A_97 : memref<128xi32, #tpu.memory_space<hbm>>) target(%arg8 : memref<128xi32, #tpu.memory_space<vmem>>) target_semaphore(%run_scoped3A_93 : memref<!tpu.dma_semaphore, #tpu.memory_space<semaphore_mem>>)
        %dma_wait3A_98 = tpu.memref_slice %arg3[%arg0, %mul3A_87] : memref<2x321536xi32, #tpu.memory_space<hbm>> -> memref<1x128xi32, #tpu.memory_space<hbm>>
        %dma_wait3A_99 = tpu.memref_squeeze %dma_wait3A_98 : memref<1x128xi32, #tpu.memory_space<hbm>> -> memref<128xi32, #tpu.memory_space<hbm>>
        %dma_wait3A_100 = tpu.memref_slice %arg3[%arg0, %mul3A_87] : memref<2x321536xi32, #tpu.memory_space<hbm>> -> memref<1x128xi32, #tpu.memory_space<hbm>>
        %dma_wait3A_101 = tpu.memref_squeeze %dma_wait3A_100 : memref<1x128xi32, #tpu.memory_space<hbm>> -> memref<128xi32, #tpu.memory_space<hbm>>
        tpu.wait_dma2 semaphore(%run_scoped3A_93 : memref<!tpu.dma_semaphore, #tpu.memory_space<semaphore_mem>>) src(%dma_wait3A_101 : memref<128xi32, #tpu.memory_space<hbm>>) dst(%arg8 : memref<128xi32, #tpu.memory_space<vmem>>)
        tpu.yield
      }) : () -> ()
      %run_scoped3A = arith.constant 0 : i32
      "tpu.region"() ({
        %run_scoped3A_93 = tpu.sem_alloc : memref<!tpu.dma_semaphore, #tpu.memory_space<semaphore_mem>>
        %dma_start3A_94 = arith.constant 0 : i32
        %dma_start3A_95 = tpu.memref_slice %arg9[%run_scoped3A, %dma_start3A_94] : memref<1x128xi32, #tpu.memory_space<vmem>> -> memref<1x128xi32, #tpu.memory_space<vmem>>
        %dma_start3A_96 = tpu.memref_squeeze %dma_start3A_95 : memref<1x128xi32, #tpu.memory_space<vmem>> -> memref<128xi32, #tpu.memory_space<vmem>>
        %dma_start3A_97 = tpu.memref_slice %arg4[%mul3A_87] : memref<321536xi32, #tpu.memory_space<hbm>> -> memref<128xi32, #tpu.memory_space<hbm>>
        %dma_start3A_98 = arith.constant 0 : i32
        %dma_start3A_99 = tpu.memref_slice %arg9[%run_scoped3A, %dma_start3A_98] : memref<1x128xi32, #tpu.memory_space<vmem>> -> memref<1x128xi32, #tpu.memory_space<vmem>>
        %dma_start3A_100 = tpu.memref_squeeze %dma_start3A_99 : memref<1x128xi32, #tpu.memory_space<vmem>> -> memref<128xi32, #tpu.memory_space<vmem>>
        %dma_start3A_101 = tpu.memref_slice %arg4[%mul3A_87] : memref<321536xi32, #tpu.memory_space<hbm>> -> memref<128xi32, #tpu.memory_space<hbm>>
        tpu.enqueue_dma source(%dma_start3A_101 : memref<128xi32, #tpu.memory_space<hbm>>) target(%dma_start3A_100 : memref<128xi32, #tpu.memory_space<vmem>>) target_semaphore(%run_scoped3A_93 : memref<!tpu.dma_semaphore, #tpu.memory_space<semaphore_mem>>)
        %dma_wait3A_102 = arith.constant 0 : i32
        %dma_wait3A_103 = tpu.memref_slice %arg9[%run_scoped3A, %dma_wait3A_102] : memref<1x128xi32, #tpu.memory_space<vmem>> -> memref<1x128xi32, #tpu.memory_space<vmem>>
        %dma_wait3A_104 = tpu.memref_squeeze %dma_wait3A_103 : memref<1x128xi32, #tpu.memory_space<vmem>> -> memref<128xi32, #tpu.memory_space<vmem>>
        %dma_wait3A_105 = tpu.memref_slice %arg4[%mul3A_87] : memref<321536xi32, #tpu.memory_space<hbm>> -> memref<128xi32, #tpu.memory_space<hbm>>
        %dma_wait3A_106 = arith.constant 0 : i32
        %dma_wait3A_107 = tpu.memref_slice %arg9[%run_scoped3A, %dma_wait3A_106] : memref<1x128xi32, #tpu.memory_space<vmem>> -> memref<1x128xi32, #tpu.memory_space<vmem>>
        %dma_wait3A_108 = tpu.memref_squeeze %dma_wait3A_107 : memref<1x128xi32, #tpu.memory_space<vmem>> -> memref<128xi32, #tpu.memory_space<vmem>>
        %dma_wait3A_109 = tpu.memref_slice %arg4[%mul3A_87] : memref<321536xi32, #tpu.memory_space<hbm>> -> memref<128xi32, #tpu.memory_space<hbm>>
        tpu.wait_dma2 semaphore(%run_scoped3A_93 : memref<!tpu.dma_semaphore, #tpu.memory_space<semaphore_mem>>) src(%dma_wait3A_109 : memref<128xi32, #tpu.memory_space<hbm>>) dst(%dma_wait3A_108 : memref<128xi32, #tpu.memory_space<vmem>>)
        tpu.yield
      }) : () -> ()
      %dma_start3A = arith.constant 0 : i32
      %dma_start3A_88 = arith.constant 0 : i32
      %dma_start3A_89 = tpu.memref_slice %arg2[%dma_start3A, %dma_start3A_88] : memref<20480x128xf32, #tpu.memory_space<hbm>> -> memref<20480x128xf32, #tpu.memory_space<hbm>>
      tpu.enqueue_indirect_dma source(%dma_start3A_89 : memref<20480x128xf32, #tpu.memory_space<hbm>>) target(%arg10 : memref<128x128xf32, #tpu.memory_space<vmem>>) offsets(%arg8 : memref<128xi32, #tpu.memory_space<vmem>>) semaphore(%arg14 : memref<!tpu.dma_semaphore, #tpu.memory_space<semaphore_mem>>)
      %dma_wait3A = arith.constant 0 : i32
      %dma_wait3A_90 = arith.constant 0 : i32
      %dma_wait3A_91 = tpu.memref_slice %arg2[%dma_wait3A, %dma_wait3A_90] : memref<20480x128xf32, #tpu.memory_space<hbm>> -> memref<20480x128xf32, #tpu.memory_space<hbm>>
      tpu.wait_indirect_dma semaphore(%arg14 : memref<!tpu.dma_semaphore, #tpu.memory_space<semaphore_mem>>) src(%dma_wait3A_91 : memref<20480x128xf32, #tpu.memory_space<hbm>>) dst(%arg10 : memref<128x128xf32, #tpu.memory_space<vmem>>)
      %run_scoped3A_92 = arith.constant 0 : i32
      "tpu.region"() ({
        %run_scoped3A_93 = tpu.sem_alloc : memref<!tpu.dma_semaphore, #tpu.memory_space<semaphore_mem>>
        %dma_start3A_94 = arith.constant 0 : i32
        %dma_start3A_95 = tpu.memref_slice %arg9[%run_scoped3A_92, %dma_start3A_94] : memref<1x128xi32, #tpu.memory_space<vmem>> -> memref<1x128xi32, #tpu.memory_space<vmem>>
        %dma_start3A_96 = tpu.memref_squeeze %dma_start3A_95 : memref<1x128xi32, #tpu.memory_space<vmem>> -> memref<128xi32, #tpu.memory_space<vmem>>
        %dma_start3A_97 = arith.constant 0 : i32
        %dma_start3A_98 = arith.constant 0 : i32
        %dma_start3A_99 = tpu.memref_slice %arg7[%dma_start3A_97, %dma_start3A_98] : memref<10240x128xf32, #tpu.memory_space<vmem_shared>> -> memref<10240x128xf32, #tpu.memory_space<vmem_shared>>
        tpu.enqueue_indirect_dma source(%arg10 : memref<128x128xf32, #tpu.memory_space<vmem>>) target(%dma_start3A_99 : memref<10240x128xf32, #tpu.memory_space<vmem_shared>>) offsets(%dma_start3A_96 : memref<128xi32, #tpu.memory_space<vmem>>) semaphore(%run_scoped3A_93 : memref<!tpu.dma_semaphore, #tpu.memory_space<semaphore_mem>>) {add = true}
        %dma_wait3A_100 = arith.constant 0 : i32
        %dma_wait3A_101 = tpu.memref_slice %arg9[%run_scoped3A_92, %dma_wait3A_100] : memref<1x128xi32, #tpu.memory_space<vmem>> -> memref<1x128xi32, #tpu.memory_space<vmem>>
        %dma_wait3A_102 = tpu.memref_squeeze %dma_wait3A_101 : memref<1x128xi32, #tpu.memory_space<vmem>> -> memref<128xi32, #tpu.memory_space<vmem>>
        %dma_wait3A_103 = arith.constant 0 : i32
        %dma_wait3A_104 = arith.constant 0 : i32
        %dma_wait3A_105 = tpu.memref_slice %arg7[%dma_wait3A_103, %dma_wait3A_104] : memref<10240x128xf32, #tpu.memory_space<vmem_shared>> -> memref<10240x128xf32, #tpu.memory_space<vmem_shared>>
        tpu.wait_indirect_dma semaphore(%run_scoped3A_93 : memref<!tpu.dma_semaphore, #tpu.memory_space<semaphore_mem>>) src(%arg10 : memref<128x128xf32, #tpu.memory_space<vmem>>) dst(%dma_wait3A_105 : memref<10240x128xf32, #tpu.memory_space<vmem_shared>>)
        tpu.yield
      }) : () -> ()
    }
    %scan3A_36 = arith.constant 157 : i32
    %barrier3A_37 = arith.constant 0 : index
    tpu.barrier barrier_id(%barrier3A_37)
    %scan3A_38 = arith.constant 0 : i32
    %scan3A_39 = arith.constant 5 : i32
    %scan3A_40 = arith.addi %scan3A_38, %scan3A_39 : i32
    %scan3A_41 = arith.constant 1 : i32
    scf.for %scan3A_80 = %scan3A_38 to %scan3A_40 step %scan3A_41  : i32 {
      %mul3A = arith.constant 1 : i32
      %mul3A_81 = arith.muli %scan3A_80, %mul3A : i32
      %add3A = arith.constant 0 : i32
      %add3A_82 = arith.addi %add3A, %mul3A_81 : i32
      %mul3A_83 = arith.constant 640 : i32
      %mul3A_84 = arith.muli %arg1, %mul3A_83 : i32
      %mul3A_85 = arith.constant 128 : i32
      %mul3A_86 = arith.muli %add3A_82, %mul3A_85 : i32
      %add3A_87 = arith.addi %mul3A_84, %mul3A_86 : i32
      %mul3A_88 = arith.constant 10240 : i32
      %mul3A_89 = arith.muli %arg0, %mul3A_88 : i32
      %add3A_90 = arith.addi %mul3A_89, %add3A_87 : i32
      "tpu.region"() ({
        %run_scoped3A = tpu.sem_alloc : memref<!tpu.dma_semaphore, #tpu.memory_space<semaphore_mem>>
        %dma_start3A = arith.constant 0 : i32
        %dma_start3A_101 = tpu.memref_slice %arg7[%add3A_87, %dma_start3A] : memref<10240x128xf32, #tpu.memory_space<vmem_shared>> -> memref<128x128xf32, #tpu.memory_space<vmem_shared>>
        %dma_start3A_102 = arith.constant 0 : i32
        %dma_start3A_103 = tpu.memref_slice %arg7[%add3A_87, %dma_start3A_102] : memref<10240x128xf32, #tpu.memory_space<vmem_shared>> -> memref<128x128xf32, #tpu.memory_space<vmem_shared>>
        tpu.enqueue_dma source(%dma_start3A_103 : memref<128x128xf32, #tpu.memory_space<vmem_shared>>) target(%arg10 : memref<128x128xf32, #tpu.memory_space<vmem>>) target_semaphore(%run_scoped3A : memref<!tpu.dma_semaphore, #tpu.memory_space<semaphore_mem>>)
        %dma_wait3A = arith.constant 0 : i32
        %dma_wait3A_104 = tpu.memref_slice %arg7[%add3A_87, %dma_wait3A] : memref<10240x128xf32, #tpu.memory_space<vmem_shared>> -> memref<128x128xf32, #tpu.memory_space<vmem_shared>>
        %dma_wait3A_105 = arith.constant 0 : i32
        %dma_wait3A_106 = tpu.memref_slice %arg7[%add3A_87, %dma_wait3A_105] : memref<10240x128xf32, #tpu.memory_space<vmem_shared>> -> memref<128x128xf32, #tpu.memory_space<vmem_shared>>
        tpu.wait_dma2 semaphore(%run_scoped3A : memref<!tpu.dma_semaphore, #tpu.memory_space<semaphore_mem>>) src(%dma_wait3A_106 : memref<128x128xf32, #tpu.memory_space<vmem_shared>>) dst(%arg10 : memref<128x128xf32, #tpu.memory_space<vmem>>)
        tpu.yield
      }) : () -> ()
      "tpu.region"() ({
        %run_scoped3A = tpu.sem_alloc : memref<!tpu.dma_semaphore, #tpu.memory_space<semaphore_mem>>
        %dma_start3A = arith.constant 0 : i32
        %dma_start3A_101 = tpu.memref_slice %arg2[%add3A_90, %dma_start3A] : memref<20480x128xf32, #tpu.memory_space<hbm>> -> memref<128x128xf32, #tpu.memory_space<hbm>>
        %dma_start3A_102 = arith.constant 0 : i32
        %dma_start3A_103 = tpu.memref_slice %arg2[%add3A_90, %dma_start3A_102] : memref<20480x128xf32, #tpu.memory_space<hbm>> -> memref<128x128xf32, #tpu.memory_space<hbm>>
        tpu.enqueue_dma source(%dma_start3A_103 : memref<128x128xf32, #tpu.memory_space<hbm>>) target(%arg11 : memref<128x128xf32, #tpu.memory_space<vmem>>) target_semaphore(%run_scoped3A : memref<!tpu.dma_semaphore, #tpu.memory_space<semaphore_mem>>)
        %dma_wait3A = arith.constant 0 : i32
        %dma_wait3A_104 = tpu.memref_slice %arg2[%add3A_90, %dma_wait3A] : memref<20480x128xf32, #tpu.memory_space<hbm>> -> memref<128x128xf32, #tpu.memory_space<hbm>>
        %dma_wait3A_105 = arith.constant 0 : i32
        %dma_wait3A_106 = tpu.memref_slice %arg2[%add3A_90, %dma_wait3A_105] : memref<20480x128xf32, #tpu.memory_space<hbm>> -> memref<128x128xf32, #tpu.memory_space<hbm>>
        tpu.wait_dma2 semaphore(%run_scoped3A : memref<!tpu.dma_semaphore, #tpu.memory_space<semaphore_mem>>) src(%dma_wait3A_106 : memref<128x128xf32, #tpu.memory_space<hbm>>) dst(%arg11 : memref<128x128xf32, #tpu.memory_space<vmem>>)
        tpu.yield
      }) : () -> ()
      %scan3A_91 = arith.constant 0 : i32
      %scan3A_92 = arith.constant 128 : i32
      %scan3A_93 = arith.addi %scan3A_91, %scan3A_92 : i32
      %scan3A_94 = arith.constant 1 : i32
      scf.for %scan3A_101 = %scan3A_91 to %scan3A_93 step %scan3A_94  : i32 {
        %mul3A_102 = arith.constant 1 : i32
        %mul3A_103 = arith.muli %scan3A_101, %mul3A_102 : i32
        %add3A_104 = arith.constant 0 : i32
        %add3A_105 = arith.addi %add3A_104, %mul3A_103 : i32
        %mul3A_106 = arith.constant 128 : i32
        %mul3A_107 = arith.muli %add3A_82, %mul3A_106 : i32
        %add3A_108 = arith.addi %mul3A_107, %add3A_105 : i32
        %broadcast_in_dim3A = vector.broadcast %add3A_108 : i32 to vector<16xi32>
        %gather3A = tpu.vector_load_idx %arg13[%broadcast_in_dim3A] : memref<640xf32, #tpu.memory_space<vmem>>[vector<16xi32>], vector<16xf32>,
        %get3A = arith.index_cast %add3A_105 : i32 to index
        %get3A_109 = arith.constant 0 : index
        %get3A_110 = tpu.vector_load %arg11[%get3A, %get3A_109] {strides = array<i32>} : memref<128x128xf32, #tpu.memory_space<vmem>>, vector<16xf32>,
        %mul3A_111 = arith.constant 5.000000e-01 : f32
        %mul3A_112 = vector.broadcast %mul3A_111 : f32 to vector<16xf32>
        %mul3A_113 = arith.mulf %get3A_110, %mul3A_112 : vector<16xf32>
        %get3A_114 = arith.index_cast %add3A_105 : i32 to index
        %get3A_115 = arith.constant 0 : index
        %get3A_116 = tpu.vector_load %arg10[%get3A_114, %get3A_115] {strides = array<i32>} : memref<128x128xf32, #tpu.memory_space<vmem>>, vector<16xf32>,
        %mul3A_117 = arith.mulf %get3A_116, %gather3A : vector<16xf32>
        %add3A_118 = arith.addf %mul3A_113, %mul3A_117 : vector<16xf32>
        %swap3A = arith.index_cast %add3A_105 : i32 to index
        %swap3A_119 = arith.constant 0 : index
        %swap3A_120 = tpu.vector_load %arg11[%swap3A, %swap3A_119] {strides = array<i32>} : memref<128x128xf32, #tpu.memory_space<vmem>>, vector<16xf32>,
        tpu.vector_store %arg11[%swap3A, %swap3A_119], %add3A_118 {strides = array<i32>} : memref<128x128xf32, #tpu.memory_space<vmem>>, vector<16xf32>,
        %get3A_121 = arith.index_cast %add3A_105 : i32 to index
        %get3A_122 = arith.constant 16 : index
        %get3A_123 = tpu.vector_load %arg11[%get3A_121, %get3A_122] {strides = array<i32>} : memref<128x128xf32, #tpu.memory_space<vmem>>, vector<16xf32>,
        %mul3A_124 = arith.constant 5.000000e-01 : f32
        %mul3A_125 = vector.broadcast %mul3A_124 : f32 to vector<16xf32>
        %mul3A_126 = arith.mulf %get3A_123, %mul3A_125 : vector<16xf32>
        %get3A_127 = arith.index_cast %add3A_105 : i32 to index
        %get3A_128 = arith.constant 16 : index
        %get3A_129 = tpu.vector_load %arg10[%get3A_127, %get3A_128] {strides = array<i32>} : memref<128x128xf32, #tpu.memory_space<vmem>>, vector<16xf32>,
        %mul3A_130 = arith.mulf %get3A_129, %gather3A : vector<16xf32>
        %add3A_131 = arith.addf %mul3A_126, %mul3A_130 : vector<16xf32>
        %swap3A_132 = arith.index_cast %add3A_105 : i32 to index
        %swap3A_133 = arith.constant 16 : index
        %swap3A_134 = tpu.vector_load %arg11[%swap3A_132, %swap3A_133] {strides = array<i32>} : memref<128x128xf32, #tpu.memory_space<vmem>>, vector<16xf32>,
        tpu.vector_store %arg11[%swap3A_132, %swap3A_133], %add3A_131 {strides = array<i32>} : memref<128x128xf32, #tpu.memory_space<vmem>>, vector<16xf32>,
        %get3A_135 = arith.index_cast %add3A_105 : i32 to index
        %get3A_136 = arith.constant 32 : index
        %get3A_137 = tpu.vector_load %arg11[%get3A_135, %get3A_136] {strides = array<i32>} : memref<128x128xf32, #tpu.memory_space<vmem>>, vector<16xf32>,
        %mul3A_138 = arith.constant 5.000000e-01 : f32
        %mul3A_139 = vector.broadcast %mul3A_138 : f32 to vector<16xf32>
        %mul3A_140 = arith.mulf %get3A_137, %mul3A_139 : vector<16xf32>
        %get3A_141 = arith.index_cast %add3A_105 : i32 to index
        %get3A_142 = arith.constant 32 : index
        %get3A_143 = tpu.vector_load %arg10[%get3A_141, %get3A_142] {strides = array<i32>} : memref<128x128xf32, #tpu.memory_space<vmem>>, vector<16xf32>,
        %mul3A_144 = arith.mulf %get3A_143, %gather3A : vector<16xf32>
        %add3A_145 = arith.addf %mul3A_140, %mul3A_144 : vector<16xf32>
        %swap3A_146 = arith.index_cast %add3A_105 : i32 to index
        %swap3A_147 = arith.constant 32 : index
        %swap3A_148 = tpu.vector_load %arg11[%swap3A_146, %swap3A_147] {strides = array<i32>} : memref<128x128xf32, #tpu.memory_space<vmem>>, vector<16xf32>,
        tpu.vector_store %arg11[%swap3A_146, %swap3A_147], %add3A_145 {strides = array<i32>} : memref<128x128xf32, #tpu.memory_space<vmem>>, vector<16xf32>,
        %get3A_149 = arith.index_cast %add3A_105 : i32 to index
        %get3A_150 = arith.constant 48 : index
        %get3A_151 = tpu.vector_load %arg11[%get3A_149, %get3A_150] {strides = array<i32>} : memref<128x128xf32, #tpu.memory_space<vmem>>, vector<16xf32>,
        %mul3A_152 = arith.constant 5.000000e-01 : f32
        %mul3A_153 = vector.broadcast %mul3A_152 : f32 to vector<16xf32>
        %mul3A_154 = arith.mulf %get3A_151, %mul3A_153 : vector<16xf32>
        %get3A_155 = arith.index_cast %add3A_105 : i32 to index
        %get3A_156 = arith.constant 48 : index
        %get3A_157 = tpu.vector_load %arg10[%get3A_155, %get3A_156] {strides = array<i32>} : memref<128x128xf32, #tpu.memory_space<vmem>>, vector<16xf32>,
        %mul3A_158 = arith.mulf %get3A_157, %gather3A : vector<16xf32>
        %add3A_159 = arith.addf %mul3A_154, %mul3A_158 : vector<16xf32>
        %swap3A_160 = arith.index_cast %add3A_105 : i32 to index
        %swap3A_161 = arith.constant 48 : index
        %swap3A_162 = tpu.vector_load %arg11[%swap3A_160, %swap3A_161] {strides = array<i32>} : memref<128x128xf32, #tpu.memory_space<vmem>>, vector<16xf32>,
        tpu.vector_store %arg11[%swap3A_160, %swap3A_161], %add3A_159 {strides = array<i32>} : memref<128x128xf32, #tpu.memory_space<vmem>>, vector<16xf32>,
        %get3A_163 = arith.index_cast %add3A_105 : i32 to index
        %get3A_164 = arith.constant 64 : index
        %get3A_165 = tpu.vector_load %arg11[%get3A_163, %get3A_164] {strides = array<i32>} : memref<128x128xf32, #tpu.memory_space<vmem>>, vector<16xf32>,
        %mul3A_166 = arith.constant 5.000000e-01 : f32
        %mul3A_167 = vector.broadcast %mul3A_166 : f32 to vector<16xf32>
        %mul3A_168 = arith.mulf %get3A_165, %mul3A_167 : vector<16xf32>
        %get3A_169 = arith.index_cast %add3A_105 : i32 to index
        %get3A_170 = arith.constant 64 : index
        %get3A_171 = tpu.vector_load %arg10[%get3A_169, %get3A_170] {strides = array<i32>} : memref<128x128xf32, #tpu.memory_space<vmem>>, vector<16xf32>,
        %mul3A_172 = arith.mulf %get3A_171, %gather3A : vector<16xf32>
        %add3A_173 = arith.addf %mul3A_168, %mul3A_172 : vector<16xf32>
        %swap3A_174 = arith.index_cast %add3A_105 : i32 to index
        %swap3A_175 = arith.constant 64 : index
        %swap3A_176 = tpu.vector_load %arg11[%swap3A_174, %swap3A_175] {strides = array<i32>} : memref<128x128xf32, #tpu.memory_space<vmem>>, vector<16xf32>,
        tpu.vector_store %arg11[%swap3A_174, %swap3A_175], %add3A_173 {strides = array<i32>} : memref<128x128xf32, #tpu.memory_space<vmem>>, vector<16xf32>,
        %get3A_177 = arith.index_cast %add3A_105 : i32 to index
        %get3A_178 = arith.constant 80 : index
        %get3A_179 = tpu.vector_load %arg11[%get3A_177, %get3A_178] {strides = array<i32>} : memref<128x128xf32, #tpu.memory_space<vmem>>, vector<16xf32>,
        %mul3A_180 = arith.constant 5.000000e-01 : f32
        %mul3A_181 = vector.broadcast %mul3A_180 : f32 to vector<16xf32>
        %mul3A_182 = arith.mulf %get3A_179, %mul3A_181 : vector<16xf32>
        %get3A_183 = arith.index_cast %add3A_105 : i32 to index
        %get3A_184 = arith.constant 80 : index
        %get3A_185 = tpu.vector_load %arg10[%get3A_183, %get3A_184] {strides = array<i32>} : memref<128x128xf32, #tpu.memory_space<vmem>>, vector<16xf32>,
        %mul3A_186 = arith.mulf %get3A_185, %gather3A : vector<16xf32>
        %add3A_187 = arith.addf %mul3A_182, %mul3A_186 : vector<16xf32>
        %swap3A_188 = arith.index_cast %add3A_105 : i32 to index
        %swap3A_189 = arith.constant 80 : index
        %swap3A_190 = tpu.vector_load %arg11[%swap3A_188, %swap3A_189] {strides = array<i32>} : memref<128x128xf32, #tpu.memory_space<vmem>>, vector<16xf32>,
        tpu.vector_store %arg11[%swap3A_188, %swap3A_189], %add3A_187 {strides = array<i32>} : memref<128x128xf32, #tpu.memory_space<vmem>>, vector<16xf32>,
        %get3A_191 = arith.index_cast %add3A_105 : i32 to index
        %get3A_192 = arith.constant 96 : index
        %get3A_193 = tpu.vector_load %arg11[%get3A_191, %get3A_192] {strides = array<i32>} : memref<128x128xf32, #tpu.memory_space<vmem>>, vector<16xf32>,
        %mul3A_194 = arith.constant 5.000000e-01 : f32
        %mul3A_195 = vector.broadcast %mul3A_194 : f32 to vector<16xf32>
        %mul3A_196 = arith.mulf %get3A_193, %mul3A_195 : vector<16xf32>
        %get3A_197 = arith.index_cast %add3A_105 : i32 to index
        %get3A_198 = arith.constant 96 : index
        %get3A_199 = tpu.vector_load %arg10[%get3A_197, %get3A_198] {strides = array<i32>} : memref<128x128xf32, #tpu.memory_space<vmem>>, vector<16xf32>,
        %mul3A_200 = arith.mulf %get3A_199, %gather3A : vector<16xf32>
        %add3A_201 = arith.addf %mul3A_196, %mul3A_200 : vector<16xf32>
        %swap3A_202 = arith.index_cast %add3A_105 : i32 to index
        %swap3A_203 = arith.constant 96 : index
        %swap3A_204 = tpu.vector_load %arg11[%swap3A_202, %swap3A_203] {strides = array<i32>} : memref<128x128xf32, #tpu.memory_space<vmem>>, vector<16xf32>,
        tpu.vector_store %arg11[%swap3A_202, %swap3A_203], %add3A_201 {strides = array<i32>} : memref<128x128xf32, #tpu.memory_space<vmem>>, vector<16xf32>,
        %get3A_205 = arith.index_cast %add3A_105 : i32 to index
        %get3A_206 = arith.constant 112 : index
        %get3A_207 = tpu.vector_load %arg11[%get3A_205, %get3A_206] {strides = array<i32>} : memref<128x128xf32, #tpu.memory_space<vmem>>, vector<16xf32>,
        %mul3A_208 = arith.constant 5.000000e-01 : f32
        %mul3A_209 = vector.broadcast %mul3A_208 : f32 to vector<16xf32>
        %mul3A_210 = arith.mulf %get3A_207, %mul3A_209 : vector<16xf32>
        %get3A_211 = arith.index_cast %add3A_105 : i32 to index
        %get3A_212 = arith.constant 112 : index
        %get3A_213 = tpu.vector_load %arg10[%get3A_211, %get3A_212] {strides = array<i32>} : memref<128x128xf32, #tpu.memory_space<vmem>>, vector<16xf32>,
        %mul3A_214 = arith.mulf %get3A_213, %gather3A : vector<16xf32>
        %add3A_215 = arith.addf %mul3A_210, %mul3A_214 : vector<16xf32>
        %swap3A_216 = arith.index_cast %add3A_105 : i32 to index
        %swap3A_217 = arith.constant 112 : index
        %swap3A_218 = tpu.vector_load %arg11[%swap3A_216, %swap3A_217] {strides = array<i32>} : memref<128x128xf32, #tpu.memory_space<vmem>>, vector<16xf32>,
        tpu.vector_store %arg11[%swap3A_216, %swap3A_217], %add3A_215 {strides = array<i32>} : memref<128x128xf32, #tpu.memory_space<vmem>>, vector<16xf32>,
      }
      %scan3A_95 = arith.constant 128 : i32
      "tpu.region"() ({
        %run_scoped3A = tpu.sem_alloc : memref<!tpu.dma_semaphore, #tpu.memory_space<semaphore_mem>>
        %dma_start3A = arith.constant 0 : i32
        %dma_start3A_101 = tpu.memref_slice %arg5[%add3A_90, %dma_start3A] : memref<20480x128xf32, #tpu.memory_space<hbm>> -> memref<128x128xf32, #tpu.memory_space<hbm>>
        %dma_start3A_102 = arith.constant 0 : i32
        %dma_start3A_103 = tpu.memref_slice %arg5[%add3A_90, %dma_start3A_102] : memref<20480x128xf32, #tpu.memory_space<hbm>> -> memref<128x128xf32, #tpu.memory_space<hbm>>
        tpu.enqueue_dma source(%arg11 : memref<128x128xf32, #tpu.memory_space<vmem>>) target(%dma_start3A_103 : memref<128x128xf32, #tpu.memory_space<hbm>>) target_semaphore(%run_scoped3A : memref<!tpu.dma_semaphore, #tpu.memory_space<semaphore_mem>>)
        %dma_wait3A = arith.constant 0 : i32
        %dma_wait3A_104 = tpu.memref_slice %arg5[%add3A_90, %dma_wait3A] : memref<20480x128xf32, #tpu.memory_space<hbm>> -> memref<128x128xf32, #tpu.memory_space<hbm>>
        %dma_wait3A_105 = arith.constant 0 : i32
        %dma_wait3A_106 = tpu.memref_slice %arg5[%add3A_90, %dma_wait3A_105] : memref<20480x128xf32, #tpu.memory_space<hbm>> -> memref<128x128xf32, #tpu.memory_space<hbm>>
        tpu.wait_dma2 semaphore(%run_scoped3A : memref<!tpu.dma_semaphore, #tpu.memory_space<semaphore_mem>>) src(%arg11 : memref<128x128xf32, #tpu.memory_space<vmem>>) dst(%dma_wait3A_106 : memref<128x128xf32, #tpu.memory_space<hbm>>)
        tpu.yield
      }) : () -> ()
      %scan3A_96 = arith.constant 0 : i32
      %scan3A_97 = arith.constant 8 : i32
      %scan3A_98 = arith.addi %scan3A_96, %scan3A_97 : i32
      %scan3A_99 = arith.constant 1 : i32
      scf.for %scan3A_101 = %scan3A_96 to %scan3A_98 step %scan3A_99  : i32 {
        %mul3A_102 = arith.constant 1 : i32
        %mul3A_103 = arith.muli %scan3A_101, %mul3A_102 : i32
        %add3A_104 = arith.constant 0 : i32
        %add3A_105 = arith.addi %add3A_104, %mul3A_103 : i32
        %mul3A_106 = arith.constant 16 : i32
        %mul3A_107 = arith.muli %add3A_105, %mul3A_106 : i32
        %add3A_108 = arith.addi %add3A_87, %mul3A_107 : i32
        "tpu.region"() ({
          %run_scoped3A = tpu.sem_alloc : memref<!tpu.dma_semaphore, #tpu.memory_space<semaphore_mem>>
          %dma_start3A = arith.constant 0 : i32
          %dma_start3A_109 = tpu.memref_slice %arg7[%add3A_108, %dma_start3A] : memref<10240x128xf32, #tpu.memory_space<vmem_shared>> -> memref<16x128xf32, #tpu.memory_space<vmem_shared>>
          %dma_start3A_110 = arith.constant 0 : i32
          %dma_start3A_111 = tpu.memref_slice %arg7[%add3A_108, %dma_start3A_110] : memref<10240x128xf32, #tpu.memory_space<vmem_shared>> -> memref<16x128xf32, #tpu.memory_space<vmem_shared>>
          tpu.enqueue_dma source(%arg12 : memref<16x128xf32, #tpu.memory_space<vmem>>) target(%dma_start3A_111 : memref<16x128xf32, #tpu.memory_space<vmem_shared>>) target_semaphore(%run_scoped3A : memref<!tpu.dma_semaphore, #tpu.memory_space<semaphore_mem>>)
          %dma_wait3A = arith.constant 0 : i32
          %dma_wait3A_112 = tpu.memref_slice %arg7[%add3A_108, %dma_wait3A] : memref<10240x128xf32, #tpu.memory_space<vmem_shared>> -> memref<16x128xf32, #tpu.memory_space<vmem_shared>>
          %dma_wait3A_113 = arith.constant 0 : i32
          %dma_wait3A_114 = tpu.memref_slice %arg7[%add3A_108, %dma_wait3A_113] : memref<10240x128xf32, #tpu.memory_space<vmem_shared>> -> memref<16x128xf32, #tpu.memory_space<vmem_shared>>
          tpu.wait_dma2 semaphore(%run_scoped3A : memref<!tpu.dma_semaphore, #tpu.memory_space<semaphore_mem>>) src(%arg12 : memref<16x128xf32, #tpu.memory_space<vmem>>) dst(%dma_wait3A_114 : memref<16x128xf32, #tpu.memory_space<vmem_shared>>)
          tpu.yield
        }) : () -> ()
      }
      %scan3A_100 = arith.constant 8 : i32
    }
    %scan3A_42 = arith.constant 5 : i32
    %barrier3A_43 = arith.constant 0 : index
    tpu.barrier barrier_id(%barrier3A_43)
    %scan3A_44 = arith.constant 0 : i32
    %scan3A_45 = arith.constant 157 : i32
    %scan3A_46 = arith.addi %scan3A_44, %scan3A_45 : i32
    %scan3A_47 = arith.constant 1 : i32
    scf.for %scan3A_80 = %scan3A_44 to %scan3A_46 step %scan3A_47  : i32 {
      %mul3A = arith.constant 1 : i32
      %mul3A_81 = arith.muli %scan3A_80, %mul3A : i32
      %add3A = arith.constant 0 : i32
      %add3A_82 = arith.addi %add3A, %mul3A_81 : i32
      %mul3A_83 = arith.constant 157 : i32
      %mul3A_84 = arith.muli %arg1, %mul3A_83 : i32
      %add3A_85 = arith.addi %mul3A_84, %add3A_82 : i32
      %mul3A_86 = arith.constant 128 : i32
      %mul3A_87 = arith.muli %add3A_85, %mul3A_86 : i32
      "tpu.region"() ({
        %run_scoped3A_93 = tpu.sem_alloc : memref<!tpu.dma_semaphore, #tpu.memory_space<semaphore_mem>>
        %dma_start3A_94 = tpu.memref_slice %arg3[%arg0, %mul3A_87] : memref<2x321536xi32, #tpu.memory_space<hbm>> -> memref<1x128xi32, #tpu.memory_space<hbm>>
        %dma_start3A_95 = tpu.memref_squeeze %dma_start3A_94 : memref<1x128xi32, #tpu.memory_space<hbm>> -> memref<128xi32, #tpu.memory_space<hbm>>
        %dma_start3A_96 = tpu.memref_slice %arg3[%arg0, %mul3A_87] : memref<2x321536xi32, #tpu.memory_space<hbm>> -> memref<1x128xi32, #tpu.memory_space<hbm>>
        %dma_start3A_97 = tpu.memref_squeeze %dma_start3A_96 : memref<1x128xi32, #tpu.memory_space<hbm>> -> memref<128xi32, #tpu.memory_space<hbm>>
        tpu.enqueue_dma source(%dma_start3A_97 : memref<128xi32, #tpu.memory_space<hbm>>) target(%arg8 : memref<128xi32, #tpu.memory_space<vmem>>) target_semaphore(%run_scoped3A_93 : memref<!tpu.dma_semaphore, #tpu.memory_space<semaphore_mem>>)
        %dma_wait3A_98 = tpu.memref_slice %arg3[%arg0, %mul3A_87] : memref<2x321536xi32, #tpu.memory_space<hbm>> -> memref<1x128xi32, #tpu.memory_space<hbm>>
        %dma_wait3A_99 = tpu.memref_squeeze %dma_wait3A_98 : memref<1x128xi32, #tpu.memory_space<hbm>> -> memref<128xi32, #tpu.memory_space<hbm>>
        %dma_wait3A_100 = tpu.memref_slice %arg3[%arg0, %mul3A_87] : memref<2x321536xi32, #tpu.memory_space<hbm>> -> memref<1x128xi32, #tpu.memory_space<hbm>>
        %dma_wait3A_101 = tpu.memref_squeeze %dma_wait3A_100 : memref<1x128xi32, #tpu.memory_space<hbm>> -> memref<128xi32, #tpu.memory_space<hbm>>
        tpu.wait_dma2 semaphore(%run_scoped3A_93 : memref<!tpu.dma_semaphore, #tpu.memory_space<semaphore_mem>>) src(%dma_wait3A_101 : memref<128xi32, #tpu.memory_space<hbm>>) dst(%arg8 : memref<128xi32, #tpu.memory_space<vmem>>)
        tpu.yield
      }) : () -> ()
      %run_scoped3A = arith.constant 0 : i32
      "tpu.region"() ({
        %run_scoped3A_93 = tpu.sem_alloc : memref<!tpu.dma_semaphore, #tpu.memory_space<semaphore_mem>>
        %dma_start3A_94 = arith.constant 0 : i32
        %dma_start3A_95 = tpu.memref_slice %arg9[%run_scoped3A, %dma_start3A_94] : memref<1x128xi32, #tpu.memory_space<vmem>> -> memref<1x128xi32, #tpu.memory_space<vmem>>
        %dma_start3A_96 = tpu.memref_squeeze %dma_start3A_95 : memref<1x128xi32, #tpu.memory_space<vmem>> -> memref<128xi32, #tpu.memory_space<vmem>>
        %dma_start3A_97 = tpu.memref_slice %arg4[%mul3A_87] : memref<321536xi32, #tpu.memory_space<hbm>> -> memref<128xi32, #tpu.memory_space<hbm>>
        %dma_start3A_98 = arith.constant 0 : i32
        %dma_start3A_99 = tpu.memref_slice %arg9[%run_scoped3A, %dma_start3A_98] : memref<1x128xi32, #tpu.memory_space<vmem>> -> memref<1x128xi32, #tpu.memory_space<vmem>>
        %dma_start3A_100 = tpu.memref_squeeze %dma_start3A_99 : memref<1x128xi32, #tpu.memory_space<vmem>> -> memref<128xi32, #tpu.memory_space<vmem>>
        %dma_start3A_101 = tpu.memref_slice %arg4[%mul3A_87] : memref<321536xi32, #tpu.memory_space<hbm>> -> memref<128xi32, #tpu.memory_space<hbm>>
        tpu.enqueue_dma source(%dma_start3A_101 : memref<128xi32, #tpu.memory_space<hbm>>) target(%dma_start3A_100 : memref<128xi32, #tpu.memory_space<vmem>>) target_semaphore(%run_scoped3A_93 : memref<!tpu.dma_semaphore, #tpu.memory_space<semaphore_mem>>)
        %dma_wait3A_102 = arith.constant 0 : i32
        %dma_wait3A_103 = tpu.memref_slice %arg9[%run_scoped3A, %dma_wait3A_102] : memref<1x128xi32, #tpu.memory_space<vmem>> -> memref<1x128xi32, #tpu.memory_space<vmem>>
        %dma_wait3A_104 = tpu.memref_squeeze %dma_wait3A_103 : memref<1x128xi32, #tpu.memory_space<vmem>> -> memref<128xi32, #tpu.memory_space<vmem>>
        %dma_wait3A_105 = tpu.memref_slice %arg4[%mul3A_87] : memref<321536xi32, #tpu.memory_space<hbm>> -> memref<128xi32, #tpu.memory_space<hbm>>
        %dma_wait3A_106 = arith.constant 0 : i32
        %dma_wait3A_107 = tpu.memref_slice %arg9[%run_scoped3A, %dma_wait3A_106] : memref<1x128xi32, #tpu.memory_space<vmem>> -> memref<1x128xi32, #tpu.memory_space<vmem>>
        %dma_wait3A_108 = tpu.memref_squeeze %dma_wait3A_107 : memref<1x128xi32, #tpu.memory_space<vmem>> -> memref<128xi32, #tpu.memory_space<vmem>>
        %dma_wait3A_109 = tpu.memref_slice %arg4[%mul3A_87] : memref<321536xi32, #tpu.memory_space<hbm>> -> memref<128xi32, #tpu.memory_space<hbm>>
        tpu.wait_dma2 semaphore(%run_scoped3A_93 : memref<!tpu.dma_semaphore, #tpu.memory_space<semaphore_mem>>) src(%dma_wait3A_109 : memref<128xi32, #tpu.memory_space<hbm>>) dst(%dma_wait3A_108 : memref<128xi32, #tpu.memory_space<vmem>>)
        tpu.yield
      }) : () -> ()
      %dma_start3A = arith.constant 0 : i32
      %dma_start3A_88 = arith.constant 0 : i32
      %dma_start3A_89 = tpu.memref_slice %arg5[%dma_start3A, %dma_start3A_88] : memref<20480x128xf32, #tpu.memory_space<hbm>> -> memref<20480x128xf32, #tpu.memory_space<hbm>>
      tpu.enqueue_indirect_dma source(%dma_start3A_89 : memref<20480x128xf32, #tpu.memory_space<hbm>>) target(%arg10 : memref<128x128xf32, #tpu.memory_space<vmem>>) offsets(%arg8 : memref<128xi32, #tpu.memory_space<vmem>>) semaphore(%arg14 : memref<!tpu.dma_semaphore, #tpu.memory_space<semaphore_mem>>)
      %dma_wait3A = arith.constant 0 : i32
      %dma_wait3A_90 = arith.constant 0 : i32
      %dma_wait3A_91 = tpu.memref_slice %arg5[%dma_wait3A, %dma_wait3A_90] : memref<20480x128xf32, #tpu.memory_space<hbm>> -> memref<20480x128xf32, #tpu.memory_space<hbm>>
      tpu.wait_indirect_dma semaphore(%arg14 : memref<!tpu.dma_semaphore, #tpu.memory_space<semaphore_mem>>) src(%dma_wait3A_91 : memref<20480x128xf32, #tpu.memory_space<hbm>>) dst(%arg10 : memref<128x128xf32, #tpu.memory_space<vmem>>)
      %run_scoped3A_92 = arith.constant 0 : i32
      "tpu.region"() ({
        %run_scoped3A_93 = tpu.sem_alloc : memref<!tpu.dma_semaphore, #tpu.memory_space<semaphore_mem>>
        %dma_start3A_94 = arith.constant 0 : i32
        %dma_start3A_95 = tpu.memref_slice %arg9[%run_scoped3A_92, %dma_start3A_94] : memref<1x128xi32, #tpu.memory_space<vmem>> -> memref<1x128xi32, #tpu.memory_space<vmem>>
        %dma_start3A_96 = tpu.memref_squeeze %dma_start3A_95 : memref<1x128xi32, #tpu.memory_space<vmem>> -> memref<128xi32, #tpu.memory_space<vmem>>
        %dma_start3A_97 = arith.constant 0 : i32
        %dma_start3A_98 = arith.constant 0 : i32
        %dma_start3A_99 = tpu.memref_slice %arg7[%dma_start3A_97, %dma_start3A_98] : memref<10240x128xf32, #tpu.memory_space<vmem_shared>> -> memref<10240x128xf32, #tpu.memory_space<vmem_shared>>
        tpu.enqueue_indirect_dma source(%arg10 : memref<128x128xf32, #tpu.memory_space<vmem>>) target(%dma_start3A_99 : memref<10240x128xf32, #tpu.memory_space<vmem_shared>>) offsets(%dma_start3A_96 : memref<128xi32, #tpu.memory_space<vmem>>) semaphore(%run_scoped3A_93 : memref<!tpu.dma_semaphore, #tpu.memory_space<semaphore_mem>>) {add = true}
        %dma_wait3A_100 = arith.constant 0 : i32
        %dma_wait3A_101 = tpu.memref_slice %arg9[%run_scoped3A_92, %dma_wait3A_100] : memref<1x128xi32, #tpu.memory_space<vmem>> -> memref<1x128xi32, #tpu.memory_space<vmem>>
        %dma_wait3A_102 = tpu.memref_squeeze %dma_wait3A_101 : memref<1x128xi32, #tpu.memory_space<vmem>> -> memref<128xi32, #tpu.memory_space<vmem>>
        %dma_wait3A_103 = arith.constant 0 : i32
        %dma_wait3A_104 = arith.constant 0 : i32
        %dma_wait3A_105 = tpu.memref_slice %arg7[%dma_wait3A_103, %dma_wait3A_104] : memref<10240x128xf32, #tpu.memory_space<vmem_shared>> -> memref<10240x128xf32, #tpu.memory_space<vmem_shared>>
        tpu.wait_indirect_dma semaphore(%run_scoped3A_93 : memref<!tpu.dma_semaphore, #tpu.memory_space<semaphore_mem>>) src(%arg10 : memref<128x128xf32, #tpu.memory_space<vmem>>) dst(%dma_wait3A_105 : memref<10240x128xf32, #tpu.memory_space<vmem_shared>>)
        tpu.yield
      }) : () -> ()
    }
    %scan3A_48 = arith.constant 157 : i32
    %barrier3A_49 = arith.constant 0 : index
    tpu.barrier barrier_id(%barrier3A_49)
    %scan3A_50 = arith.constant 0 : i32
    %scan3A_51 = arith.constant 5 : i32
    %scan3A_52 = arith.addi %scan3A_50, %scan3A_51 : i32
    %scan3A_53 = arith.constant 1 : i32
    scf.for %scan3A_80 = %scan3A_50 to %scan3A_52 step %scan3A_53  : i32 {
      %mul3A = arith.constant 1 : i32
      %mul3A_81 = arith.muli %scan3A_80, %mul3A : i32
      %add3A = arith.constant 0 : i32
      %add3A_82 = arith.addi %add3A, %mul3A_81 : i32
      %mul3A_83 = arith.constant 640 : i32
      %mul3A_84 = arith.muli %arg1, %mul3A_83 : i32
      %mul3A_85 = arith.constant 128 : i32
      %mul3A_86 = arith.muli %add3A_82, %mul3A_85 : i32
      %add3A_87 = arith.addi %mul3A_84, %mul3A_86 : i32
      %mul3A_88 = arith.constant 10240 : i32
      %mul3A_89 = arith.muli %arg0, %mul3A_88 : i32
      %add3A_90 = arith.addi %mul3A_89, %add3A_87 : i32
      "tpu.region"() ({
        %run_scoped3A = tpu.sem_alloc : memref<!tpu.dma_semaphore, #tpu.memory_space<semaphore_mem>>
        %dma_start3A = arith.constant 0 : i32
        %dma_start3A_101 = tpu.memref_slice %arg7[%add3A_87, %dma_start3A] : memref<10240x128xf32, #tpu.memory_space<vmem_shared>> -> memref<128x128xf32, #tpu.memory_space<vmem_shared>>
        %dma_start3A_102 = arith.constant 0 : i32
        %dma_start3A_103 = tpu.memref_slice %arg7[%add3A_87, %dma_start3A_102] : memref<10240x128xf32, #tpu.memory_space<vmem_shared>> -> memref<128x128xf32, #tpu.memory_space<vmem_shared>>
        tpu.enqueue_dma source(%dma_start3A_103 : memref<128x128xf32, #tpu.memory_space<vmem_shared>>) target(%arg10 : memref<128x128xf32, #tpu.memory_space<vmem>>) target_semaphore(%run_scoped3A : memref<!tpu.dma_semaphore, #tpu.memory_space<semaphore_mem>>)
        %dma_wait3A = arith.constant 0 : i32
        %dma_wait3A_104 = tpu.memref_slice %arg7[%add3A_87, %dma_wait3A] : memref<10240x128xf32, #tpu.memory_space<vmem_shared>> -> memref<128x128xf32, #tpu.memory_space<vmem_shared>>
        %dma_wait3A_105 = arith.constant 0 : i32
        %dma_wait3A_106 = tpu.memref_slice %arg7[%add3A_87, %dma_wait3A_105] : memref<10240x128xf32, #tpu.memory_space<vmem_shared>> -> memref<128x128xf32, #tpu.memory_space<vmem_shared>>
        tpu.wait_dma2 semaphore(%run_scoped3A : memref<!tpu.dma_semaphore, #tpu.memory_space<semaphore_mem>>) src(%dma_wait3A_106 : memref<128x128xf32, #tpu.memory_space<vmem_shared>>) dst(%arg10 : memref<128x128xf32, #tpu.memory_space<vmem>>)
        tpu.yield
      }) : () -> ()
      "tpu.region"() ({
        %run_scoped3A = tpu.sem_alloc : memref<!tpu.dma_semaphore, #tpu.memory_space<semaphore_mem>>
        %dma_start3A = arith.constant 0 : i32
        %dma_start3A_101 = tpu.memref_slice %arg5[%add3A_90, %dma_start3A] : memref<20480x128xf32, #tpu.memory_space<hbm>> -> memref<128x128xf32, #tpu.memory_space<hbm>>
        %dma_start3A_102 = arith.constant 0 : i32
        %dma_start3A_103 = tpu.memref_slice %arg5[%add3A_90, %dma_start3A_102] : memref<20480x128xf32, #tpu.memory_space<hbm>> -> memref<128x128xf32, #tpu.memory_space<hbm>>
        tpu.enqueue_dma source(%dma_start3A_103 : memref<128x128xf32, #tpu.memory_space<hbm>>) target(%arg11 : memref<128x128xf32, #tpu.memory_space<vmem>>) target_semaphore(%run_scoped3A : memref<!tpu.dma_semaphore, #tpu.memory_space<semaphore_mem>>)
        %dma_wait3A = arith.constant 0 : i32
        %dma_wait3A_104 = tpu.memref_slice %arg5[%add3A_90, %dma_wait3A] : memref<20480x128xf32, #tpu.memory_space<hbm>> -> memref<128x128xf32, #tpu.memory_space<hbm>>
        %dma_wait3A_105 = arith.constant 0 : i32
        %dma_wait3A_106 = tpu.memref_slice %arg5[%add3A_90, %dma_wait3A_105] : memref<20480x128xf32, #tpu.memory_space<hbm>> -> memref<128x128xf32, #tpu.memory_space<hbm>>
        tpu.wait_dma2 semaphore(%run_scoped3A : memref<!tpu.dma_semaphore, #tpu.memory_space<semaphore_mem>>) src(%dma_wait3A_106 : memref<128x128xf32, #tpu.memory_space<hbm>>) dst(%arg11 : memref<128x128xf32, #tpu.memory_space<vmem>>)
        tpu.yield
      }) : () -> ()
      %scan3A_91 = arith.constant 0 : i32
      %scan3A_92 = arith.constant 128 : i32
      %scan3A_93 = arith.addi %scan3A_91, %scan3A_92 : i32
      %scan3A_94 = arith.constant 1 : i32
      scf.for %scan3A_101 = %scan3A_91 to %scan3A_93 step %scan3A_94  : i32 {
        %mul3A_102 = arith.constant 1 : i32
        %mul3A_103 = arith.muli %scan3A_101, %mul3A_102 : i32
        %add3A_104 = arith.constant 0 : i32
        %add3A_105 = arith.addi %add3A_104, %mul3A_103 : i32
        %mul3A_106 = arith.constant 128 : i32
        %mul3A_107 = arith.muli %add3A_82, %mul3A_106 : i32
        %add3A_108 = arith.addi %mul3A_107, %add3A_105 : i32
        %broadcast_in_dim3A = vector.broadcast %add3A_108 : i32 to vector<16xi32>
        %gather3A = tpu.vector_load_idx %arg13[%broadcast_in_dim3A] : memref<640xf32, #tpu.memory_space<vmem>>[vector<16xi32>], vector<16xf32>,
        %get3A = arith.index_cast %add3A_105 : i32 to index
        %get3A_109 = arith.constant 0 : index
        %get3A_110 = tpu.vector_load %arg11[%get3A, %get3A_109] {strides = array<i32>} : memref<128x128xf32, #tpu.memory_space<vmem>>, vector<16xf32>,
        %mul3A_111 = arith.constant 5.000000e-01 : f32
        %mul3A_112 = vector.broadcast %mul3A_111 : f32 to vector<16xf32>
        %mul3A_113 = arith.mulf %get3A_110, %mul3A_112 : vector<16xf32>
        %get3A_114 = arith.index_cast %add3A_105 : i32 to index
        %get3A_115 = arith.constant 0 : index
        %get3A_116 = tpu.vector_load %arg10[%get3A_114, %get3A_115] {strides = array<i32>} : memref<128x128xf32, #tpu.memory_space<vmem>>, vector<16xf32>,
        %mul3A_117 = arith.mulf %get3A_116, %gather3A : vector<16xf32>
        %add3A_118 = arith.addf %mul3A_113, %mul3A_117 : vector<16xf32>
        %swap3A = arith.index_cast %add3A_105 : i32 to index
        %swap3A_119 = arith.constant 0 : index
        %swap3A_120 = tpu.vector_load %arg11[%swap3A, %swap3A_119] {strides = array<i32>} : memref<128x128xf32, #tpu.memory_space<vmem>>, vector<16xf32>,
        tpu.vector_store %arg11[%swap3A, %swap3A_119], %add3A_118 {strides = array<i32>} : memref<128x128xf32, #tpu.memory_space<vmem>>, vector<16xf32>,
        %get3A_121 = arith.index_cast %add3A_105 : i32 to index
        %get3A_122 = arith.constant 16 : index
        %get3A_123 = tpu.vector_load %arg11[%get3A_121, %get3A_122] {strides = array<i32>} : memref<128x128xf32, #tpu.memory_space<vmem>>, vector<16xf32>,
        %mul3A_124 = arith.constant 5.000000e-01 : f32
        %mul3A_125 = vector.broadcast %mul3A_124 : f32 to vector<16xf32>
        %mul3A_126 = arith.mulf %get3A_123, %mul3A_125 : vector<16xf32>
        %get3A_127 = arith.index_cast %add3A_105 : i32 to index
        %get3A_128 = arith.constant 16 : index
        %get3A_129 = tpu.vector_load %arg10[%get3A_127, %get3A_128] {strides = array<i32>} : memref<128x128xf32, #tpu.memory_space<vmem>>, vector<16xf32>,
        %mul3A_130 = arith.mulf %get3A_129, %gather3A : vector<16xf32>
        %add3A_131 = arith.addf %mul3A_126, %mul3A_130 : vector<16xf32>
        %swap3A_132 = arith.index_cast %add3A_105 : i32 to index
        %swap3A_133 = arith.constant 16 : index
        %swap3A_134 = tpu.vector_load %arg11[%swap3A_132, %swap3A_133] {strides = array<i32>} : memref<128x128xf32, #tpu.memory_space<vmem>>, vector<16xf32>,
        tpu.vector_store %arg11[%swap3A_132, %swap3A_133], %add3A_131 {strides = array<i32>} : memref<128x128xf32, #tpu.memory_space<vmem>>, vector<16xf32>,
        %get3A_135 = arith.index_cast %add3A_105 : i32 to index
        %get3A_136 = arith.constant 32 : index
        %get3A_137 = tpu.vector_load %arg11[%get3A_135, %get3A_136] {strides = array<i32>} : memref<128x128xf32, #tpu.memory_space<vmem>>, vector<16xf32>,
        %mul3A_138 = arith.constant 5.000000e-01 : f32
        %mul3A_139 = vector.broadcast %mul3A_138 : f32 to vector<16xf32>
        %mul3A_140 = arith.mulf %get3A_137, %mul3A_139 : vector<16xf32>
        %get3A_141 = arith.index_cast %add3A_105 : i32 to index
        %get3A_142 = arith.constant 32 : index
        %get3A_143 = tpu.vector_load %arg10[%get3A_141, %get3A_142] {strides = array<i32>} : memref<128x128xf32, #tpu.memory_space<vmem>>, vector<16xf32>,
        %mul3A_144 = arith.mulf %get3A_143, %gather3A : vector<16xf32>
        %add3A_145 = arith.addf %mul3A_140, %mul3A_144 : vector<16xf32>
        %swap3A_146 = arith.index_cast %add3A_105 : i32 to index
        %swap3A_147 = arith.constant 32 : index
        %swap3A_148 = tpu.vector_load %arg11[%swap3A_146, %swap3A_147] {strides = array<i32>} : memref<128x128xf32, #tpu.memory_space<vmem>>, vector<16xf32>,
        tpu.vector_store %arg11[%swap3A_146, %swap3A_147], %add3A_145 {strides = array<i32>} : memref<128x128xf32, #tpu.memory_space<vmem>>, vector<16xf32>,
        %get3A_149 = arith.index_cast %add3A_105 : i32 to index
        %get3A_150 = arith.constant 48 : index
        %get3A_151 = tpu.vector_load %arg11[%get3A_149, %get3A_150] {strides = array<i32>} : memref<128x128xf32, #tpu.memory_space<vmem>>, vector<16xf32>,
        %mul3A_152 = arith.constant 5.000000e-01 : f32
        %mul3A_153 = vector.broadcast %mul3A_152 : f32 to vector<16xf32>
        %mul3A_154 = arith.mulf %get3A_151, %mul3A_153 : vector<16xf32>
        %get3A_155 = arith.index_cast %add3A_105 : i32 to index
        %get3A_156 = arith.constant 48 : index
        %get3A_157 = tpu.vector_load %arg10[%get3A_155, %get3A_156] {strides = array<i32>} : memref<128x128xf32, #tpu.memory_space<vmem>>, vector<16xf32>,
        %mul3A_158 = arith.mulf %get3A_157, %gather3A : vector<16xf32>
        %add3A_159 = arith.addf %mul3A_154, %mul3A_158 : vector<16xf32>
        %swap3A_160 = arith.index_cast %add3A_105 : i32 to index
        %swap3A_161 = arith.constant 48 : index
        %swap3A_162 = tpu.vector_load %arg11[%swap3A_160, %swap3A_161] {strides = array<i32>} : memref<128x128xf32, #tpu.memory_space<vmem>>, vector<16xf32>,
        tpu.vector_store %arg11[%swap3A_160, %swap3A_161], %add3A_159 {strides = array<i32>} : memref<128x128xf32, #tpu.memory_space<vmem>>, vector<16xf32>,
        %get3A_163 = arith.index_cast %add3A_105 : i32 to index
        %get3A_164 = arith.constant 64 : index
        %get3A_165 = tpu.vector_load %arg11[%get3A_163, %get3A_164] {strides = array<i32>} : memref<128x128xf32, #tpu.memory_space<vmem>>, vector<16xf32>,
        %mul3A_166 = arith.constant 5.000000e-01 : f32
        %mul3A_167 = vector.broadcast %mul3A_166 : f32 to vector<16xf32>
        %mul3A_168 = arith.mulf %get3A_165, %mul3A_167 : vector<16xf32>
        %get3A_169 = arith.index_cast %add3A_105 : i32 to index
        %get3A_170 = arith.constant 64 : index
        %get3A_171 = tpu.vector_load %arg10[%get3A_169, %get3A_170] {strides = array<i32>} : memref<128x128xf32, #tpu.memory_space<vmem>>, vector<16xf32>,
        %mul3A_172 = arith.mulf %get3A_171, %gather3A : vector<16xf32>
        %add3A_173 = arith.addf %mul3A_168, %mul3A_172 : vector<16xf32>
        %swap3A_174 = arith.index_cast %add3A_105 : i32 to index
        %swap3A_175 = arith.constant 64 : index
        %swap3A_176 = tpu.vector_load %arg11[%swap3A_174, %swap3A_175] {strides = array<i32>} : memref<128x128xf32, #tpu.memory_space<vmem>>, vector<16xf32>,
        tpu.vector_store %arg11[%swap3A_174, %swap3A_175], %add3A_173 {strides = array<i32>} : memref<128x128xf32, #tpu.memory_space<vmem>>, vector<16xf32>,
        %get3A_177 = arith.index_cast %add3A_105 : i32 to index
        %get3A_178 = arith.constant 80 : index
        %get3A_179 = tpu.vector_load %arg11[%get3A_177, %get3A_178] {strides = array<i32>} : memref<128x128xf32, #tpu.memory_space<vmem>>, vector<16xf32>,
        %mul3A_180 = arith.constant 5.000000e-01 : f32
        %mul3A_181 = vector.broadcast %mul3A_180 : f32 to vector<16xf32>
        %mul3A_182 = arith.mulf %get3A_179, %mul3A_181 : vector<16xf32>
        %get3A_183 = arith.index_cast %add3A_105 : i32 to index
        %get3A_184 = arith.constant 80 : index
        %get3A_185 = tpu.vector_load %arg10[%get3A_183, %get3A_184] {strides = array<i32>} : memref<128x128xf32, #tpu.memory_space<vmem>>, vector<16xf32>,
        %mul3A_186 = arith.mulf %get3A_185, %gather3A : vector<16xf32>
        %add3A_187 = arith.addf %mul3A_182, %mul3A_186 : vector<16xf32>
        %swap3A_188 = arith.index_cast %add3A_105 : i32 to index
        %swap3A_189 = arith.constant 80 : index
        %swap3A_190 = tpu.vector_load %arg11[%swap3A_188, %swap3A_189] {strides = array<i32>} : memref<128x128xf32, #tpu.memory_space<vmem>>, vector<16xf32>,
        tpu.vector_store %arg11[%swap3A_188, %swap3A_189], %add3A_187 {strides = array<i32>} : memref<128x128xf32, #tpu.memory_space<vmem>>, vector<16xf32>,
        %get3A_191 = arith.index_cast %add3A_105 : i32 to index
        %get3A_192 = arith.constant 96 : index
        %get3A_193 = tpu.vector_load %arg11[%get3A_191, %get3A_192] {strides = array<i32>} : memref<128x128xf32, #tpu.memory_space<vmem>>, vector<16xf32>,
        %mul3A_194 = arith.constant 5.000000e-01 : f32
        %mul3A_195 = vector.broadcast %mul3A_194 : f32 to vector<16xf32>
        %mul3A_196 = arith.mulf %get3A_193, %mul3A_195 : vector<16xf32>
        %get3A_197 = arith.index_cast %add3A_105 : i32 to index
        %get3A_198 = arith.constant 96 : index
        %get3A_199 = tpu.vector_load %arg10[%get3A_197, %get3A_198] {strides = array<i32>} : memref<128x128xf32, #tpu.memory_space<vmem>>, vector<16xf32>,
        %mul3A_200 = arith.mulf %get3A_199, %gather3A : vector<16xf32>
        %add3A_201 = arith.addf %mul3A_196, %mul3A_200 : vector<16xf32>
        %swap3A_202 = arith.index_cast %add3A_105 : i32 to index
        %swap3A_203 = arith.constant 96 : index
        %swap3A_204 = tpu.vector_load %arg11[%swap3A_202, %swap3A_203] {strides = array<i32>} : memref<128x128xf32, #tpu.memory_space<vmem>>, vector<16xf32>,
        tpu.vector_store %arg11[%swap3A_202, %swap3A_203], %add3A_201 {strides = array<i32>} : memref<128x128xf32, #tpu.memory_space<vmem>>, vector<16xf32>,
        %get3A_205 = arith.index_cast %add3A_105 : i32 to index
        %get3A_206 = arith.constant 112 : index
        %get3A_207 = tpu.vector_load %arg11[%get3A_205, %get3A_206] {strides = array<i32>} : memref<128x128xf32, #tpu.memory_space<vmem>>, vector<16xf32>,
        %mul3A_208 = arith.constant 5.000000e-01 : f32
        %mul3A_209 = vector.broadcast %mul3A_208 : f32 to vector<16xf32>
        %mul3A_210 = arith.mulf %get3A_207, %mul3A_209 : vector<16xf32>
        %get3A_211 = arith.index_cast %add3A_105 : i32 to index
        %get3A_212 = arith.constant 112 : index
        %get3A_213 = tpu.vector_load %arg10[%get3A_211, %get3A_212] {strides = array<i32>} : memref<128x128xf32, #tpu.memory_space<vmem>>, vector<16xf32>,
        %mul3A_214 = arith.mulf %get3A_213, %gather3A : vector<16xf32>
        %add3A_215 = arith.addf %mul3A_210, %mul3A_214 : vector<16xf32>
        %swap3A_216 = arith.index_cast %add3A_105 : i32 to index
        %swap3A_217 = arith.constant 112 : index
        %swap3A_218 = tpu.vector_load %arg11[%swap3A_216, %swap3A_217] {strides = array<i32>} : memref<128x128xf32, #tpu.memory_space<vmem>>, vector<16xf32>,
        tpu.vector_store %arg11[%swap3A_216, %swap3A_217], %add3A_215 {strides = array<i32>} : memref<128x128xf32, #tpu.memory_space<vmem>>, vector<16xf32>,
      }
      %scan3A_95 = arith.constant 128 : i32
      "tpu.region"() ({
        %run_scoped3A = tpu.sem_alloc : memref<!tpu.dma_semaphore, #tpu.memory_space<semaphore_mem>>
        %dma_start3A = arith.constant 0 : i32
        %dma_start3A_101 = tpu.memref_slice %arg6[%add3A_90, %dma_start3A] : memref<20480x128xf32, #tpu.memory_space<hbm>> -> memref<128x128xf32, #tpu.memory_space<hbm>>
        %dma_start3A_102 = arith.constant 0 : i32
        %dma_start3A_103 = tpu.memref_slice %arg6[%add3A_90, %dma_start3A_102] : memref<20480x128xf32, #tpu.memory_space<hbm>> -> memref<128x128xf32, #tpu.memory_space<hbm>>
        tpu.enqueue_dma source(%arg11 : memref<128x128xf32, #tpu.memory_space<vmem>>) target(%dma_start3A_103 : memref<128x128xf32, #tpu.memory_space<hbm>>) target_semaphore(%run_scoped3A : memref<!tpu.dma_semaphore, #tpu.memory_space<semaphore_mem>>)
        %dma_wait3A = arith.constant 0 : i32
        %dma_wait3A_104 = tpu.memref_slice %arg6[%add3A_90, %dma_wait3A] : memref<20480x128xf32, #tpu.memory_space<hbm>> -> memref<128x128xf32, #tpu.memory_space<hbm>>
        %dma_wait3A_105 = arith.constant 0 : i32
        %dma_wait3A_106 = tpu.memref_slice %arg6[%add3A_90, %dma_wait3A_105] : memref<20480x128xf32, #tpu.memory_space<hbm>> -> memref<128x128xf32, #tpu.memory_space<hbm>>
        tpu.wait_dma2 semaphore(%run_scoped3A : memref<!tpu.dma_semaphore, #tpu.memory_space<semaphore_mem>>) src(%arg11 : memref<128x128xf32, #tpu.memory_space<vmem>>) dst(%dma_wait3A_106 : memref<128x128xf32, #tpu.memory_space<hbm>>)
        tpu.yield
      }) : () -> ()
      %scan3A_96 = arith.constant 0 : i32
      %scan3A_97 = arith.constant 8 : i32
      %scan3A_98 = arith.addi %scan3A_96, %scan3A_97 : i32
      %scan3A_99 = arith.constant 1 : i32
      scf.for %scan3A_101 = %scan3A_96 to %scan3A_98 step %scan3A_99  : i32 {
        %mul3A_102 = arith.constant 1 : i32
        %mul3A_103 = arith.muli %scan3A_101, %mul3A_102 : i32
        %add3A_104 = arith.constant 0 : i32
        %add3A_105 = arith.addi %add3A_104, %mul3A_103 : i32
        %mul3A_106 = arith.constant 16 : i32
        %mul3A_107 = arith.muli %add3A_105, %mul3A_106 : i32
        %add3A_108 = arith.addi %add3A_87, %mul3A_107 : i32
        "tpu.region"() ({
          %run_scoped3A = tpu.sem_alloc : memref<!tpu.dma_semaphore, #tpu.memory_space<semaphore_mem>>
          %dma_start3A = arith.constant 0 : i32
          %dma_start3A_109 = tpu.memref_slice %arg7[%add3A_108, %dma_start3A] : memref<10240x128xf32, #tpu.memory_space<vmem_shared>> -> memref<16x128xf32, #tpu.memory_space<vmem_shared>>
          %dma_start3A_110 = arith.constant 0 : i32
          %dma_start3A_111 = tpu.memref_slice %arg7[%add3A_108, %dma_start3A_110] : memref<10240x128xf32, #tpu.memory_space<vmem_shared>> -> memref<16x128xf32, #tpu.memory_space<vmem_shared>>
          tpu.enqueue_dma source(%arg12 : memref<16x128xf32, #tpu.memory_space<vmem>>) target(%dma_start3A_111 : memref<16x128xf32, #tpu.memory_space<vmem_shared>>) target_semaphore(%run_scoped3A : memref<!tpu.dma_semaphore, #tpu.memory_space<semaphore_mem>>)
          %dma_wait3A = arith.constant 0 : i32
          %dma_wait3A_112 = tpu.memref_slice %arg7[%add3A_108, %dma_wait3A] : memref<10240x128xf32, #tpu.memory_space<vmem_shared>> -> memref<16x128xf32, #tpu.memory_space<vmem_shared>>
          %dma_wait3A_113 = arith.constant 0 : i32
          %dma_wait3A_114 = tpu.memref_slice %arg7[%add3A_108, %dma_wait3A_113] : memref<10240x128xf32, #tpu.memory_space<vmem_shared>> -> memref<16x128xf32, #tpu.memory_space<vmem_shared>>
          tpu.wait_dma2 semaphore(%run_scoped3A : memref<!tpu.dma_semaphore, #tpu.memory_space<semaphore_mem>>) src(%arg12 : memref<16x128xf32, #tpu.memory_space<vmem>>) dst(%dma_wait3A_114 : memref<16x128xf32, #tpu.memory_space<vmem_shared>>)
          tpu.yield
        }) : () -> ()
      }
      %scan3A_100 = arith.constant 8 : i32
    }
    %scan3A_54 = arith.constant 5 : i32
    %barrier3A_55 = arith.constant 0 : index
    tpu.barrier barrier_id(%barrier3A_55)
    %scan3A_56 = arith.constant 0 : i32
    %scan3A_57 = arith.constant 157 : i32
    %scan3A_58 = arith.addi %scan3A_56, %scan3A_57 : i32
    %scan3A_59 = arith.constant 1 : i32
    scf.for %scan3A_80 = %scan3A_56 to %scan3A_58 step %scan3A_59  : i32 {
      %mul3A = arith.constant 1 : i32
      %mul3A_81 = arith.muli %scan3A_80, %mul3A : i32
      %add3A = arith.constant 0 : i32
      %add3A_82 = arith.addi %add3A, %mul3A_81 : i32
      %mul3A_83 = arith.constant 157 : i32
      %mul3A_84 = arith.muli %arg1, %mul3A_83 : i32
      %add3A_85 = arith.addi %mul3A_84, %add3A_82 : i32
      %mul3A_86 = arith.constant 128 : i32
      %mul3A_87 = arith.muli %add3A_85, %mul3A_86 : i32
      "tpu.region"() ({
        %run_scoped3A_93 = tpu.sem_alloc : memref<!tpu.dma_semaphore, #tpu.memory_space<semaphore_mem>>
        %dma_start3A_94 = tpu.memref_slice %arg3[%arg0, %mul3A_87] : memref<2x321536xi32, #tpu.memory_space<hbm>> -> memref<1x128xi32, #tpu.memory_space<hbm>>
        %dma_start3A_95 = tpu.memref_squeeze %dma_start3A_94 : memref<1x128xi32, #tpu.memory_space<hbm>> -> memref<128xi32, #tpu.memory_space<hbm>>
        %dma_start3A_96 = tpu.memref_slice %arg3[%arg0, %mul3A_87] : memref<2x321536xi32, #tpu.memory_space<hbm>> -> memref<1x128xi32, #tpu.memory_space<hbm>>
        %dma_start3A_97 = tpu.memref_squeeze %dma_start3A_96 : memref<1x128xi32, #tpu.memory_space<hbm>> -> memref<128xi32, #tpu.memory_space<hbm>>
        tpu.enqueue_dma source(%dma_start3A_97 : memref<128xi32, #tpu.memory_space<hbm>>) target(%arg8 : memref<128xi32, #tpu.memory_space<vmem>>) target_semaphore(%run_scoped3A_93 : memref<!tpu.dma_semaphore, #tpu.memory_space<semaphore_mem>>)
        %dma_wait3A_98 = tpu.memref_slice %arg3[%arg0, %mul3A_87] : memref<2x321536xi32, #tpu.memory_space<hbm>> -> memref<1x128xi32, #tpu.memory_space<hbm>>
        %dma_wait3A_99 = tpu.memref_squeeze %dma_wait3A_98 : memref<1x128xi32, #tpu.memory_space<hbm>> -> memref<128xi32, #tpu.memory_space<hbm>>
        %dma_wait3A_100 = tpu.memref_slice %arg3[%arg0, %mul3A_87] : memref<2x321536xi32, #tpu.memory_space<hbm>> -> memref<1x128xi32, #tpu.memory_space<hbm>>
        %dma_wait3A_101 = tpu.memref_squeeze %dma_wait3A_100 : memref<1x128xi32, #tpu.memory_space<hbm>> -> memref<128xi32, #tpu.memory_space<hbm>>
        tpu.wait_dma2 semaphore(%run_scoped3A_93 : memref<!tpu.dma_semaphore, #tpu.memory_space<semaphore_mem>>) src(%dma_wait3A_101 : memref<128xi32, #tpu.memory_space<hbm>>) dst(%arg8 : memref<128xi32, #tpu.memory_space<vmem>>)
        tpu.yield
      }) : () -> ()
      %run_scoped3A = arith.constant 0 : i32
      "tpu.region"() ({
        %run_scoped3A_93 = tpu.sem_alloc : memref<!tpu.dma_semaphore, #tpu.memory_space<semaphore_mem>>
        %dma_start3A_94 = arith.constant 0 : i32
        %dma_start3A_95 = tpu.memref_slice %arg9[%run_scoped3A, %dma_start3A_94] : memref<1x128xi32, #tpu.memory_space<vmem>> -> memref<1x128xi32, #tpu.memory_space<vmem>>
        %dma_start3A_96 = tpu.memref_squeeze %dma_start3A_95 : memref<1x128xi32, #tpu.memory_space<vmem>> -> memref<128xi32, #tpu.memory_space<vmem>>
        %dma_start3A_97 = tpu.memref_slice %arg4[%mul3A_87] : memref<321536xi32, #tpu.memory_space<hbm>> -> memref<128xi32, #tpu.memory_space<hbm>>
        %dma_start3A_98 = arith.constant 0 : i32
        %dma_start3A_99 = tpu.memref_slice %arg9[%run_scoped3A, %dma_start3A_98] : memref<1x128xi32, #tpu.memory_space<vmem>> -> memref<1x128xi32, #tpu.memory_space<vmem>>
        %dma_start3A_100 = tpu.memref_squeeze %dma_start3A_99 : memref<1x128xi32, #tpu.memory_space<vmem>> -> memref<128xi32, #tpu.memory_space<vmem>>
        %dma_start3A_101 = tpu.memref_slice %arg4[%mul3A_87] : memref<321536xi32, #tpu.memory_space<hbm>> -> memref<128xi32, #tpu.memory_space<hbm>>
        tpu.enqueue_dma source(%dma_start3A_101 : memref<128xi32, #tpu.memory_space<hbm>>) target(%dma_start3A_100 : memref<128xi32, #tpu.memory_space<vmem>>) target_semaphore(%run_scoped3A_93 : memref<!tpu.dma_semaphore, #tpu.memory_space<semaphore_mem>>)
        %dma_wait3A_102 = arith.constant 0 : i32
        %dma_wait3A_103 = tpu.memref_slice %arg9[%run_scoped3A, %dma_wait3A_102] : memref<1x128xi32, #tpu.memory_space<vmem>> -> memref<1x128xi32, #tpu.memory_space<vmem>>
        %dma_wait3A_104 = tpu.memref_squeeze %dma_wait3A_103 : memref<1x128xi32, #tpu.memory_space<vmem>> -> memref<128xi32, #tpu.memory_space<vmem>>
        %dma_wait3A_105 = tpu.memref_slice %arg4[%mul3A_87] : memref<321536xi32, #tpu.memory_space<hbm>> -> memref<128xi32, #tpu.memory_space<hbm>>
        %dma_wait3A_106 = arith.constant 0 : i32
        %dma_wait3A_107 = tpu.memref_slice %arg9[%run_scoped3A, %dma_wait3A_106] : memref<1x128xi32, #tpu.memory_space<vmem>> -> memref<1x128xi32, #tpu.memory_space<vmem>>
        %dma_wait3A_108 = tpu.memref_squeeze %dma_wait3A_107 : memref<1x128xi32, #tpu.memory_space<vmem>> -> memref<128xi32, #tpu.memory_space<vmem>>
        %dma_wait3A_109 = tpu.memref_slice %arg4[%mul3A_87] : memref<321536xi32, #tpu.memory_space<hbm>> -> memref<128xi32, #tpu.memory_space<hbm>>
        tpu.wait_dma2 semaphore(%run_scoped3A_93 : memref<!tpu.dma_semaphore, #tpu.memory_space<semaphore_mem>>) src(%dma_wait3A_109 : memref<128xi32, #tpu.memory_space<hbm>>) dst(%dma_wait3A_108 : memref<128xi32, #tpu.memory_space<vmem>>)
        tpu.yield
      }) : () -> ()
      %dma_start3A = arith.constant 0 : i32
      %dma_start3A_88 = arith.constant 0 : i32
      %dma_start3A_89 = tpu.memref_slice %arg6[%dma_start3A, %dma_start3A_88] : memref<20480x128xf32, #tpu.memory_space<hbm>> -> memref<20480x128xf32, #tpu.memory_space<hbm>>
      tpu.enqueue_indirect_dma source(%dma_start3A_89 : memref<20480x128xf32, #tpu.memory_space<hbm>>) target(%arg10 : memref<128x128xf32, #tpu.memory_space<vmem>>) offsets(%arg8 : memref<128xi32, #tpu.memory_space<vmem>>) semaphore(%arg14 : memref<!tpu.dma_semaphore, #tpu.memory_space<semaphore_mem>>)
      %dma_wait3A = arith.constant 0 : i32
      %dma_wait3A_90 = arith.constant 0 : i32
      %dma_wait3A_91 = tpu.memref_slice %arg6[%dma_wait3A, %dma_wait3A_90] : memref<20480x128xf32, #tpu.memory_space<hbm>> -> memref<20480x128xf32, #tpu.memory_space<hbm>>
      tpu.wait_indirect_dma semaphore(%arg14 : memref<!tpu.dma_semaphore, #tpu.memory_space<semaphore_mem>>) src(%dma_wait3A_91 : memref<20480x128xf32, #tpu.memory_space<hbm>>) dst(%arg10 : memref<128x128xf32, #tpu.memory_space<vmem>>)
      %run_scoped3A_92 = arith.constant 0 : i32
      "tpu.region"() ({
        %run_scoped3A_93 = tpu.sem_alloc : memref<!tpu.dma_semaphore, #tpu.memory_space<semaphore_mem>>
        %dma_start3A_94 = arith.constant 0 : i32
        %dma_start3A_95 = tpu.memref_slice %arg9[%run_scoped3A_92, %dma_start3A_94] : memref<1x128xi32, #tpu.memory_space<vmem>> -> memref<1x128xi32, #tpu.memory_space<vmem>>
        %dma_start3A_96 = tpu.memref_squeeze %dma_start3A_95 : memref<1x128xi32, #tpu.memory_space<vmem>> -> memref<128xi32, #tpu.memory_space<vmem>>
        %dma_start3A_97 = arith.constant 0 : i32
        %dma_start3A_98 = arith.constant 0 : i32
        %dma_start3A_99 = tpu.memref_slice %arg7[%dma_start3A_97, %dma_start3A_98] : memref<10240x128xf32, #tpu.memory_space<vmem_shared>> -> memref<10240x128xf32, #tpu.memory_space<vmem_shared>>
        tpu.enqueue_indirect_dma source(%arg10 : memref<128x128xf32, #tpu.memory_space<vmem>>) target(%dma_start3A_99 : memref<10240x128xf32, #tpu.memory_space<vmem_shared>>) offsets(%dma_start3A_96 : memref<128xi32, #tpu.memory_space<vmem>>) semaphore(%run_scoped3A_93 : memref<!tpu.dma_semaphore, #tpu.memory_space<semaphore_mem>>) {add = true}
        %dma_wait3A_100 = arith.constant 0 : i32
        %dma_wait3A_101 = tpu.memref_slice %arg9[%run_scoped3A_92, %dma_wait3A_100] : memref<1x128xi32, #tpu.memory_space<vmem>> -> memref<1x128xi32, #tpu.memory_space<vmem>>
        %dma_wait3A_102 = tpu.memref_squeeze %dma_wait3A_101 : memref<1x128xi32, #tpu.memory_space<vmem>> -> memref<128xi32, #tpu.memory_space<vmem>>
        %dma_wait3A_103 = arith.constant 0 : i32
        %dma_wait3A_104 = arith.constant 0 : i32
        %dma_wait3A_105 = tpu.memref_slice %arg7[%dma_wait3A_103, %dma_wait3A_104] : memref<10240x128xf32, #tpu.memory_space<vmem_shared>> -> memref<10240x128xf32, #tpu.memory_space<vmem_shared>>
        tpu.wait_indirect_dma semaphore(%run_scoped3A_93 : memref<!tpu.dma_semaphore, #tpu.memory_space<semaphore_mem>>) src(%arg10 : memref<128x128xf32, #tpu.memory_space<vmem>>) dst(%dma_wait3A_105 : memref<10240x128xf32, #tpu.memory_space<vmem_shared>>)
        tpu.yield
      }) : () -> ()
    }
    %scan3A_60 = arith.constant 157 : i32
    %barrier3A_61 = arith.constant 0 : index
    tpu.barrier barrier_id(%barrier3A_61)
    %scan3A_62 = arith.constant 0 : i32
    %scan3A_63 = arith.constant 5 : i32
    %scan3A_64 = arith.addi %scan3A_62, %scan3A_63 : i32
    %scan3A_65 = arith.constant 1 : i32
    scf.for %scan3A_80 = %scan3A_62 to %scan3A_64 step %scan3A_65  : i32 {
      %mul3A = arith.constant 1 : i32
      %mul3A_81 = arith.muli %scan3A_80, %mul3A : i32
      %add3A = arith.constant 0 : i32
      %add3A_82 = arith.addi %add3A, %mul3A_81 : i32
      %mul3A_83 = arith.constant 640 : i32
      %mul3A_84 = arith.muli %arg1, %mul3A_83 : i32
      %mul3A_85 = arith.constant 128 : i32
      %mul3A_86 = arith.muli %add3A_82, %mul3A_85 : i32
      %add3A_87 = arith.addi %mul3A_84, %mul3A_86 : i32
      %mul3A_88 = arith.constant 10240 : i32
      %mul3A_89 = arith.muli %arg0, %mul3A_88 : i32
      %add3A_90 = arith.addi %mul3A_89, %add3A_87 : i32
      "tpu.region"() ({
        %run_scoped3A = tpu.sem_alloc : memref<!tpu.dma_semaphore, #tpu.memory_space<semaphore_mem>>
        %dma_start3A = arith.constant 0 : i32
        %dma_start3A_101 = tpu.memref_slice %arg7[%add3A_87, %dma_start3A] : memref<10240x128xf32, #tpu.memory_space<vmem_shared>> -> memref<128x128xf32, #tpu.memory_space<vmem_shared>>
        %dma_start3A_102 = arith.constant 0 : i32
        %dma_start3A_103 = tpu.memref_slice %arg7[%add3A_87, %dma_start3A_102] : memref<10240x128xf32, #tpu.memory_space<vmem_shared>> -> memref<128x128xf32, #tpu.memory_space<vmem_shared>>
        tpu.enqueue_dma source(%dma_start3A_103 : memref<128x128xf32, #tpu.memory_space<vmem_shared>>) target(%arg10 : memref<128x128xf32, #tpu.memory_space<vmem>>) target_semaphore(%run_scoped3A : memref<!tpu.dma_semaphore, #tpu.memory_space<semaphore_mem>>)
        %dma_wait3A = arith.constant 0 : i32
        %dma_wait3A_104 = tpu.memref_slice %arg7[%add3A_87, %dma_wait3A] : memref<10240x128xf32, #tpu.memory_space<vmem_shared>> -> memref<128x128xf32, #tpu.memory_space<vmem_shared>>
        %dma_wait3A_105 = arith.constant 0 : i32
        %dma_wait3A_106 = tpu.memref_slice %arg7[%add3A_87, %dma_wait3A_105] : memref<10240x128xf32, #tpu.memory_space<vmem_shared>> -> memref<128x128xf32, #tpu.memory_space<vmem_shared>>
        tpu.wait_dma2 semaphore(%run_scoped3A : memref<!tpu.dma_semaphore, #tpu.memory_space<semaphore_mem>>) src(%dma_wait3A_106 : memref<128x128xf32, #tpu.memory_space<vmem_shared>>) dst(%arg10 : memref<128x128xf32, #tpu.memory_space<vmem>>)
        tpu.yield
      }) : () -> ()
      "tpu.region"() ({
        %run_scoped3A = tpu.sem_alloc : memref<!tpu.dma_semaphore, #tpu.memory_space<semaphore_mem>>
        %dma_start3A = arith.constant 0 : i32
        %dma_start3A_101 = tpu.memref_slice %arg6[%add3A_90, %dma_start3A] : memref<20480x128xf32, #tpu.memory_space<hbm>> -> memref<128x128xf32, #tpu.memory_space<hbm>>
        %dma_start3A_102 = arith.constant 0 : i32
        %dma_start3A_103 = tpu.memref_slice %arg6[%add3A_90, %dma_start3A_102] : memref<20480x128xf32, #tpu.memory_space<hbm>> -> memref<128x128xf32, #tpu.memory_space<hbm>>
        tpu.enqueue_dma source(%dma_start3A_103 : memref<128x128xf32, #tpu.memory_space<hbm>>) target(%arg11 : memref<128x128xf32, #tpu.memory_space<vmem>>) target_semaphore(%run_scoped3A : memref<!tpu.dma_semaphore, #tpu.memory_space<semaphore_mem>>)
        %dma_wait3A = arith.constant 0 : i32
        %dma_wait3A_104 = tpu.memref_slice %arg6[%add3A_90, %dma_wait3A] : memref<20480x128xf32, #tpu.memory_space<hbm>> -> memref<128x128xf32, #tpu.memory_space<hbm>>
        %dma_wait3A_105 = arith.constant 0 : i32
        %dma_wait3A_106 = tpu.memref_slice %arg6[%add3A_90, %dma_wait3A_105] : memref<20480x128xf32, #tpu.memory_space<hbm>> -> memref<128x128xf32, #tpu.memory_space<hbm>>
        tpu.wait_dma2 semaphore(%run_scoped3A : memref<!tpu.dma_semaphore, #tpu.memory_space<semaphore_mem>>) src(%dma_wait3A_106 : memref<128x128xf32, #tpu.memory_space<hbm>>) dst(%arg11 : memref<128x128xf32, #tpu.memory_space<vmem>>)
        tpu.yield
      }) : () -> ()
      %scan3A_91 = arith.constant 0 : i32
      %scan3A_92 = arith.constant 128 : i32
      %scan3A_93 = arith.addi %scan3A_91, %scan3A_92 : i32
      %scan3A_94 = arith.constant 1 : i32
      scf.for %scan3A_101 = %scan3A_91 to %scan3A_93 step %scan3A_94  : i32 {
        %mul3A_102 = arith.constant 1 : i32
        %mul3A_103 = arith.muli %scan3A_101, %mul3A_102 : i32
        %add3A_104 = arith.constant 0 : i32
        %add3A_105 = arith.addi %add3A_104, %mul3A_103 : i32
        %mul3A_106 = arith.constant 128 : i32
        %mul3A_107 = arith.muli %add3A_82, %mul3A_106 : i32
        %add3A_108 = arith.addi %mul3A_107, %add3A_105 : i32
        %broadcast_in_dim3A = vector.broadcast %add3A_108 : i32 to vector<16xi32>
        %gather3A = tpu.vector_load_idx %arg13[%broadcast_in_dim3A] : memref<640xf32, #tpu.memory_space<vmem>>[vector<16xi32>], vector<16xf32>,
        %get3A = arith.index_cast %add3A_105 : i32 to index
        %get3A_109 = arith.constant 0 : index
        %get3A_110 = tpu.vector_load %arg11[%get3A, %get3A_109] {strides = array<i32>} : memref<128x128xf32, #tpu.memory_space<vmem>>, vector<16xf32>,
        %mul3A_111 = arith.constant 5.000000e-01 : f32
        %mul3A_112 = vector.broadcast %mul3A_111 : f32 to vector<16xf32>
        %mul3A_113 = arith.mulf %get3A_110, %mul3A_112 : vector<16xf32>
        %get3A_114 = arith.index_cast %add3A_105 : i32 to index
        %get3A_115 = arith.constant 0 : index
        %get3A_116 = tpu.vector_load %arg10[%get3A_114, %get3A_115] {strides = array<i32>} : memref<128x128xf32, #tpu.memory_space<vmem>>, vector<16xf32>,
        %mul3A_117 = arith.mulf %get3A_116, %gather3A : vector<16xf32>
        %add3A_118 = arith.addf %mul3A_113, %mul3A_117 : vector<16xf32>
        %swap3A = arith.index_cast %add3A_105 : i32 to index
        %swap3A_119 = arith.constant 0 : index
        %swap3A_120 = tpu.vector_load %arg11[%swap3A, %swap3A_119] {strides = array<i32>} : memref<128x128xf32, #tpu.memory_space<vmem>>, vector<16xf32>,
        tpu.vector_store %arg11[%swap3A, %swap3A_119], %add3A_118 {strides = array<i32>} : memref<128x128xf32, #tpu.memory_space<vmem>>, vector<16xf32>,
        %get3A_121 = arith.index_cast %add3A_105 : i32 to index
        %get3A_122 = arith.constant 16 : index
        %get3A_123 = tpu.vector_load %arg11[%get3A_121, %get3A_122] {strides = array<i32>} : memref<128x128xf32, #tpu.memory_space<vmem>>, vector<16xf32>,
        %mul3A_124 = arith.constant 5.000000e-01 : f32
        %mul3A_125 = vector.broadcast %mul3A_124 : f32 to vector<16xf32>
        %mul3A_126 = arith.mulf %get3A_123, %mul3A_125 : vector<16xf32>
        %get3A_127 = arith.index_cast %add3A_105 : i32 to index
        %get3A_128 = arith.constant 16 : index
        %get3A_129 = tpu.vector_load %arg10[%get3A_127, %get3A_128] {strides = array<i32>} : memref<128x128xf32, #tpu.memory_space<vmem>>, vector<16xf32>,
        %mul3A_130 = arith.mulf %get3A_129, %gather3A : vector<16xf32>
        %add3A_131 = arith.addf %mul3A_126, %mul3A_130 : vector<16xf32>
        %swap3A_132 = arith.index_cast %add3A_105 : i32 to index
        %swap3A_133 = arith.constant 16 : index
        %swap3A_134 = tpu.vector_load %arg11[%swap3A_132, %swap3A_133] {strides = array<i32>} : memref<128x128xf32, #tpu.memory_space<vmem>>, vector<16xf32>,
        tpu.vector_store %arg11[%swap3A_132, %swap3A_133], %add3A_131 {strides = array<i32>} : memref<128x128xf32, #tpu.memory_space<vmem>>, vector<16xf32>,
        %get3A_135 = arith.index_cast %add3A_105 : i32 to index
        %get3A_136 = arith.constant 32 : index
        %get3A_137 = tpu.vector_load %arg11[%get3A_135, %get3A_136] {strides = array<i32>} : memref<128x128xf32, #tpu.memory_space<vmem>>, vector<16xf32>,
        %mul3A_138 = arith.constant 5.000000e-01 : f32
        %mul3A_139 = vector.broadcast %mul3A_138 : f32 to vector<16xf32>
        %mul3A_140 = arith.mulf %get3A_137, %mul3A_139 : vector<16xf32>
        %get3A_141 = arith.index_cast %add3A_105 : i32 to index
        %get3A_142 = arith.constant 32 : index
        %get3A_143 = tpu.vector_load %arg10[%get3A_141, %get3A_142] {strides = array<i32>} : memref<128x128xf32, #tpu.memory_space<vmem>>, vector<16xf32>,
        %mul3A_144 = arith.mulf %get3A_143, %gather3A : vector<16xf32>
        %add3A_145 = arith.addf %mul3A_140, %mul3A_144 : vector<16xf32>
        %swap3A_146 = arith.index_cast %add3A_105 : i32 to index
        %swap3A_147 = arith.constant 32 : index
        %swap3A_148 = tpu.vector_load %arg11[%swap3A_146, %swap3A_147] {strides = array<i32>} : memref<128x128xf32, #tpu.memory_space<vmem>>, vector<16xf32>,
        tpu.vector_store %arg11[%swap3A_146, %swap3A_147], %add3A_145 {strides = array<i32>} : memref<128x128xf32, #tpu.memory_space<vmem>>, vector<16xf32>,
        %get3A_149 = arith.index_cast %add3A_105 : i32 to index
        %get3A_150 = arith.constant 48 : index
        %get3A_151 = tpu.vector_load %arg11[%get3A_149, %get3A_150] {strides = array<i32>} : memref<128x128xf32, #tpu.memory_space<vmem>>, vector<16xf32>,
        %mul3A_152 = arith.constant 5.000000e-01 : f32
        %mul3A_153 = vector.broadcast %mul3A_152 : f32 to vector<16xf32>
        %mul3A_154 = arith.mulf %get3A_151, %mul3A_153 : vector<16xf32>
        %get3A_155 = arith.index_cast %add3A_105 : i32 to index
        %get3A_156 = arith.constant 48 : index
        %get3A_157 = tpu.vector_load %arg10[%get3A_155, %get3A_156] {strides = array<i32>} : memref<128x128xf32, #tpu.memory_space<vmem>>, vector<16xf32>,
        %mul3A_158 = arith.mulf %get3A_157, %gather3A : vector<16xf32>
        %add3A_159 = arith.addf %mul3A_154, %mul3A_158 : vector<16xf32>
        %swap3A_160 = arith.index_cast %add3A_105 : i32 to index
        %swap3A_161 = arith.constant 48 : index
        %swap3A_162 = tpu.vector_load %arg11[%swap3A_160, %swap3A_161] {strides = array<i32>} : memref<128x128xf32, #tpu.memory_space<vmem>>, vector<16xf32>,
        tpu.vector_store %arg11[%swap3A_160, %swap3A_161], %add3A_159 {strides = array<i32>} : memref<128x128xf32, #tpu.memory_space<vmem>>, vector<16xf32>,
        %get3A_163 = arith.index_cast %add3A_105 : i32 to index
        %get3A_164 = arith.constant 64 : index
        %get3A_165 = tpu.vector_load %arg11[%get3A_163, %get3A_164] {strides = array<i32>} : memref<128x128xf32, #tpu.memory_space<vmem>>, vector<16xf32>,
        %mul3A_166 = arith.constant 5.000000e-01 : f32
        %mul3A_167 = vector.broadcast %mul3A_166 : f32 to vector<16xf32>
        %mul3A_168 = arith.mulf %get3A_165, %mul3A_167 : vector<16xf32>
        %get3A_169 = arith.index_cast %add3A_105 : i32 to index
        %get3A_170 = arith.constant 64 : index
        %get3A_171 = tpu.vector_load %arg10[%get3A_169, %get3A_170] {strides = array<i32>} : memref<128x128xf32, #tpu.memory_space<vmem>>, vector<16xf32>,
        %mul3A_172 = arith.mulf %get3A_171, %gather3A : vector<16xf32>
        %add3A_173 = arith.addf %mul3A_168, %mul3A_172 : vector<16xf32>
        %swap3A_174 = arith.index_cast %add3A_105 : i32 to index
        %swap3A_175 = arith.constant 64 : index
        %swap3A_176 = tpu.vector_load %arg11[%swap3A_174, %swap3A_175] {strides = array<i32>} : memref<128x128xf32, #tpu.memory_space<vmem>>, vector<16xf32>,
        tpu.vector_store %arg11[%swap3A_174, %swap3A_175], %add3A_173 {strides = array<i32>} : memref<128x128xf32, #tpu.memory_space<vmem>>, vector<16xf32>,
        %get3A_177 = arith.index_cast %add3A_105 : i32 to index
        %get3A_178 = arith.constant 80 : index
        %get3A_179 = tpu.vector_load %arg11[%get3A_177, %get3A_178] {strides = array<i32>} : memref<128x128xf32, #tpu.memory_space<vmem>>, vector<16xf32>,
        %mul3A_180 = arith.constant 5.000000e-01 : f32
        %mul3A_181 = vector.broadcast %mul3A_180 : f32 to vector<16xf32>
        %mul3A_182 = arith.mulf %get3A_179, %mul3A_181 : vector<16xf32>
        %get3A_183 = arith.index_cast %add3A_105 : i32 to index
        %get3A_184 = arith.constant 80 : index
        %get3A_185 = tpu.vector_load %arg10[%get3A_183, %get3A_184] {strides = array<i32>} : memref<128x128xf32, #tpu.memory_space<vmem>>, vector<16xf32>,
        %mul3A_186 = arith.mulf %get3A_185, %gather3A : vector<16xf32>
        %add3A_187 = arith.addf %mul3A_182, %mul3A_186 : vector<16xf32>
        %swap3A_188 = arith.index_cast %add3A_105 : i32 to index
        %swap3A_189 = arith.constant 80 : index
        %swap3A_190 = tpu.vector_load %arg11[%swap3A_188, %swap3A_189] {strides = array<i32>} : memref<128x128xf32, #tpu.memory_space<vmem>>, vector<16xf32>,
        tpu.vector_store %arg11[%swap3A_188, %swap3A_189], %add3A_187 {strides = array<i32>} : memref<128x128xf32, #tpu.memory_space<vmem>>, vector<16xf32>,
        %get3A_191 = arith.index_cast %add3A_105 : i32 to index
        %get3A_192 = arith.constant 96 : index
        %get3A_193 = tpu.vector_load %arg11[%get3A_191, %get3A_192] {strides = array<i32>} : memref<128x128xf32, #tpu.memory_space<vmem>>, vector<16xf32>,
        %mul3A_194 = arith.constant 5.000000e-01 : f32
        %mul3A_195 = vector.broadcast %mul3A_194 : f32 to vector<16xf32>
        %mul3A_196 = arith.mulf %get3A_193, %mul3A_195 : vector<16xf32>
        %get3A_197 = arith.index_cast %add3A_105 : i32 to index
        %get3A_198 = arith.constant 96 : index
        %get3A_199 = tpu.vector_load %arg10[%get3A_197, %get3A_198] {strides = array<i32>} : memref<128x128xf32, #tpu.memory_space<vmem>>, vector<16xf32>,
        %mul3A_200 = arith.mulf %get3A_199, %gather3A : vector<16xf32>
        %add3A_201 = arith.addf %mul3A_196, %mul3A_200 : vector<16xf32>
        %swap3A_202 = arith.index_cast %add3A_105 : i32 to index
        %swap3A_203 = arith.constant 96 : index
        %swap3A_204 = tpu.vector_load %arg11[%swap3A_202, %swap3A_203] {strides = array<i32>} : memref<128x128xf32, #tpu.memory_space<vmem>>, vector<16xf32>,
        tpu.vector_store %arg11[%swap3A_202, %swap3A_203], %add3A_201 {strides = array<i32>} : memref<128x128xf32, #tpu.memory_space<vmem>>, vector<16xf32>,
        %get3A_205 = arith.index_cast %add3A_105 : i32 to index
        %get3A_206 = arith.constant 112 : index
        %get3A_207 = tpu.vector_load %arg11[%get3A_205, %get3A_206] {strides = array<i32>} : memref<128x128xf32, #tpu.memory_space<vmem>>, vector<16xf32>,
        %mul3A_208 = arith.constant 5.000000e-01 : f32
        %mul3A_209 = vector.broadcast %mul3A_208 : f32 to vector<16xf32>
        %mul3A_210 = arith.mulf %get3A_207, %mul3A_209 : vector<16xf32>
        %get3A_211 = arith.index_cast %add3A_105 : i32 to index
        %get3A_212 = arith.constant 112 : index
        %get3A_213 = tpu.vector_load %arg10[%get3A_211, %get3A_212] {strides = array<i32>} : memref<128x128xf32, #tpu.memory_space<vmem>>, vector<16xf32>,
        %mul3A_214 = arith.mulf %get3A_213, %gather3A : vector<16xf32>
        %add3A_215 = arith.addf %mul3A_210, %mul3A_214 : vector<16xf32>
        %swap3A_216 = arith.index_cast %add3A_105 : i32 to index
        %swap3A_217 = arith.constant 112 : index
        %swap3A_218 = tpu.vector_load %arg11[%swap3A_216, %swap3A_217] {strides = array<i32>} : memref<128x128xf32, #tpu.memory_space<vmem>>, vector<16xf32>,
        tpu.vector_store %arg11[%swap3A_216, %swap3A_217], %add3A_215 {strides = array<i32>} : memref<128x128xf32, #tpu.memory_space<vmem>>, vector<16xf32>,
      }
      %scan3A_95 = arith.constant 128 : i32
      "tpu.region"() ({
        %run_scoped3A = tpu.sem_alloc : memref<!tpu.dma_semaphore, #tpu.memory_space<semaphore_mem>>
        %dma_start3A = arith.constant 0 : i32
        %dma_start3A_101 = tpu.memref_slice %arg5[%add3A_90, %dma_start3A] : memref<20480x128xf32, #tpu.memory_space<hbm>> -> memref<128x128xf32, #tpu.memory_space<hbm>>
        %dma_start3A_102 = arith.constant 0 : i32
        %dma_start3A_103 = tpu.memref_slice %arg5[%add3A_90, %dma_start3A_102] : memref<20480x128xf32, #tpu.memory_space<hbm>> -> memref<128x128xf32, #tpu.memory_space<hbm>>
        tpu.enqueue_dma source(%arg11 : memref<128x128xf32, #tpu.memory_space<vmem>>) target(%dma_start3A_103 : memref<128x128xf32, #tpu.memory_space<hbm>>) target_semaphore(%run_scoped3A : memref<!tpu.dma_semaphore, #tpu.memory_space<semaphore_mem>>)
        %dma_wait3A = arith.constant 0 : i32
        %dma_wait3A_104 = tpu.memref_slice %arg5[%add3A_90, %dma_wait3A] : memref<20480x128xf32, #tpu.memory_space<hbm>> -> memref<128x128xf32, #tpu.memory_space<hbm>>
        %dma_wait3A_105 = arith.constant 0 : i32
        %dma_wait3A_106 = tpu.memref_slice %arg5[%add3A_90, %dma_wait3A_105] : memref<20480x128xf32, #tpu.memory_space<hbm>> -> memref<128x128xf32, #tpu.memory_space<hbm>>
        tpu.wait_dma2 semaphore(%run_scoped3A : memref<!tpu.dma_semaphore, #tpu.memory_space<semaphore_mem>>) src(%arg11 : memref<128x128xf32, #tpu.memory_space<vmem>>) dst(%dma_wait3A_106 : memref<128x128xf32, #tpu.memory_space<hbm>>)
        tpu.yield
      }) : () -> ()
      %scan3A_96 = arith.constant 0 : i32
      %scan3A_97 = arith.constant 8 : i32
      %scan3A_98 = arith.addi %scan3A_96, %scan3A_97 : i32
      %scan3A_99 = arith.constant 1 : i32
      scf.for %scan3A_101 = %scan3A_96 to %scan3A_98 step %scan3A_99  : i32 {
        %mul3A_102 = arith.constant 1 : i32
        %mul3A_103 = arith.muli %scan3A_101, %mul3A_102 : i32
        %add3A_104 = arith.constant 0 : i32
        %add3A_105 = arith.addi %add3A_104, %mul3A_103 : i32
        %mul3A_106 = arith.constant 16 : i32
        %mul3A_107 = arith.muli %add3A_105, %mul3A_106 : i32
        %add3A_108 = arith.addi %add3A_87, %mul3A_107 : i32
        "tpu.region"() ({
          %run_scoped3A = tpu.sem_alloc : memref<!tpu.dma_semaphore, #tpu.memory_space<semaphore_mem>>
          %dma_start3A = arith.constant 0 : i32
          %dma_start3A_109 = tpu.memref_slice %arg7[%add3A_108, %dma_start3A] : memref<10240x128xf32, #tpu.memory_space<vmem_shared>> -> memref<16x128xf32, #tpu.memory_space<vmem_shared>>
          %dma_start3A_110 = arith.constant 0 : i32
          %dma_start3A_111 = tpu.memref_slice %arg7[%add3A_108, %dma_start3A_110] : memref<10240x128xf32, #tpu.memory_space<vmem_shared>> -> memref<16x128xf32, #tpu.memory_space<vmem_shared>>
          tpu.enqueue_dma source(%arg12 : memref<16x128xf32, #tpu.memory_space<vmem>>) target(%dma_start3A_111 : memref<16x128xf32, #tpu.memory_space<vmem_shared>>) target_semaphore(%run_scoped3A : memref<!tpu.dma_semaphore, #tpu.memory_space<semaphore_mem>>)
          %dma_wait3A = arith.constant 0 : i32
          %dma_wait3A_112 = tpu.memref_slice %arg7[%add3A_108, %dma_wait3A] : memref<10240x128xf32, #tpu.memory_space<vmem_shared>> -> memref<16x128xf32, #tpu.memory_space<vmem_shared>>
          %dma_wait3A_113 = arith.constant 0 : i32
          %dma_wait3A_114 = tpu.memref_slice %arg7[%add3A_108, %dma_wait3A_113] : memref<10240x128xf32, #tpu.memory_space<vmem_shared>> -> memref<16x128xf32, #tpu.memory_space<vmem_shared>>
          tpu.wait_dma2 semaphore(%run_scoped3A : memref<!tpu.dma_semaphore, #tpu.memory_space<semaphore_mem>>) src(%arg12 : memref<16x128xf32, #tpu.memory_space<vmem>>) dst(%dma_wait3A_114 : memref<16x128xf32, #tpu.memory_space<vmem_shared>>)
          tpu.yield
        }) : () -> ()
      }
      %scan3A_100 = arith.constant 8 : i32
    }
    %scan3A_66 = arith.constant 5 : i32
    %barrier3A_67 = arith.constant 0 : index
    tpu.barrier barrier_id(%barrier3A_67)
    %scan3A_68 = arith.constant 0 : i32
    %scan3A_69 = arith.constant 157 : i32
    %scan3A_70 = arith.addi %scan3A_68, %scan3A_69 : i32
    %scan3A_71 = arith.constant 1 : i32
    scf.for %scan3A_80 = %scan3A_68 to %scan3A_70 step %scan3A_71  : i32 {
      %mul3A = arith.constant 1 : i32
      %mul3A_81 = arith.muli %scan3A_80, %mul3A : i32
      %add3A = arith.constant 0 : i32
      %add3A_82 = arith.addi %add3A, %mul3A_81 : i32
      %mul3A_83 = arith.constant 157 : i32
      %mul3A_84 = arith.muli %arg1, %mul3A_83 : i32
      %add3A_85 = arith.addi %mul3A_84, %add3A_82 : i32
      %mul3A_86 = arith.constant 128 : i32
      %mul3A_87 = arith.muli %add3A_85, %mul3A_86 : i32
      "tpu.region"() ({
        %run_scoped3A_93 = tpu.sem_alloc : memref<!tpu.dma_semaphore, #tpu.memory_space<semaphore_mem>>
        %dma_start3A_94 = tpu.memref_slice %arg3[%arg0, %mul3A_87] : memref<2x321536xi32, #tpu.memory_space<hbm>> -> memref<1x128xi32, #tpu.memory_space<hbm>>
        %dma_start3A_95 = tpu.memref_squeeze %dma_start3A_94 : memref<1x128xi32, #tpu.memory_space<hbm>> -> memref<128xi32, #tpu.memory_space<hbm>>
        %dma_start3A_96 = tpu.memref_slice %arg3[%arg0, %mul3A_87] : memref<2x321536xi32, #tpu.memory_space<hbm>> -> memref<1x128xi32, #tpu.memory_space<hbm>>
        %dma_start3A_97 = tpu.memref_squeeze %dma_start3A_96 : memref<1x128xi32, #tpu.memory_space<hbm>> -> memref<128xi32, #tpu.memory_space<hbm>>
        tpu.enqueue_dma source(%dma_start3A_97 : memref<128xi32, #tpu.memory_space<hbm>>) target(%arg8 : memref<128xi32, #tpu.memory_space<vmem>>) target_semaphore(%run_scoped3A_93 : memref<!tpu.dma_semaphore, #tpu.memory_space<semaphore_mem>>)
        %dma_wait3A_98 = tpu.memref_slice %arg3[%arg0, %mul3A_87] : memref<2x321536xi32, #tpu.memory_space<hbm>> -> memref<1x128xi32, #tpu.memory_space<hbm>>
        %dma_wait3A_99 = tpu.memref_squeeze %dma_wait3A_98 : memref<1x128xi32, #tpu.memory_space<hbm>> -> memref<128xi32, #tpu.memory_space<hbm>>
        %dma_wait3A_100 = tpu.memref_slice %arg3[%arg0, %mul3A_87] : memref<2x321536xi32, #tpu.memory_space<hbm>> -> memref<1x128xi32, #tpu.memory_space<hbm>>
        %dma_wait3A_101 = tpu.memref_squeeze %dma_wait3A_100 : memref<1x128xi32, #tpu.memory_space<hbm>> -> memref<128xi32, #tpu.memory_space<hbm>>
        tpu.wait_dma2 semaphore(%run_scoped3A_93 : memref<!tpu.dma_semaphore, #tpu.memory_space<semaphore_mem>>) src(%dma_wait3A_101 : memref<128xi32, #tpu.memory_space<hbm>>) dst(%arg8 : memref<128xi32, #tpu.memory_space<vmem>>)
        tpu.yield
      }) : () -> ()
      %run_scoped3A = arith.constant 0 : i32
      "tpu.region"() ({
        %run_scoped3A_93 = tpu.sem_alloc : memref<!tpu.dma_semaphore, #tpu.memory_space<semaphore_mem>>
        %dma_start3A_94 = arith.constant 0 : i32
        %dma_start3A_95 = tpu.memref_slice %arg9[%run_scoped3A, %dma_start3A_94] : memref<1x128xi32, #tpu.memory_space<vmem>> -> memref<1x128xi32, #tpu.memory_space<vmem>>
        %dma_start3A_96 = tpu.memref_squeeze %dma_start3A_95 : memref<1x128xi32, #tpu.memory_space<vmem>> -> memref<128xi32, #tpu.memory_space<vmem>>
        %dma_start3A_97 = tpu.memref_slice %arg4[%mul3A_87] : memref<321536xi32, #tpu.memory_space<hbm>> -> memref<128xi32, #tpu.memory_space<hbm>>
        %dma_start3A_98 = arith.constant 0 : i32
        %dma_start3A_99 = tpu.memref_slice %arg9[%run_scoped3A, %dma_start3A_98] : memref<1x128xi32, #tpu.memory_space<vmem>> -> memref<1x128xi32, #tpu.memory_space<vmem>>
        %dma_start3A_100 = tpu.memref_squeeze %dma_start3A_99 : memref<1x128xi32, #tpu.memory_space<vmem>> -> memref<128xi32, #tpu.memory_space<vmem>>
        %dma_start3A_101 = tpu.memref_slice %arg4[%mul3A_87] : memref<321536xi32, #tpu.memory_space<hbm>> -> memref<128xi32, #tpu.memory_space<hbm>>
        tpu.enqueue_dma source(%dma_start3A_101 : memref<128xi32, #tpu.memory_space<hbm>>) target(%dma_start3A_100 : memref<128xi32, #tpu.memory_space<vmem>>) target_semaphore(%run_scoped3A_93 : memref<!tpu.dma_semaphore, #tpu.memory_space<semaphore_mem>>)
        %dma_wait3A_102 = arith.constant 0 : i32
        %dma_wait3A_103 = tpu.memref_slice %arg9[%run_scoped3A, %dma_wait3A_102] : memref<1x128xi32, #tpu.memory_space<vmem>> -> memref<1x128xi32, #tpu.memory_space<vmem>>
        %dma_wait3A_104 = tpu.memref_squeeze %dma_wait3A_103 : memref<1x128xi32, #tpu.memory_space<vmem>> -> memref<128xi32, #tpu.memory_space<vmem>>
        %dma_wait3A_105 = tpu.memref_slice %arg4[%mul3A_87] : memref<321536xi32, #tpu.memory_space<hbm>> -> memref<128xi32, #tpu.memory_space<hbm>>
        %dma_wait3A_106 = arith.constant 0 : i32
        %dma_wait3A_107 = tpu.memref_slice %arg9[%run_scoped3A, %dma_wait3A_106] : memref<1x128xi32, #tpu.memory_space<vmem>> -> memref<1x128xi32, #tpu.memory_space<vmem>>
        %dma_wait3A_108 = tpu.memref_squeeze %dma_wait3A_107 : memref<1x128xi32, #tpu.memory_space<vmem>> -> memref<128xi32, #tpu.memory_space<vmem>>
        %dma_wait3A_109 = tpu.memref_slice %arg4[%mul3A_87] : memref<321536xi32, #tpu.memory_space<hbm>> -> memref<128xi32, #tpu.memory_space<hbm>>
        tpu.wait_dma2 semaphore(%run_scoped3A_93 : memref<!tpu.dma_semaphore, #tpu.memory_space<semaphore_mem>>) src(%dma_wait3A_109 : memref<128xi32, #tpu.memory_space<hbm>>) dst(%dma_wait3A_108 : memref<128xi32, #tpu.memory_space<vmem>>)
        tpu.yield
      }) : () -> ()
      %dma_start3A = arith.constant 0 : i32
      %dma_start3A_88 = arith.constant 0 : i32
      %dma_start3A_89 = tpu.memref_slice %arg5[%dma_start3A, %dma_start3A_88] : memref<20480x128xf32, #tpu.memory_space<hbm>> -> memref<20480x128xf32, #tpu.memory_space<hbm>>
      tpu.enqueue_indirect_dma source(%dma_start3A_89 : memref<20480x128xf32, #tpu.memory_space<hbm>>) target(%arg10 : memref<128x128xf32, #tpu.memory_space<vmem>>) offsets(%arg8 : memref<128xi32, #tpu.memory_space<vmem>>) semaphore(%arg14 : memref<!tpu.dma_semaphore, #tpu.memory_space<semaphore_mem>>)
      %dma_wait3A = arith.constant 0 : i32
      %dma_wait3A_90 = arith.constant 0 : i32
      %dma_wait3A_91 = tpu.memref_slice %arg5[%dma_wait3A, %dma_wait3A_90] : memref<20480x128xf32, #tpu.memory_space<hbm>> -> memref<20480x128xf32, #tpu.memory_space<hbm>>
      tpu.wait_indirect_dma semaphore(%arg14 : memref<!tpu.dma_semaphore, #tpu.memory_space<semaphore_mem>>) src(%dma_wait3A_91 : memref<20480x128xf32, #tpu.memory_space<hbm>>) dst(%arg10 : memref<128x128xf32, #tpu.memory_space<vmem>>)
      %run_scoped3A_92 = arith.constant 0 : i32
      "tpu.region"() ({
        %run_scoped3A_93 = tpu.sem_alloc : memref<!tpu.dma_semaphore, #tpu.memory_space<semaphore_mem>>
        %dma_start3A_94 = arith.constant 0 : i32
        %dma_start3A_95 = tpu.memref_slice %arg9[%run_scoped3A_92, %dma_start3A_94] : memref<1x128xi32, #tpu.memory_space<vmem>> -> memref<1x128xi32, #tpu.memory_space<vmem>>
        %dma_start3A_96 = tpu.memref_squeeze %dma_start3A_95 : memref<1x128xi32, #tpu.memory_space<vmem>> -> memref<128xi32, #tpu.memory_space<vmem>>
        %dma_start3A_97 = arith.constant 0 : i32
        %dma_start3A_98 = arith.constant 0 : i32
        %dma_start3A_99 = tpu.memref_slice %arg7[%dma_start3A_97, %dma_start3A_98] : memref<10240x128xf32, #tpu.memory_space<vmem_shared>> -> memref<10240x128xf32, #tpu.memory_space<vmem_shared>>
        tpu.enqueue_indirect_dma source(%arg10 : memref<128x128xf32, #tpu.memory_space<vmem>>) target(%dma_start3A_99 : memref<10240x128xf32, #tpu.memory_space<vmem_shared>>) offsets(%dma_start3A_96 : memref<128xi32, #tpu.memory_space<vmem>>) semaphore(%run_scoped3A_93 : memref<!tpu.dma_semaphore, #tpu.memory_space<semaphore_mem>>) {add = true}
        %dma_wait3A_100 = arith.constant 0 : i32
        %dma_wait3A_101 = tpu.memref_slice %arg9[%run_scoped3A_92, %dma_wait3A_100] : memref<1x128xi32, #tpu.memory_space<vmem>> -> memref<1x128xi32, #tpu.memory_space<vmem>>
        %dma_wait3A_102 = tpu.memref_squeeze %dma_wait3A_101 : memref<1x128xi32, #tpu.memory_space<vmem>> -> memref<128xi32, #tpu.memory_space<vmem>>
        %dma_wait3A_103 = arith.constant 0 : i32
        %dma_wait3A_104 = arith.constant 0 : i32
        %dma_wait3A_105 = tpu.memref_slice %arg7[%dma_wait3A_103, %dma_wait3A_104] : memref<10240x128xf32, #tpu.memory_space<vmem_shared>> -> memref<10240x128xf32, #tpu.memory_space<vmem_shared>>
        tpu.wait_indirect_dma semaphore(%run_scoped3A_93 : memref<!tpu.dma_semaphore, #tpu.memory_space<semaphore_mem>>) src(%arg10 : memref<128x128xf32, #tpu.memory_space<vmem>>) dst(%dma_wait3A_105 : memref<10240x128xf32, #tpu.memory_space<vmem_shared>>)
        tpu.yield
      }) : () -> ()
    }
    %scan3A_72 = arith.constant 157 : i32
    %barrier3A_73 = arith.constant 0 : index
    tpu.barrier barrier_id(%barrier3A_73)
    %scan3A_74 = arith.constant 0 : i32
    %scan3A_75 = arith.constant 5 : i32
    %scan3A_76 = arith.addi %scan3A_74, %scan3A_75 : i32
    %scan3A_77 = arith.constant 1 : i32
    scf.for %scan3A_80 = %scan3A_74 to %scan3A_76 step %scan3A_77  : i32 {
      %mul3A = arith.constant 1 : i32
      %mul3A_81 = arith.muli %scan3A_80, %mul3A : i32
      %add3A = arith.constant 0 : i32
      %add3A_82 = arith.addi %add3A, %mul3A_81 : i32
      %mul3A_83 = arith.constant 640 : i32
      %mul3A_84 = arith.muli %arg1, %mul3A_83 : i32
      %mul3A_85 = arith.constant 128 : i32
      %mul3A_86 = arith.muli %add3A_82, %mul3A_85 : i32
      %add3A_87 = arith.addi %mul3A_84, %mul3A_86 : i32
      %mul3A_88 = arith.constant 10240 : i32
      %mul3A_89 = arith.muli %arg0, %mul3A_88 : i32
      %add3A_90 = arith.addi %mul3A_89, %add3A_87 : i32
      "tpu.region"() ({
        %run_scoped3A = tpu.sem_alloc : memref<!tpu.dma_semaphore, #tpu.memory_space<semaphore_mem>>
        %dma_start3A = arith.constant 0 : i32
        %dma_start3A_101 = tpu.memref_slice %arg7[%add3A_87, %dma_start3A] : memref<10240x128xf32, #tpu.memory_space<vmem_shared>> -> memref<128x128xf32, #tpu.memory_space<vmem_shared>>
        %dma_start3A_102 = arith.constant 0 : i32
        %dma_start3A_103 = tpu.memref_slice %arg7[%add3A_87, %dma_start3A_102] : memref<10240x128xf32, #tpu.memory_space<vmem_shared>> -> memref<128x128xf32, #tpu.memory_space<vmem_shared>>
        tpu.enqueue_dma source(%dma_start3A_103 : memref<128x128xf32, #tpu.memory_space<vmem_shared>>) target(%arg10 : memref<128x128xf32, #tpu.memory_space<vmem>>) target_semaphore(%run_scoped3A : memref<!tpu.dma_semaphore, #tpu.memory_space<semaphore_mem>>)
        %dma_wait3A = arith.constant 0 : i32
        %dma_wait3A_104 = tpu.memref_slice %arg7[%add3A_87, %dma_wait3A] : memref<10240x128xf32, #tpu.memory_space<vmem_shared>> -> memref<128x128xf32, #tpu.memory_space<vmem_shared>>
        %dma_wait3A_105 = arith.constant 0 : i32
        %dma_wait3A_106 = tpu.memref_slice %arg7[%add3A_87, %dma_wait3A_105] : memref<10240x128xf32, #tpu.memory_space<vmem_shared>> -> memref<128x128xf32, #tpu.memory_space<vmem_shared>>
        tpu.wait_dma2 semaphore(%run_scoped3A : memref<!tpu.dma_semaphore, #tpu.memory_space<semaphore_mem>>) src(%dma_wait3A_106 : memref<128x128xf32, #tpu.memory_space<vmem_shared>>) dst(%arg10 : memref<128x128xf32, #tpu.memory_space<vmem>>)
        tpu.yield
      }) : () -> ()
      "tpu.region"() ({
        %run_scoped3A = tpu.sem_alloc : memref<!tpu.dma_semaphore, #tpu.memory_space<semaphore_mem>>
        %dma_start3A = arith.constant 0 : i32
        %dma_start3A_101 = tpu.memref_slice %arg5[%add3A_90, %dma_start3A] : memref<20480x128xf32, #tpu.memory_space<hbm>> -> memref<128x128xf32, #tpu.memory_space<hbm>>
        %dma_start3A_102 = arith.constant 0 : i32
        %dma_start3A_103 = tpu.memref_slice %arg5[%add3A_90, %dma_start3A_102] : memref<20480x128xf32, #tpu.memory_space<hbm>> -> memref<128x128xf32, #tpu.memory_space<hbm>>
        tpu.enqueue_dma source(%dma_start3A_103 : memref<128x128xf32, #tpu.memory_space<hbm>>) target(%arg11 : memref<128x128xf32, #tpu.memory_space<vmem>>) target_semaphore(%run_scoped3A : memref<!tpu.dma_semaphore, #tpu.memory_space<semaphore_mem>>)
        %dma_wait3A = arith.constant 0 : i32
        %dma_wait3A_104 = tpu.memref_slice %arg5[%add3A_90, %dma_wait3A] : memref<20480x128xf32, #tpu.memory_space<hbm>> -> memref<128x128xf32, #tpu.memory_space<hbm>>
        %dma_wait3A_105 = arith.constant 0 : i32
        %dma_wait3A_106 = tpu.memref_slice %arg5[%add3A_90, %dma_wait3A_105] : memref<20480x128xf32, #tpu.memory_space<hbm>> -> memref<128x128xf32, #tpu.memory_space<hbm>>
        tpu.wait_dma2 semaphore(%run_scoped3A : memref<!tpu.dma_semaphore, #tpu.memory_space<semaphore_mem>>) src(%dma_wait3A_106 : memref<128x128xf32, #tpu.memory_space<hbm>>) dst(%arg11 : memref<128x128xf32, #tpu.memory_space<vmem>>)
        tpu.yield
      }) : () -> ()
      %scan3A_91 = arith.constant 0 : i32
      %scan3A_92 = arith.constant 128 : i32
      %scan3A_93 = arith.addi %scan3A_91, %scan3A_92 : i32
      %scan3A_94 = arith.constant 1 : i32
      scf.for %scan3A_101 = %scan3A_91 to %scan3A_93 step %scan3A_94  : i32 {
        %mul3A_102 = arith.constant 1 : i32
        %mul3A_103 = arith.muli %scan3A_101, %mul3A_102 : i32
        %add3A_104 = arith.constant 0 : i32
        %add3A_105 = arith.addi %add3A_104, %mul3A_103 : i32
        %mul3A_106 = arith.constant 128 : i32
        %mul3A_107 = arith.muli %add3A_82, %mul3A_106 : i32
        %add3A_108 = arith.addi %mul3A_107, %add3A_105 : i32
        %broadcast_in_dim3A = vector.broadcast %add3A_108 : i32 to vector<16xi32>
        %gather3A = tpu.vector_load_idx %arg13[%broadcast_in_dim3A] : memref<640xf32, #tpu.memory_space<vmem>>[vector<16xi32>], vector<16xf32>,
        %get3A = arith.index_cast %add3A_105 : i32 to index
        %get3A_109 = arith.constant 0 : index
        %get3A_110 = tpu.vector_load %arg11[%get3A, %get3A_109] {strides = array<i32>} : memref<128x128xf32, #tpu.memory_space<vmem>>, vector<16xf32>,
        %mul3A_111 = arith.constant 5.000000e-01 : f32
        %mul3A_112 = vector.broadcast %mul3A_111 : f32 to vector<16xf32>
        %mul3A_113 = arith.mulf %get3A_110, %mul3A_112 : vector<16xf32>
        %get3A_114 = arith.index_cast %add3A_105 : i32 to index
        %get3A_115 = arith.constant 0 : index
        %get3A_116 = tpu.vector_load %arg10[%get3A_114, %get3A_115] {strides = array<i32>} : memref<128x128xf32, #tpu.memory_space<vmem>>, vector<16xf32>,
        %mul3A_117 = arith.mulf %get3A_116, %gather3A : vector<16xf32>
        %add3A_118 = arith.addf %mul3A_113, %mul3A_117 : vector<16xf32>
        %swap3A = arith.index_cast %add3A_105 : i32 to index
        %swap3A_119 = arith.constant 0 : index
        %swap3A_120 = tpu.vector_load %arg11[%swap3A, %swap3A_119] {strides = array<i32>} : memref<128x128xf32, #tpu.memory_space<vmem>>, vector<16xf32>,
        tpu.vector_store %arg11[%swap3A, %swap3A_119], %add3A_118 {strides = array<i32>} : memref<128x128xf32, #tpu.memory_space<vmem>>, vector<16xf32>,
        %get3A_121 = arith.index_cast %add3A_105 : i32 to index
        %get3A_122 = arith.constant 16 : index
        %get3A_123 = tpu.vector_load %arg11[%get3A_121, %get3A_122] {strides = array<i32>} : memref<128x128xf32, #tpu.memory_space<vmem>>, vector<16xf32>,
        %mul3A_124 = arith.constant 5.000000e-01 : f32
        %mul3A_125 = vector.broadcast %mul3A_124 : f32 to vector<16xf32>
        %mul3A_126 = arith.mulf %get3A_123, %mul3A_125 : vector<16xf32>
        %get3A_127 = arith.index_cast %add3A_105 : i32 to index
        %get3A_128 = arith.constant 16 : index
        %get3A_129 = tpu.vector_load %arg10[%get3A_127, %get3A_128] {strides = array<i32>} : memref<128x128xf32, #tpu.memory_space<vmem>>, vector<16xf32>,
        %mul3A_130 = arith.mulf %get3A_129, %gather3A : vector<16xf32>
        %add3A_131 = arith.addf %mul3A_126, %mul3A_130 : vector<16xf32>
        %swap3A_132 = arith.index_cast %add3A_105 : i32 to index
        %swap3A_133 = arith.constant 16 : index
        %swap3A_134 = tpu.vector_load %arg11[%swap3A_132, %swap3A_133] {strides = array<i32>} : memref<128x128xf32, #tpu.memory_space<vmem>>, vector<16xf32>,
        tpu.vector_store %arg11[%swap3A_132, %swap3A_133], %add3A_131 {strides = array<i32>} : memref<128x128xf32, #tpu.memory_space<vmem>>, vector<16xf32>,
        %get3A_135 = arith.index_cast %add3A_105 : i32 to index
        %get3A_136 = arith.constant 32 : index
        %get3A_137 = tpu.vector_load %arg11[%get3A_135, %get3A_136] {strides = array<i32>} : memref<128x128xf32, #tpu.memory_space<vmem>>, vector<16xf32>,
        %mul3A_138 = arith.constant 5.000000e-01 : f32
        %mul3A_139 = vector.broadcast %mul3A_138 : f32 to vector<16xf32>
        %mul3A_140 = arith.mulf %get3A_137, %mul3A_139 : vector<16xf32>
        %get3A_141 = arith.index_cast %add3A_105 : i32 to index
        %get3A_142 = arith.constant 32 : index
        %get3A_143 = tpu.vector_load %arg10[%get3A_141, %get3A_142] {strides = array<i32>} : memref<128x128xf32, #tpu.memory_space<vmem>>, vector<16xf32>,
        %mul3A_144 = arith.mulf %get3A_143, %gather3A : vector<16xf32>
        %add3A_145 = arith.addf %mul3A_140, %mul3A_144 : vector<16xf32>
        %swap3A_146 = arith.index_cast %add3A_105 : i32 to index
        %swap3A_147 = arith.constant 32 : index
        %swap3A_148 = tpu.vector_load %arg11[%swap3A_146, %swap3A_147] {strides = array<i32>} : memref<128x128xf32, #tpu.memory_space<vmem>>, vector<16xf32>,
        tpu.vector_store %arg11[%swap3A_146, %swap3A_147], %add3A_145 {strides = array<i32>} : memref<128x128xf32, #tpu.memory_space<vmem>>, vector<16xf32>,
        %get3A_149 = arith.index_cast %add3A_105 : i32 to index
        %get3A_150 = arith.constant 48 : index
        %get3A_151 = tpu.vector_load %arg11[%get3A_149, %get3A_150] {strides = array<i32>} : memref<128x128xf32, #tpu.memory_space<vmem>>, vector<16xf32>,
        %mul3A_152 = arith.constant 5.000000e-01 : f32
        %mul3A_153 = vector.broadcast %mul3A_152 : f32 to vector<16xf32>
        %mul3A_154 = arith.mulf %get3A_151, %mul3A_153 : vector<16xf32>
        %get3A_155 = arith.index_cast %add3A_105 : i32 to index
        %get3A_156 = arith.constant 48 : index
        %get3A_157 = tpu.vector_load %arg10[%get3A_155, %get3A_156] {strides = array<i32>} : memref<128x128xf32, #tpu.memory_space<vmem>>, vector<16xf32>,
        %mul3A_158 = arith.mulf %get3A_157, %gather3A : vector<16xf32>
        %add3A_159 = arith.addf %mul3A_154, %mul3A_158 : vector<16xf32>
        %swap3A_160 = arith.index_cast %add3A_105 : i32 to index
        %swap3A_161 = arith.constant 48 : index
        %swap3A_162 = tpu.vector_load %arg11[%swap3A_160, %swap3A_161] {strides = array<i32>} : memref<128x128xf32, #tpu.memory_space<vmem>>, vector<16xf32>,
        tpu.vector_store %arg11[%swap3A_160, %swap3A_161], %add3A_159 {strides = array<i32>} : memref<128x128xf32, #tpu.memory_space<vmem>>, vector<16xf32>,
        %get3A_163 = arith.index_cast %add3A_105 : i32 to index
        %get3A_164 = arith.constant 64 : index
        %get3A_165 = tpu.vector_load %arg11[%get3A_163, %get3A_164] {strides = array<i32>} : memref<128x128xf32, #tpu.memory_space<vmem>>, vector<16xf32>,
        %mul3A_166 = arith.constant 5.000000e-01 : f32
        %mul3A_167 = vector.broadcast %mul3A_166 : f32 to vector<16xf32>
        %mul3A_168 = arith.mulf %get3A_165, %mul3A_167 : vector<16xf32>
        %get3A_169 = arith.index_cast %add3A_105 : i32 to index
        %get3A_170 = arith.constant 64 : index
        %get3A_171 = tpu.vector_load %arg10[%get3A_169, %get3A_170] {strides = array<i32>} : memref<128x128xf32, #tpu.memory_space<vmem>>, vector<16xf32>,
        %mul3A_172 = arith.mulf %get3A_171, %gather3A : vector<16xf32>
        %add3A_173 = arith.addf %mul3A_168, %mul3A_172 : vector<16xf32>
        %swap3A_174 = arith.index_cast %add3A_105 : i32 to index
        %swap3A_175 = arith.constant 64 : index
        %swap3A_176 = tpu.vector_load %arg11[%swap3A_174, %swap3A_175] {strides = array<i32>} : memref<128x128xf32, #tpu.memory_space<vmem>>, vector<16xf32>,
        tpu.vector_store %arg11[%swap3A_174, %swap3A_175], %add3A_173 {strides = array<i32>} : memref<128x128xf32, #tpu.memory_space<vmem>>, vector<16xf32>,
        %get3A_177 = arith.index_cast %add3A_105 : i32 to index
        %get3A_178 = arith.constant 80 : index
        %get3A_179 = tpu.vector_load %arg11[%get3A_177, %get3A_178] {strides = array<i32>} : memref<128x128xf32, #tpu.memory_space<vmem>>, vector<16xf32>,
        %mul3A_180 = arith.constant 5.000000e-01 : f32
        %mul3A_181 = vector.broadcast %mul3A_180 : f32 to vector<16xf32>
        %mul3A_182 = arith.mulf %get3A_179, %mul3A_181 : vector<16xf32>
        %get3A_183 = arith.index_cast %add3A_105 : i32 to index
        %get3A_184 = arith.constant 80 : index
        %get3A_185 = tpu.vector_load %arg10[%get3A_183, %get3A_184] {strides = array<i32>} : memref<128x128xf32, #tpu.memory_space<vmem>>, vector<16xf32>,
        %mul3A_186 = arith.mulf %get3A_185, %gather3A : vector<16xf32>
        %add3A_187 = arith.addf %mul3A_182, %mul3A_186 : vector<16xf32>
        %swap3A_188 = arith.index_cast %add3A_105 : i32 to index
        %swap3A_189 = arith.constant 80 : index
        %swap3A_190 = tpu.vector_load %arg11[%swap3A_188, %swap3A_189] {strides = array<i32>} : memref<128x128xf32, #tpu.memory_space<vmem>>, vector<16xf32>,
        tpu.vector_store %arg11[%swap3A_188, %swap3A_189], %add3A_187 {strides = array<i32>} : memref<128x128xf32, #tpu.memory_space<vmem>>, vector<16xf32>,
        %get3A_191 = arith.index_cast %add3A_105 : i32 to index
        %get3A_192 = arith.constant 96 : index
        %get3A_193 = tpu.vector_load %arg11[%get3A_191, %get3A_192] {strides = array<i32>} : memref<128x128xf32, #tpu.memory_space<vmem>>, vector<16xf32>,
        %mul3A_194 = arith.constant 5.000000e-01 : f32
        %mul3A_195 = vector.broadcast %mul3A_194 : f32 to vector<16xf32>
        %mul3A_196 = arith.mulf %get3A_193, %mul3A_195 : vector<16xf32>
        %get3A_197 = arith.index_cast %add3A_105 : i32 to index
        %get3A_198 = arith.constant 96 : index
        %get3A_199 = tpu.vector_load %arg10[%get3A_197, %get3A_198] {strides = array<i32>} : memref<128x128xf32, #tpu.memory_space<vmem>>, vector<16xf32>,
        %mul3A_200 = arith.mulf %get3A_199, %gather3A : vector<16xf32>
        %add3A_201 = arith.addf %mul3A_196, %mul3A_200 : vector<16xf32>
        %swap3A_202 = arith.index_cast %add3A_105 : i32 to index
        %swap3A_203 = arith.constant 96 : index
        %swap3A_204 = tpu.vector_load %arg11[%swap3A_202, %swap3A_203] {strides = array<i32>} : memref<128x128xf32, #tpu.memory_space<vmem>>, vector<16xf32>,
        tpu.vector_store %arg11[%swap3A_202, %swap3A_203], %add3A_201 {strides = array<i32>} : memref<128x128xf32, #tpu.memory_space<vmem>>, vector<16xf32>,
        %get3A_205 = arith.index_cast %add3A_105 : i32 to index
        %get3A_206 = arith.constant 112 : index
        %get3A_207 = tpu.vector_load %arg11[%get3A_205, %get3A_206] {strides = array<i32>} : memref<128x128xf32, #tpu.memory_space<vmem>>, vector<16xf32>,
        %mul3A_208 = arith.constant 5.000000e-01 : f32
        %mul3A_209 = vector.broadcast %mul3A_208 : f32 to vector<16xf32>
        %mul3A_210 = arith.mulf %get3A_207, %mul3A_209 : vector<16xf32>
        %get3A_211 = arith.index_cast %add3A_105 : i32 to index
        %get3A_212 = arith.constant 112 : index
        %get3A_213 = tpu.vector_load %arg10[%get3A_211, %get3A_212] {strides = array<i32>} : memref<128x128xf32, #tpu.memory_space<vmem>>, vector<16xf32>,
        %mul3A_214 = arith.mulf %get3A_213, %gather3A : vector<16xf32>
        %add3A_215 = arith.addf %mul3A_210, %mul3A_214 : vector<16xf32>
        %swap3A_216 = arith.index_cast %add3A_105 : i32 to index
        %swap3A_217 = arith.constant 112 : index
        %swap3A_218 = tpu.vector_load %arg11[%swap3A_216, %swap3A_217] {strides = array<i32>} : memref<128x128xf32, #tpu.memory_space<vmem>>, vector<16xf32>,
        tpu.vector_store %arg11[%swap3A_216, %swap3A_217], %add3A_215 {strides = array<i32>} : memref<128x128xf32, #tpu.memory_space<vmem>>, vector<16xf32>,
      }
      %scan3A_95 = arith.constant 128 : i32
      "tpu.region"() ({
        %run_scoped3A = tpu.sem_alloc : memref<!tpu.dma_semaphore, #tpu.memory_space<semaphore_mem>>
        %dma_start3A = arith.constant 0 : i32
        %dma_start3A_101 = tpu.memref_slice %arg6[%add3A_90, %dma_start3A] : memref<20480x128xf32, #tpu.memory_space<hbm>> -> memref<128x128xf32, #tpu.memory_space<hbm>>
        %dma_start3A_102 = arith.constant 0 : i32
        %dma_start3A_103 = tpu.memref_slice %arg6[%add3A_90, %dma_start3A_102] : memref<20480x128xf32, #tpu.memory_space<hbm>> -> memref<128x128xf32, #tpu.memory_space<hbm>>
        tpu.enqueue_dma source(%arg11 : memref<128x128xf32, #tpu.memory_space<vmem>>) target(%dma_start3A_103 : memref<128x128xf32, #tpu.memory_space<hbm>>) target_semaphore(%run_scoped3A : memref<!tpu.dma_semaphore, #tpu.memory_space<semaphore_mem>>)
        %dma_wait3A = arith.constant 0 : i32
        %dma_wait3A_104 = tpu.memref_slice %arg6[%add3A_90, %dma_wait3A] : memref<20480x128xf32, #tpu.memory_space<hbm>> -> memref<128x128xf32, #tpu.memory_space<hbm>>
        %dma_wait3A_105 = arith.constant 0 : i32
        %dma_wait3A_106 = tpu.memref_slice %arg6[%add3A_90, %dma_wait3A_105] : memref<20480x128xf32, #tpu.memory_space<hbm>> -> memref<128x128xf32, #tpu.memory_space<hbm>>
        tpu.wait_dma2 semaphore(%run_scoped3A : memref<!tpu.dma_semaphore, #tpu.memory_space<semaphore_mem>>) src(%arg11 : memref<128x128xf32, #tpu.memory_space<vmem>>) dst(%dma_wait3A_106 : memref<128x128xf32, #tpu.memory_space<hbm>>)
        tpu.yield
      }) : () -> ()
      %scan3A_96 = arith.constant 0 : i32
      %scan3A_97 = arith.constant 8 : i32
      %scan3A_98 = arith.addi %scan3A_96, %scan3A_97 : i32
      %scan3A_99 = arith.constant 1 : i32
      scf.for %scan3A_101 = %scan3A_96 to %scan3A_98 step %scan3A_99  : i32 {
        %mul3A_102 = arith.constant 1 : i32
        %mul3A_103 = arith.muli %scan3A_101, %mul3A_102 : i32
        %add3A_104 = arith.constant 0 : i32
        %add3A_105 = arith.addi %add3A_104, %mul3A_103 : i32
        %mul3A_106 = arith.constant 16 : i32
        %mul3A_107 = arith.muli %add3A_105, %mul3A_106 : i32
        %add3A_108 = arith.addi %add3A_87, %mul3A_107 : i32
        "tpu.region"() ({
          %run_scoped3A = tpu.sem_alloc : memref<!tpu.dma_semaphore, #tpu.memory_space<semaphore_mem>>
          %dma_start3A = arith.constant 0 : i32
          %dma_start3A_109 = tpu.memref_slice %arg7[%add3A_108, %dma_start3A] : memref<10240x128xf32, #tpu.memory_space<vmem_shared>> -> memref<16x128xf32, #tpu.memory_space<vmem_shared>>
          %dma_start3A_110 = arith.constant 0 : i32
          %dma_start3A_111 = tpu.memref_slice %arg7[%add3A_108, %dma_start3A_110] : memref<10240x128xf32, #tpu.memory_space<vmem_shared>> -> memref<16x128xf32, #tpu.memory_space<vmem_shared>>
          tpu.enqueue_dma source(%arg12 : memref<16x128xf32, #tpu.memory_space<vmem>>) target(%dma_start3A_111 : memref<16x128xf32, #tpu.memory_space<vmem_shared>>) target_semaphore(%run_scoped3A : memref<!tpu.dma_semaphore, #tpu.memory_space<semaphore_mem>>)
          %dma_wait3A = arith.constant 0 : i32
          %dma_wait3A_112 = tpu.memref_slice %arg7[%add3A_108, %dma_wait3A] : memref<10240x128xf32, #tpu.memory_space<vmem_shared>> -> memref<16x128xf32, #tpu.memory_space<vmem_shared>>
          %dma_wait3A_113 = arith.constant 0 : i32
          %dma_wait3A_114 = tpu.memref_slice %arg7[%add3A_108, %dma_wait3A_113] : memref<10240x128xf32, #tpu.memory_space<vmem_shared>> -> memref<16x128xf32, #tpu.memory_space<vmem_shared>>
          tpu.wait_dma2 semaphore(%run_scoped3A : memref<!tpu.dma_semaphore, #tpu.memory_space<semaphore_mem>>) src(%arg12 : memref<16x128xf32, #tpu.memory_space<vmem>>) dst(%dma_wait3A_114 : memref<16x128xf32, #tpu.memory_space<vmem_shared>>)
          tpu.yield
        }) : () -> ()
      }
      %scan3A_100 = arith.constant 8 : i32
    }
    %scan3A_78 = arith.constant 5 : i32
    %barrier3A_79 = arith.constant 0 : index
    tpu.barrier barrier_id(%barrier3A_79)
    return
  }
}

module attributes {stable_mosaic.version = 14 : i64} {
  func.func @_lin_body(%arg0: i32, %arg1: memref<512x128xf32, #tpu.memory_space<vmem>>, %arg2: memref<1x128x128xf32, #tpu.memory_space<vmem>>, %arg3: memref<1x1x128xf32, #tpu.memory_space<vmem>>, %arg4: memref<512x128xf32, #tpu.memory_space<vmem>>) attributes {dimension_semantics = [#tpu.dimension_semantics<arbitrary>], iteration_bounds = array<i64: 40>, scalar_prefetch = 0 : i64, scratch_operands = 0 : i64, tpu.core_type = #tpu.core_type<tc>, window_params = [{transform_indices = @transform_0, window_bounds = array<i64: 512, 128>}, {transform_indices = @transform_1, window_bounds = array<i64: 1, 128, 128>}, {transform_indices = @transform_2, window_bounds = array<i64: 1, 1, 128>}, {transform_indices = @transform_3, window_bounds = array<i64: 512, 128>}]} {
    %get3A = arith.constant 0 : index
    %get3A_0 = arith.constant 0 : index
    %get3A_1 = vector.load %arg1[%get3A, %get3A_0] : memref<512x128xf32, #tpu.memory_space<vmem>>, vector<512x128xf32>
    %get3A_2 = arith.constant 0 : index
    %get3A_3 = arith.constant 0 : index
    %get3A_4 = arith.constant 0 : index
    %get3A_5 = vector.load %arg2[%get3A_2, %get3A_3, %get3A_4] : memref<1x128x128xf32, #tpu.memory_space<vmem>>, vector<1x128x128xf32>
    %get3A_6 = vector.shape_cast %get3A_5 : vector<1x128x128xf32> to vector<128x128xf32>
    %dot_general3A = arith.constant dense<0.000000e+00> : vector<512x128xf32>
    %dot_general3A_7 = tpu.matmul %get3A_1, %get3A_6, %dot_general3A {dimension_numbers = #tpu.dot_dimension_numbers<[1], [0], [0], [1], [0, 0, 1, 1], [], []>, transpose_lhs_hint = false} : vector<512x128xf32>, vector<128x128xf32>, vector<512x128xf32> -> vector<512x128xf32>
    %get3A_8 = arith.constant 0 : index
    %get3A_9 = arith.constant 0 : index
    %get3A_10 = arith.constant 0 : index
    %get3A_11 = vector.load %arg3[%get3A_8, %get3A_9, %get3A_10] : memref<1x1x128xf32, #tpu.memory_space<vmem>>, vector<1x1x128xf32>
    %get3A_12 = vector.shape_cast %get3A_11 : vector<1x1x128xf32> to vector<1x128xf32>
    %add3A = vector.broadcast %get3A_12 : vector<1x128xf32> to vector<512x128xf32>
    %add3A_13 = arith.addf %dot_general3A_7, %add3A : vector<512x128xf32>
    %max3A = arith.constant 0.000000e+00 : f32
    %max3A_14 = vector.broadcast %max3A : f32 to vector<512x128xf32>
    %max3A_15 = arith.maximumf %add3A_13, %max3A_14 : vector<512x128xf32>
    %swap3A = arith.constant 0 : index
    %swap3A_16 = arith.constant 0 : index
    %swap3A_17 = vector.load %arg4[%swap3A, %swap3A_16] : memref<512x128xf32, #tpu.memory_space<vmem>>, vector<512x128xf32>
    tpu.vector_store %arg4[%swap3A, %swap3A_16], %max3A_15 {strides = array<i32>} : memref<512x128xf32, #tpu.memory_space<vmem>>, vector<512x128xf32>,
    return
  }
  func.func @transform_0(%arg0: i32) -> (i32, i32) {
    %jit3A = arith.constant 20 : i32
    %eq3A = arith.constant 0 : i32
    %eq3A_0 = arith.cmpi eq, %jit3A, %eq3A : i32
    %jit3A_1 = arith.constant 1 : i32
    %select_n3A = arith.select %eq3A_0, %jit3A_1, %jit3A : i32
    %rem3A = arith.remsi %arg0, %select_n3A : i32
    %ne3A = arith.constant 0 : i32
    %ne3A_2 = arith.cmpi ne, %rem3A, %ne3A : i32
    %lt3A = arith.constant 0 : i32
    %lt3A_3 = arith.cmpi slt, %rem3A, %lt3A : i32
    %lt3A_4 = arith.constant 0 : i32
    %lt3A_5 = arith.cmpi slt, %select_n3A, %lt3A_4 : i32
    %ne3A_6 = arith.xori %lt3A_3, %lt3A_5 : i1
    %and3A = arith.andi %ne3A_6, %ne3A_2 : i1
    %add3A = arith.addi %rem3A, %select_n3A : i32
    %select_n3A_7 = arith.select %and3A, %add3A, %rem3A : i32
    %c0_i32 = arith.constant 0 : i32
    %c0_i32_8 = arith.constant 0 : i32
    return %select_n3A_7, %c0_i32 : i32, i32
  }
  func.func @transform_1(%arg0: i32) -> (i32, i32, i32) {
    %jit3A = arith.constant 20 : i32
    %div3A = arith.divsi %arg0, %jit3A : i32
    %sign3A = arith.constant 0 : i32
    %sign3A_0 = arith.cmpi sgt, %arg0, %sign3A : i32
    %sign3A_1 = arith.extui %sign3A_0 : i1 to i32
    %sign3A_2 = arith.constant 0 : i32
    %sign3A_3 = arith.cmpi slt, %arg0, %sign3A_2 : i32
    %sign3A_4 = arith.extui %sign3A_3 : i1 to i32
    %sign3A_5 = arith.subi %sign3A_1, %sign3A_4 : i32
    %sign3A_6 = arith.constant 0 : i32
    %sign3A_7 = arith.cmpi sgt, %jit3A, %sign3A_6 : i32
    %sign3A_8 = arith.extui %sign3A_7 : i1 to i32
    %sign3A_9 = arith.constant 0 : i32
    %sign3A_10 = arith.cmpi slt, %jit3A, %sign3A_9 : i32
    %sign3A_11 = arith.extui %sign3A_10 : i1 to i32
    %sign3A_12 = arith.subi %sign3A_8, %sign3A_11 : i32
    %ne3A = arith.cmpi ne, %sign3A_5, %sign3A_12 : i32
    %rem3A = arith.remsi %arg0, %jit3A : i32
    %ne3A_13 = arith.constant 0 : i32
    %ne3A_14 = arith.cmpi ne, %rem3A, %ne3A_13 : i32
    %and3A = arith.andi %ne3A, %ne3A_14 : i1
    %sub3A = arith.constant 1 : i32
    %sub3A_15 = arith.subi %div3A, %sub3A : i32
    %select_n3A = arith.select %and3A, %sub3A_15, %div3A : i32
    %c0_i32 = arith.constant 0 : i32
    %c0_i32_16 = arith.constant 0 : i32
    %c0_i32_17 = arith.constant 0 : i32
    return %select_n3A, %c0_i32, %c0_i32_16 : i32, i32, i32
  }
  func.func @transform_2(%arg0: i32) -> (i32, i32, i32) {
    %jit3A = arith.constant 20 : i32
    %div3A = arith.divsi %arg0, %jit3A : i32
    %sign3A = arith.constant 0 : i32
    %sign3A_0 = arith.cmpi sgt, %arg0, %sign3A : i32
    %sign3A_1 = arith.extui %sign3A_0 : i1 to i32
    %sign3A_2 = arith.constant 0 : i32
    %sign3A_3 = arith.cmpi slt, %arg0, %sign3A_2 : i32
    %sign3A_4 = arith.extui %sign3A_3 : i1 to i32
    %sign3A_5 = arith.subi %sign3A_1, %sign3A_4 : i32
    %sign3A_6 = arith.constant 0 : i32
    %sign3A_7 = arith.cmpi sgt, %jit3A, %sign3A_6 : i32
    %sign3A_8 = arith.extui %sign3A_7 : i1 to i32
    %sign3A_9 = arith.constant 0 : i32
    %sign3A_10 = arith.cmpi slt, %jit3A, %sign3A_9 : i32
    %sign3A_11 = arith.extui %sign3A_10 : i1 to i32
    %sign3A_12 = arith.subi %sign3A_8, %sign3A_11 : i32
    %ne3A = arith.cmpi ne, %sign3A_5, %sign3A_12 : i32
    %rem3A = arith.remsi %arg0, %jit3A : i32
    %ne3A_13 = arith.constant 0 : i32
    %ne3A_14 = arith.cmpi ne, %rem3A, %ne3A_13 : i32
    %and3A = arith.andi %ne3A, %ne3A_14 : i1
    %sub3A = arith.constant 1 : i32
    %sub3A_15 = arith.subi %div3A, %sub3A : i32
    %select_n3A = arith.select %and3A, %sub3A_15, %div3A : i32
    %c0_i32 = arith.constant 0 : i32
    %c0_i32_16 = arith.constant 0 : i32
    %c0_i32_17 = arith.constant 0 : i32
    return %select_n3A, %c0_i32, %c0_i32_16 : i32, i32, i32
  }
  func.func @transform_3(%arg0: i32) -> (i32, i32) {
    %c0_i32 = arith.constant 0 : i32
    %c0_i32_0 = arith.constant 0 : i32
    return %arg0, %c0_i32 : i32, i32
  }
}

module attributes {stable_mosaic.version = 14 : i64} {
  func.func @_s2s_body(%arg0: memref<20480x128xf32, #tpu.memory_space<vmem>>, %arg1: memref<10240x1xi32, #tpu.memory_space<vmem>>, %arg2: memref<512x1024xf32, #tpu.memory_space<vmem>>, %arg3: memref<256x1024xf32, #tpu.memory_space<vmem>>, %arg4: memref<1x1024xf32, #tpu.memory_space<vmem>>, %arg5: memref<512x1xf32, #tpu.memory_space<vmem>>, %arg6: memref<1x1xf32, #tpu.memory_space<vmem>>, %arg7: memref<64x1xf32, #tpu.memory_space<vmem>>) attributes {dimension_semantics = [], scalar_prefetch = 0 : i64, scratch_operands = 0 : i64, tpu.core_type = #tpu.core_type<tc>} {
    %get3A = arith.constant 0 : index
    %get3A_0 = arith.constant 0 : index
    %get3A_1 = vector.load %arg1[%get3A, %get3A_0] : memref<10240x1xi32, #tpu.memory_space<vmem>>, vector<10240x1xi32>
    %lt3A = arith.constant 64 : i32
    %lt3A_2 = vector.broadcast %lt3A : i32 to vector<10240x1xi32>
    %lt3A_3 = arith.cmpi slt, %get3A_1, %lt3A_2 : vector<10240x1xi32>
    %get3A_4 = arith.constant 0 : index
    %get3A_5 = arith.constant 0 : index
    %get3A_6 = vector.load %arg0[%get3A_4, %get3A_5] : memref<20480x128xf32, #tpu.memory_space<vmem>>, vector<10240x128xf32>
    %jit3A = arith.constant 0.000000e+00 : f32
    %broadcast_in_dim3A = vector.shape_cast %lt3A_3 : vector<10240x1xi1> to vector<10240x1xi1>
    %broadcast_in_dim3A_7 = vector.broadcast %broadcast_in_dim3A : vector<10240x1xi1> to vector<10240x128xi1>
    %broadcast_in_dim3A_8 = vector.broadcast %jit3A : f32 to vector<10240x128xf32>
    %select_n3A = arith.select %broadcast_in_dim3A_7, %get3A_6, %broadcast_in_dim3A_8 : vector<10240x128xi1>, vector<10240x128xf32>
    %get3A_9 = arith.constant 10240 : index
    %get3A_10 = arith.constant 0 : index
    %get3A_11 = vector.load %arg0[%get3A_9, %get3A_10] : memref<20480x128xf32, #tpu.memory_space<vmem>>, vector<10240x128xf32>
    %jit3A_12 = arith.constant 0.000000e+00 : f32
    %broadcast_in_dim3A_13 = vector.shape_cast %lt3A_3 : vector<10240x1xi1> to vector<10240x1xi1>
    %broadcast_in_dim3A_14 = vector.broadcast %broadcast_in_dim3A_13 : vector<10240x1xi1> to vector<10240x128xi1>
    %broadcast_in_dim3A_15 = vector.broadcast %jit3A_12 : f32 to vector<10240x128xf32>
    %select_n3A_16 = arith.select %broadcast_in_dim3A_14, %get3A_11, %broadcast_in_dim3A_15 : vector<10240x128xi1>, vector<10240x128xf32>
    %iota3A = tpu.iota {dimensions = array<i32: 1>} : vector<10240x64xi32>
    %eq3A = vector.broadcast %get3A_1 : vector<10240x1xi32> to vector<10240x64xi32>
    %eq3A_17 = arith.cmpi eq, %eq3A, %iota3A : vector<10240x64xi32>
    %convert_element_type3A = arith.extui %eq3A_17 : vector<10240x64xi1> to vector<10240x64xi32>
    %convert_element_type3A_18 = arith.sitofp %convert_element_type3A : vector<10240x64xi32> to vector<10240x64xf32>
    %broadcast_in_dim3A_19 = arith.constant 0.000000e+00 : f32
    %broadcast_in_dim3A_20 = vector.broadcast %broadcast_in_dim3A_19 : f32 to vector<64x512xf32>
    %broadcast_in_dim3A_21 = arith.constant 0.000000e+00 : f32
    %broadcast_in_dim3A_22 = vector.broadcast %broadcast_in_dim3A_21 : f32 to vector<64x256xf32>
    %broadcast_in_dim3A_23 = arith.constant 0.000000e+00 : f32
    %broadcast_in_dim3A_24 = vector.broadcast %broadcast_in_dim3A_23 : f32 to vector<64x256xf32>
    %get3A_25 = arith.constant 0 : index
    %get3A_26 = arith.constant 0 : index
    %get3A_27 = vector.load %arg2[%get3A_25, %get3A_26] : memref<512x1024xf32, #tpu.memory_space<vmem>>, vector<512x1024xf32>
    %dot_general3A = arith.constant dense<0.000000e+00> : vector<64x1024xf32>
    %dot_general3A_28 = tpu.matmul %broadcast_in_dim3A_20, %get3A_27, %dot_general3A {dimension_numbers = #tpu.dot_dimension_numbers<[1], [0], [0], [1], [0, 0, 1, 1], [], []>, transpose_lhs_hint = false} : vector<64x512xf32>, vector<512x1024xf32>, vector<64x1024xf32> -> vector<64x1024xf32>
    %get3A_29 = arith.constant 0 : index
    %get3A_30 = arith.constant 0 : index
    %get3A_31 = vector.load %arg3[%get3A_29, %get3A_30] : memref<256x1024xf32, #tpu.memory_space<vmem>>, vector<256x1024xf32>
    %dot_general3A_32 = arith.constant dense<0.000000e+00> : vector<64x1024xf32>
    %dot_general3A_33 = tpu.matmul %broadcast_in_dim3A_22, %get3A_31, %dot_general3A_32 {dimension_numbers = #tpu.dot_dimension_numbers<[1], [0], [0], [1], [0, 0, 1, 1], [], []>, transpose_lhs_hint = false} : vector<64x256xf32>, vector<256x1024xf32>, vector<64x1024xf32> -> vector<64x1024xf32>
    %add3A = arith.addf %dot_general3A_28, %dot_general3A_33 : vector<64x1024xf32>
    %get3A_34 = arith.constant 0 : index
    %get3A_35 = arith.constant 0 : index
    %get3A_36 = vector.load %arg4[%get3A_34, %get3A_35] : memref<1x1024xf32, #tpu.memory_space<vmem>>, vector<1x1024xf32>
    %add3A_37 = vector.broadcast %get3A_36 : vector<1x1024xf32> to vector<64x1024xf32>
    %add3A_38 = arith.addf %add3A, %add3A_37 : vector<64x1024xf32>
    %slice3A = vector.extract_strided_slice %add3A_38 {offsets = [0, 0], sizes = [64, 256], strides = [1, 1]} : vector<64x1024xf32> to vector<64x256xf32>
    %logistic3A = arith.negf %slice3A : vector<64x256xf32>
    %logistic3A_39 = math.exp %logistic3A : vector<64x256xf32>
    %logistic3A_40 = arith.constant 1.000000e+00 : f32
    %logistic3A_41 = vector.broadcast %logistic3A_40 : f32 to vector<64x256xf32>
    %logistic3A_42 = arith.addf %logistic3A_41, %logistic3A_39 : vector<64x256xf32>
    %logistic3A_43 = arith.divf %logistic3A_41, %logistic3A_42 : vector<64x256xf32>
    %slice3A_44 = vector.extract_strided_slice %add3A_38 {offsets = [0, 256], sizes = [64, 256], strides = [1, 1]} : vector<64x1024xf32> to vector<64x256xf32>
    %logistic3A_45 = arith.negf %slice3A_44 : vector<64x256xf32>
    %logistic3A_46 = math.exp %logistic3A_45 : vector<64x256xf32>
    %logistic3A_47 = arith.constant 1.000000e+00 : f32
    %logistic3A_48 = vector.broadcast %logistic3A_47 : f32 to vector<64x256xf32>
    %logistic3A_49 = arith.addf %logistic3A_48, %logistic3A_46 : vector<64x256xf32>
    %logistic3A_50 = arith.divf %logistic3A_48, %logistic3A_49 : vector<64x256xf32>
    %slice3A_51 = vector.extract_strided_slice %add3A_38 {offsets = [0, 512], sizes = [64, 256], strides = [1, 1]} : vector<64x1024xf32> to vector<64x256xf32>
    %tanh3A = math.tanh %slice3A_51 : vector<64x256xf32>
    %slice3A_52 = vector.extract_strided_slice %add3A_38 {offsets = [0, 768], sizes = [64, 256], strides = [1, 1]} : vector<64x1024xf32> to vector<64x256xf32>
    %logistic3A_53 = arith.negf %slice3A_52 : vector<64x256xf32>
    %logistic3A_54 = math.exp %logistic3A_53 : vector<64x256xf32>
    %logistic3A_55 = arith.constant 1.000000e+00 : f32
    %logistic3A_56 = vector.broadcast %logistic3A_55 : f32 to vector<64x256xf32>
    %logistic3A_57 = arith.addf %logistic3A_56, %logistic3A_54 : vector<64x256xf32>
    %logistic3A_58 = arith.divf %logistic3A_56, %logistic3A_57 : vector<64x256xf32>
    %mul3A = arith.mulf %logistic3A_50, %broadcast_in_dim3A_24 : vector<64x256xf32>
    %mul3A_59 = arith.mulf %logistic3A_43, %tanh3A : vector<64x256xf32>
    %add3A_60 = arith.addf %mul3A, %mul3A_59 : vector<64x256xf32>
    %tanh3A_61 = math.tanh %add3A_60 : vector<64x256xf32>
    %mul3A_62 = arith.mulf %logistic3A_58, %tanh3A_61 : vector<64x256xf32>
    %slice3A_63 = vector.extract_strided_slice %mul3A_62 {offsets = [0, 0], sizes = [64, 128], strides = [1, 1]} : vector<64x256xf32> to vector<64x128xf32>
    %dot_general3A_64 = arith.constant dense<0.000000e+00> : vector<10240x128xf32>
    %dot_general3A_65 = tpu.matmul %convert_element_type3A_18, %slice3A_63, %dot_general3A_64 {dimension_numbers = #tpu.dot_dimension_numbers<[1], [0], [0], [1], [0, 0, 1, 1], [], []>, transpose_lhs_hint = false} : vector<10240x64xf32>, vector<64x128xf32>, vector<10240x128xf32> -> vector<10240x128xf32>
    %slice3A_66 = vector.extract_strided_slice %mul3A_62 {offsets = [0, 128], sizes = [64, 128], strides = [1, 1]} : vector<64x256xf32> to vector<64x128xf32>
    %dot_general3A_67 = arith.constant dense<0.000000e+00> : vector<10240x128xf32>
    %dot_general3A_68 = tpu.matmul %convert_element_type3A_18, %slice3A_66, %dot_general3A_67 {dimension_numbers = #tpu.dot_dimension_numbers<[1], [0], [0], [1], [0, 0, 1, 1], [], []>, transpose_lhs_hint = false} : vector<10240x64xf32>, vector<64x128xf32>, vector<10240x128xf32> -> vector<10240x128xf32>
    %mul3A_69 = arith.mulf %select_n3A, %dot_general3A_65 : vector<10240x128xf32>
    %reduce_sum3A = arith.constant dense<0.000000e+00> : vector<10240xf32>
    %reduce_sum3A_70 = vector.multi_reduction <add>, %mul3A_69, %reduce_sum3A [1] : vector<10240x128xf32> to vector<10240xf32>
    %broadcast_in_dim3A_71 = vector.shape_cast %reduce_sum3A_70 : vector<10240xf32> to vector<10240x1xf32>
    %mul3A_72 = arith.mulf %select_n3A_16, %dot_general3A_68 : vector<10240x128xf32>
    %reduce_sum3A_73 = arith.constant dense<0.000000e+00> : vector<10240xf32>
    %reduce_sum3A_74 = vector.multi_reduction <add>, %mul3A_72, %reduce_sum3A_73 [1] : vector<10240x128xf32> to vector<10240xf32>
    %broadcast_in_dim3A_75 = vector.shape_cast %reduce_sum3A_74 : vector<10240xf32> to vector<10240x1xf32>
    %add3A_76 = arith.addf %broadcast_in_dim3A_71, %broadcast_in_dim3A_75 : vector<10240x1xf32>
    %gt3A = arith.constant 0.000000e+00 : f32
    %gt3A_77 = vector.broadcast %gt3A : f32 to vector<10240x64xf32>
    %gt3A_78 = arith.cmpf ogt, %convert_element_type3A_18, %gt3A_77 : vector<10240x64xf32>
    %jit3A_79 = arith.constant -1.000000e+30 : f32
    %broadcast_in_dim3A_80 = vector.shape_cast %add3A_76 : vector<10240x1xf32> to vector<10240x1xf32>
    %broadcast_in_dim3A_81 = vector.broadcast %broadcast_in_dim3A_80 : vector<10240x1xf32> to vector<10240x64xf32>
    %broadcast_in_dim3A_82 = vector.broadcast %jit3A_79 : f32 to vector<10240x64xf32>
    %select_n3A_83 = arith.select %gt3A_78, %broadcast_in_dim3A_81, %broadcast_in_dim3A_82 : vector<10240x64xi1>, vector<10240x64xf32>
    %reduce_max3A = arith.constant dense<0xFF800000> : vector<64xf32>
    %reduce_max3A_84 = vector.multi_reduction <maximumf>, %select_n3A_83, %reduce_max3A [0] : vector<10240x64xf32> to vector<64xf32>
    %broadcast_in_dim3A_85 = vector.shape_cast %reduce_max3A_84 : vector<64xf32> to vector<1x64xf32>
    %dot_general3A_86 = arith.constant dense<0.000000e+00> : vector<10240x1xf32>
    %dot_general3A_87 = tpu.matmul %convert_element_type3A_18, %broadcast_in_dim3A_85, %dot_general3A_86 {dimension_numbers = #tpu.dot_dimension_numbers<[1], [1], [0], [0], [0, 0, 1, 0], [], []>, transpose_lhs_hint = false} : vector<10240x64xf32>, vector<1x64xf32>, vector<10240x1xf32> -> vector<10240x1xf32>
    %sub3A = arith.subf %add3A_76, %dot_general3A_87 : vector<10240x1xf32>
    %exp3A = math.exp %sub3A : vector<10240x1xf32>
    %dot_general3A_88 = arith.constant dense<0.000000e+00> : vector<64x1xf32>
    %dot_general3A_89 = tpu.matmul %convert_element_type3A_18, %exp3A, %dot_general3A_88 {dimension_numbers = #tpu.dot_dimension_numbers<[0], [0], [1], [1], [0, 1, 1, 1], [], []>, transpose_lhs_hint = false} : vector<10240x64xf32>, vector<10240x1xf32>, vector<64x1xf32> -> vector<64x1xf32>
    %mul3A_90 = vector.broadcast %exp3A : vector<10240x1xf32> to vector<10240x128xf32>
    %mul3A_91 = arith.mulf %mul3A_90, %select_n3A : vector<10240x128xf32>
    %dot_general3A_92 = arith.constant dense<0.000000e+00> : vector<64x128xf32>
    %dot_general3A_93 = tpu.matmul %convert_element_type3A_18, %mul3A_91, %dot_general3A_92 {dimension_numbers = #tpu.dot_dimension_numbers<[0], [0], [1], [1], [0, 1, 1, 1], [], []>, transpose_lhs_hint = false} : vector<10240x64xf32>, vector<10240x128xf32>, vector<64x128xf32> -> vector<64x128xf32>
    %mul3A_94 = vector.broadcast %exp3A : vector<10240x1xf32> to vector<10240x128xf32>
    %mul3A_95 = arith.mulf %mul3A_94, %select_n3A_16 : vector<10240x128xf32>
    %dot_general3A_96 = arith.constant dense<0.000000e+00> : vector<64x128xf32>
    %dot_general3A_97 = tpu.matmul %convert_element_type3A_18, %mul3A_95, %dot_general3A_96 {dimension_numbers = #tpu.dot_dimension_numbers<[0], [0], [1], [1], [0, 1, 1, 1], [], []>, transpose_lhs_hint = false} : vector<10240x64xf32>, vector<10240x128xf32>, vector<64x128xf32> -> vector<64x128xf32>
    %concatenate3A = tpu.concatenate %dot_general3A_93, %dot_general3A_97 in 1 : vector<64x128xf32>, vector<64x128xf32> -> vector<64x256xf32>
    %max3A = arith.constant 1.000000e-30 : f32
    %max3A_98 = vector.broadcast %max3A : f32 to vector<64x1xf32>
    %max3A_99 = arith.maximumf %dot_general3A_89, %max3A_98 : vector<64x1xf32>
    %div3A = vector.broadcast %max3A_99 : vector<64x1xf32> to vector<64x256xf32>
    %div3A_100 = arith.divf %concatenate3A, %div3A : vector<64x256xf32>
    %concatenate3A_101 = tpu.concatenate %mul3A_62, %div3A_100 in 1 : vector<64x256xf32>, vector<64x256xf32> -> vector<64x512xf32>
    %get3A_102 = arith.constant 0 : index
    %get3A_103 = arith.constant 0 : index
    %get3A_104 = vector.load %arg2[%get3A_102, %get3A_103] : memref<512x1024xf32, #tpu.memory_space<vmem>>, vector<512x1024xf32>
    %dot_general3A_105 = arith.constant dense<0.000000e+00> : vector<64x1024xf32>
    %dot_general3A_106 = tpu.matmul %concatenate3A_101, %get3A_104, %dot_general3A_105 {dimension_numbers = #tpu.dot_dimension_numbers<[1], [0], [0], [1], [0, 0, 1, 1], [], []>, transpose_lhs_hint = false} : vector<64x512xf32>, vector<512x1024xf32>, vector<64x1024xf32> -> vector<64x1024xf32>
    %get3A_107 = arith.constant 0 : index
    %get3A_108 = arith.constant 0 : index
    %get3A_109 = vector.load %arg3[%get3A_107, %get3A_108] : memref<256x1024xf32, #tpu.memory_space<vmem>>, vector<256x1024xf32>
    %dot_general3A_110 = arith.constant dense<0.000000e+00> : vector<64x1024xf32>
    %dot_general3A_111 = tpu.matmul %mul3A_62, %get3A_109, %dot_general3A_110 {dimension_numbers = #tpu.dot_dimension_numbers<[1], [0], [0], [1], [0, 0, 1, 1], [], []>, transpose_lhs_hint = false} : vector<64x256xf32>, vector<256x1024xf32>, vector<64x1024xf32> -> vector<64x1024xf32>
    %add3A_112 = arith.addf %dot_general3A_106, %dot_general3A_111 : vector<64x1024xf32>
    %get3A_113 = arith.constant 0 : index
    %get3A_114 = arith.constant 0 : index
    %get3A_115 = vector.load %arg4[%get3A_113, %get3A_114] : memref<1x1024xf32, #tpu.memory_space<vmem>>, vector<1x1024xf32>
    %add3A_116 = vector.broadcast %get3A_115 : vector<1x1024xf32> to vector<64x1024xf32>
    %add3A_117 = arith.addf %add3A_112, %add3A_116 : vector<64x1024xf32>
    %slice3A_118 = vector.extract_strided_slice %add3A_117 {offsets = [0, 0], sizes = [64, 256], strides = [1, 1]} : vector<64x1024xf32> to vector<64x256xf32>
    %logistic3A_119 = arith.negf %slice3A_118 : vector<64x256xf32>
    %logistic3A_120 = math.exp %logistic3A_119 : vector<64x256xf32>
    %logistic3A_121 = arith.constant 1.000000e+00 : f32
    %logistic3A_122 = vector.broadcast %logistic3A_121 : f32 to vector<64x256xf32>
    %logistic3A_123 = arith.addf %logistic3A_122, %logistic3A_120 : vector<64x256xf32>
    %logistic3A_124 = arith.divf %logistic3A_122, %logistic3A_123 : vector<64x256xf32>
    %slice3A_125 = vector.extract_strided_slice %add3A_117 {offsets = [0, 256], sizes = [64, 256], strides = [1, 1]} : vector<64x1024xf32> to vector<64x256xf32>
    %logistic3A_126 = arith.negf %slice3A_125 : vector<64x256xf32>
    %logistic3A_127 = math.exp %logistic3A_126 : vector<64x256xf32>
    %logistic3A_128 = arith.constant 1.000000e+00 : f32
    %logistic3A_129 = vector.broadcast %logistic3A_128 : f32 to vector<64x256xf32>
    %logistic3A_130 = arith.addf %logistic3A_129, %logistic3A_127 : vector<64x256xf32>
    %logistic3A_131 = arith.divf %logistic3A_129, %logistic3A_130 : vector<64x256xf32>
    %slice3A_132 = vector.extract_strided_slice %add3A_117 {offsets = [0, 512], sizes = [64, 256], strides = [1, 1]} : vector<64x1024xf32> to vector<64x256xf32>
    %tanh3A_133 = math.tanh %slice3A_132 : vector<64x256xf32>
    %slice3A_134 = vector.extract_strided_slice %add3A_117 {offsets = [0, 768], sizes = [64, 256], strides = [1, 1]} : vector<64x1024xf32> to vector<64x256xf32>
    %logistic3A_135 = arith.negf %slice3A_134 : vector<64x256xf32>
    %logistic3A_136 = math.exp %logistic3A_135 : vector<64x256xf32>
    %logistic3A_137 = arith.constant 1.000000e+00 : f32
    %logistic3A_138 = vector.broadcast %logistic3A_137 : f32 to vector<64x256xf32>
    %logistic3A_139 = arith.addf %logistic3A_138, %logistic3A_136 : vector<64x256xf32>
    %logistic3A_140 = arith.divf %logistic3A_138, %logistic3A_139 : vector<64x256xf32>
    %mul3A_141 = arith.mulf %logistic3A_131, %add3A_60 : vector<64x256xf32>
    %mul3A_142 = arith.mulf %logistic3A_124, %tanh3A_133 : vector<64x256xf32>
    %add3A_143 = arith.addf %mul3A_141, %mul3A_142 : vector<64x256xf32>
    %tanh3A_144 = math.tanh %add3A_143 : vector<64x256xf32>
    %mul3A_145 = arith.mulf %logistic3A_140, %tanh3A_144 : vector<64x256xf32>
    %slice3A_146 = vector.extract_strided_slice %mul3A_145 {offsets = [0, 0], sizes = [64, 128], strides = [1, 1]} : vector<64x256xf32> to vector<64x128xf32>
    %dot_general3A_147 = arith.constant dense<0.000000e+00> : vector<10240x128xf32>
    %dot_general3A_148 = tpu.matmul %convert_element_type3A_18, %slice3A_146, %dot_general3A_147 {dimension_numbers = #tpu.dot_dimension_numbers<[1], [0], [0], [1], [0, 0, 1, 1], [], []>, transpose_lhs_hint = false} : vector<10240x64xf32>, vector<64x128xf32>, vector<10240x128xf32> -> vector<10240x128xf32>
    %slice3A_149 = vector.extract_strided_slice %mul3A_145 {offsets = [0, 128], sizes = [64, 128], strides = [1, 1]} : vector<64x256xf32> to vector<64x128xf32>
    %dot_general3A_150 = arith.constant dense<0.000000e+00> : vector<10240x128xf32>
    %dot_general3A_151 = tpu.matmul %convert_element_type3A_18, %slice3A_149, %dot_general3A_150 {dimension_numbers = #tpu.dot_dimension_numbers<[1], [0], [0], [1], [0, 0, 1, 1], [], []>, transpose_lhs_hint = false} : vector<10240x64xf32>, vector<64x128xf32>, vector<10240x128xf32> -> vector<10240x128xf32>
    %mul3A_152 = arith.mulf %select_n3A, %dot_general3A_148 : vector<10240x128xf32>
    %reduce_sum3A_153 = arith.constant dense<0.000000e+00> : vector<10240xf32>
    %reduce_sum3A_154 = vector.multi_reduction <add>, %mul3A_152, %reduce_sum3A_153 [1] : vector<10240x128xf32> to vector<10240xf32>
    %broadcast_in_dim3A_155 = vector.shape_cast %reduce_sum3A_154 : vector<10240xf32> to vector<10240x1xf32>
    %mul3A_156 = arith.mulf %select_n3A_16, %dot_general3A_151 : vector<10240x128xf32>
    %reduce_sum3A_157 = arith.constant dense<0.000000e+00> : vector<10240xf32>
    %reduce_sum3A_158 = vector.multi_reduction <add>, %mul3A_156, %reduce_sum3A_157 [1] : vector<10240x128xf32> to vector<10240xf32>
    %broadcast_in_dim3A_159 = vector.shape_cast %reduce_sum3A_158 : vector<10240xf32> to vector<10240x1xf32>
    %add3A_160 = arith.addf %broadcast_in_dim3A_155, %broadcast_in_dim3A_159 : vector<10240x1xf32>
    %gt3A_161 = arith.constant 0.000000e+00 : f32
    %gt3A_162 = vector.broadcast %gt3A_161 : f32 to vector<10240x64xf32>
    %gt3A_163 = arith.cmpf ogt, %convert_element_type3A_18, %gt3A_162 : vector<10240x64xf32>
    %jit3A_164 = arith.constant -1.000000e+30 : f32
    %broadcast_in_dim3A_165 = vector.shape_cast %add3A_160 : vector<10240x1xf32> to vector<10240x1xf32>
    %broadcast_in_dim3A_166 = vector.broadcast %broadcast_in_dim3A_165 : vector<10240x1xf32> to vector<10240x64xf32>
    %broadcast_in_dim3A_167 = vector.broadcast %jit3A_164 : f32 to vector<10240x64xf32>
    %select_n3A_168 = arith.select %gt3A_163, %broadcast_in_dim3A_166, %broadcast_in_dim3A_167 : vector<10240x64xi1>, vector<10240x64xf32>
    %reduce_max3A_169 = arith.constant dense<0xFF800000> : vector<64xf32>
    %reduce_max3A_170 = vector.multi_reduction <maximumf>, %select_n3A_168, %reduce_max3A_169 [0] : vector<10240x64xf32> to vector<64xf32>
    %broadcast_in_dim3A_171 = vector.shape_cast %reduce_max3A_170 : vector<64xf32> to vector<1x64xf32>
    %dot_general3A_172 = arith.constant dense<0.000000e+00> : vector<10240x1xf32>
    %dot_general3A_173 = tpu.matmul %convert_element_type3A_18, %broadcast_in_dim3A_171, %dot_general3A_172 {dimension_numbers = #tpu.dot_dimension_numbers<[1], [1], [0], [0], [0, 0, 1, 0], [], []>, transpose_lhs_hint = false} : vector<10240x64xf32>, vector<1x64xf32>, vector<10240x1xf32> -> vector<10240x1xf32>
    %sub3A_174 = arith.subf %add3A_160, %dot_general3A_173 : vector<10240x1xf32>
    %exp3A_175 = math.exp %sub3A_174 : vector<10240x1xf32>
    %dot_general3A_176 = arith.constant dense<0.000000e+00> : vector<64x1xf32>
    %dot_general3A_177 = tpu.matmul %convert_element_type3A_18, %exp3A_175, %dot_general3A_176 {dimension_numbers = #tpu.dot_dimension_numbers<[0], [0], [1], [1], [0, 1, 1, 1], [], []>, transpose_lhs_hint = false} : vector<10240x64xf32>, vector<10240x1xf32>, vector<64x1xf32> -> vector<64x1xf32>
    %mul3A_178 = vector.broadcast %exp3A_175 : vector<10240x1xf32> to vector<10240x128xf32>
    %mul3A_179 = arith.mulf %mul3A_178, %select_n3A : vector<10240x128xf32>
    %dot_general3A_180 = arith.constant dense<0.000000e+00> : vector<64x128xf32>
    %dot_general3A_181 = tpu.matmul %convert_element_type3A_18, %mul3A_179, %dot_general3A_180 {dimension_numbers = #tpu.dot_dimension_numbers<[0], [0], [1], [1], [0, 1, 1, 1], [], []>, transpose_lhs_hint = false} : vector<10240x64xf32>, vector<10240x128xf32>, vector<64x128xf32> -> vector<64x128xf32>
    %mul3A_182 = vector.broadcast %exp3A_175 : vector<10240x1xf32> to vector<10240x128xf32>
    %mul3A_183 = arith.mulf %mul3A_182, %select_n3A_16 : vector<10240x128xf32>
    %dot_general3A_184 = arith.constant dense<0.000000e+00> : vector<64x128xf32>
    %dot_general3A_185 = tpu.matmul %convert_element_type3A_18, %mul3A_183, %dot_general3A_184 {dimension_numbers = #tpu.dot_dimension_numbers<[0], [0], [1], [1], [0, 1, 1, 1], [], []>, transpose_lhs_hint = false} : vector<10240x64xf32>, vector<10240x128xf32>, vector<64x128xf32> -> vector<64x128xf32>
    %concatenate3A_186 = tpu.concatenate %dot_general3A_181, %dot_general3A_185 in 1 : vector<64x128xf32>, vector<64x128xf32> -> vector<64x256xf32>
    %max3A_187 = arith.constant 1.000000e-30 : f32
    %max3A_188 = vector.broadcast %max3A_187 : f32 to vector<64x1xf32>
    %max3A_189 = arith.maximumf %dot_general3A_177, %max3A_188 : vector<64x1xf32>
    %div3A_190 = vector.broadcast %max3A_189 : vector<64x1xf32> to vector<64x256xf32>
    %div3A_191 = arith.divf %concatenate3A_186, %div3A_190 : vector<64x256xf32>
    %concatenate3A_192 = tpu.concatenate %mul3A_145, %div3A_191 in 1 : vector<64x256xf32>, vector<64x256xf32> -> vector<64x512xf32>
    %get3A_193 = arith.constant 0 : index
    %get3A_194 = arith.constant 0 : index
    %get3A_195 = vector.load %arg2[%get3A_193, %get3A_194] : memref<512x1024xf32, #tpu.memory_space<vmem>>, vector<512x1024xf32>
    %dot_general3A_196 = arith.constant dense<0.000000e+00> : vector<64x1024xf32>
    %dot_general3A_197 = tpu.matmul %concatenate3A_192, %get3A_195, %dot_general3A_196 {dimension_numbers = #tpu.dot_dimension_numbers<[1], [0], [0], [1], [0, 0, 1, 1], [], []>, transpose_lhs_hint = false} : vector<64x512xf32>, vector<512x1024xf32>, vector<64x1024xf32> -> vector<64x1024xf32>
    %get3A_198 = arith.constant 0 : index
    %get3A_199 = arith.constant 0 : index
    %get3A_200 = vector.load %arg3[%get3A_198, %get3A_199] : memref<256x1024xf32, #tpu.memory_space<vmem>>, vector<256x1024xf32>
    %dot_general3A_201 = arith.constant dense<0.000000e+00> : vector<64x1024xf32>
    %dot_general3A_202 = tpu.matmul %mul3A_145, %get3A_200, %dot_general3A_201 {dimension_numbers = #tpu.dot_dimension_numbers<[1], [0], [0], [1], [0, 0, 1, 1], [], []>, transpose_lhs_hint = false} : vector<64x256xf32>, vector<256x1024xf32>, vector<64x1024xf32> -> vector<64x1024xf32>
    %add3A_203 = arith.addf %dot_general3A_197, %dot_general3A_202 : vector<64x1024xf32>
    %get3A_204 = arith.constant 0 : index
    %get3A_205 = arith.constant 0 : index
    %get3A_206 = vector.load %arg4[%get3A_204, %get3A_205] : memref<1x1024xf32, #tpu.memory_space<vmem>>, vector<1x1024xf32>
    %add3A_207 = vector.broadcast %get3A_206 : vector<1x1024xf32> to vector<64x1024xf32>
    %add3A_208 = arith.addf %add3A_203, %add3A_207 : vector<64x1024xf32>
    %slice3A_209 = vector.extract_strided_slice %add3A_208 {offsets = [0, 0], sizes = [64, 256], strides = [1, 1]} : vector<64x1024xf32> to vector<64x256xf32>
    %logistic3A_210 = arith.negf %slice3A_209 : vector<64x256xf32>
    %logistic3A_211 = math.exp %logistic3A_210 : vector<64x256xf32>
    %logistic3A_212 = arith.constant 1.000000e+00 : f32
    %logistic3A_213 = vector.broadcast %logistic3A_212 : f32 to vector<64x256xf32>
    %logistic3A_214 = arith.addf %logistic3A_213, %logistic3A_211 : vector<64x256xf32>
    %logistic3A_215 = arith.divf %logistic3A_213, %logistic3A_214 : vector<64x256xf32>
    %slice3A_216 = vector.extract_strided_slice %add3A_208 {offsets = [0, 256], sizes = [64, 256], strides = [1, 1]} : vector<64x1024xf32> to vector<64x256xf32>
    %logistic3A_217 = arith.negf %slice3A_216 : vector<64x256xf32>
    %logistic3A_218 = math.exp %logistic3A_217 : vector<64x256xf32>
    %logistic3A_219 = arith.constant 1.000000e+00 : f32
    %logistic3A_220 = vector.broadcast %logistic3A_219 : f32 to vector<64x256xf32>
    %logistic3A_221 = arith.addf %logistic3A_220, %logistic3A_218 : vector<64x256xf32>
    %logistic3A_222 = arith.divf %logistic3A_220, %logistic3A_221 : vector<64x256xf32>
    %slice3A_223 = vector.extract_strided_slice %add3A_208 {offsets = [0, 512], sizes = [64, 256], strides = [1, 1]} : vector<64x1024xf32> to vector<64x256xf32>
    %tanh3A_224 = math.tanh %slice3A_223 : vector<64x256xf32>
    %slice3A_225 = vector.extract_strided_slice %add3A_208 {offsets = [0, 768], sizes = [64, 256], strides = [1, 1]} : vector<64x1024xf32> to vector<64x256xf32>
    %logistic3A_226 = arith.negf %slice3A_225 : vector<64x256xf32>
    %logistic3A_227 = math.exp %logistic3A_226 : vector<64x256xf32>
    %logistic3A_228 = arith.constant 1.000000e+00 : f32
    %logistic3A_229 = vector.broadcast %logistic3A_228 : f32 to vector<64x256xf32>
    %logistic3A_230 = arith.addf %logistic3A_229, %logistic3A_227 : vector<64x256xf32>
    %logistic3A_231 = arith.divf %logistic3A_229, %logistic3A_230 : vector<64x256xf32>
    %mul3A_232 = arith.mulf %logistic3A_222, %add3A_143 : vector<64x256xf32>
    %mul3A_233 = arith.mulf %logistic3A_215, %tanh3A_224 : vector<64x256xf32>
    %add3A_234 = arith.addf %mul3A_232, %mul3A_233 : vector<64x256xf32>
    %tanh3A_235 = math.tanh %add3A_234 : vector<64x256xf32>
    %mul3A_236 = arith.mulf %logistic3A_231, %tanh3A_235 : vector<64x256xf32>
    %slice3A_237 = vector.extract_strided_slice %mul3A_236 {offsets = [0, 0], sizes = [64, 128], strides = [1, 1]} : vector<64x256xf32> to vector<64x128xf32>
    %dot_general3A_238 = arith.constant dense<0.000000e+00> : vector<10240x128xf32>
    %dot_general3A_239 = tpu.matmul %convert_element_type3A_18, %slice3A_237, %dot_general3A_238 {dimension_numbers = #tpu.dot_dimension_numbers<[1], [0], [0], [1], [0, 0, 1, 1], [], []>, transpose_lhs_hint = false} : vector<10240x64xf32>, vector<64x128xf32>, vector<10240x128xf32> -> vector<10240x128xf32>
    %slice3A_240 = vector.extract_strided_slice %mul3A_236 {offsets = [0, 128], sizes = [64, 128], strides = [1, 1]} : vector<64x256xf32> to vector<64x128xf32>
    %dot_general3A_241 = arith.constant dense<0.000000e+00> : vector<10240x128xf32>
    %dot_general3A_242 = tpu.matmul %convert_element_type3A_18, %slice3A_240, %dot_general3A_241 {dimension_numbers = #tpu.dot_dimension_numbers<[1], [0], [0], [1], [0, 0, 1, 1], [], []>, transpose_lhs_hint = false} : vector<10240x64xf32>, vector<64x128xf32>, vector<10240x128xf32> -> vector<10240x128xf32>
    %mul3A_243 = arith.mulf %select_n3A, %dot_general3A_239 : vector<10240x128xf32>
    %reduce_sum3A_244 = arith.constant dense<0.000000e+00> : vector<10240xf32>
    %reduce_sum3A_245 = vector.multi_reduction <add>, %mul3A_243, %reduce_sum3A_244 [1] : vector<10240x128xf32> to vector<10240xf32>
    %broadcast_in_dim3A_246 = vector.shape_cast %reduce_sum3A_245 : vector<10240xf32> to vector<10240x1xf32>
    %mul3A_247 = arith.mulf %select_n3A_16, %dot_general3A_242 : vector<10240x128xf32>
    %reduce_sum3A_248 = arith.constant dense<0.000000e+00> : vector<10240xf32>
    %reduce_sum3A_249 = vector.multi_reduction <add>, %mul3A_247, %reduce_sum3A_248 [1] : vector<10240x128xf32> to vector<10240xf32>
    %broadcast_in_dim3A_250 = vector.shape_cast %reduce_sum3A_249 : vector<10240xf32> to vector<10240x1xf32>
    %add3A_251 = arith.addf %broadcast_in_dim3A_246, %broadcast_in_dim3A_250 : vector<10240x1xf32>
    %gt3A_252 = arith.constant 0.000000e+00 : f32
    %gt3A_253 = vector.broadcast %gt3A_252 : f32 to vector<10240x64xf32>
    %gt3A_254 = arith.cmpf ogt, %convert_element_type3A_18, %gt3A_253 : vector<10240x64xf32>
    %jit3A_255 = arith.constant -1.000000e+30 : f32
    %broadcast_in_dim3A_256 = vector.shape_cast %add3A_251 : vector<10240x1xf32> to vector<10240x1xf32>
    %broadcast_in_dim3A_257 = vector.broadcast %broadcast_in_dim3A_256 : vector<10240x1xf32> to vector<10240x64xf32>
    %broadcast_in_dim3A_258 = vector.broadcast %jit3A_255 : f32 to vector<10240x64xf32>
    %select_n3A_259 = arith.select %gt3A_254, %broadcast_in_dim3A_257, %broadcast_in_dim3A_258 : vector<10240x64xi1>, vector<10240x64xf32>
    %reduce_max3A_260 = arith.constant dense<0xFF800000> : vector<64xf32>
    %reduce_max3A_261 = vector.multi_reduction <maximumf>, %select_n3A_259, %reduce_max3A_260 [0] : vector<10240x64xf32> to vector<64xf32>
    %broadcast_in_dim3A_262 = vector.shape_cast %reduce_max3A_261 : vector<64xf32> to vector<1x64xf32>
    %dot_general3A_263 = arith.constant dense<0.000000e+00> : vector<10240x1xf32>
    %dot_general3A_264 = tpu.matmul %convert_element_type3A_18, %broadcast_in_dim3A_262, %dot_general3A_263 {dimension_numbers = #tpu.dot_dimension_numbers<[1], [1], [0], [0], [0, 0, 1, 0], [], []>, transpose_lhs_hint = false} : vector<10240x64xf32>, vector<1x64xf32>, vector<10240x1xf32> -> vector<10240x1xf32>
    %sub3A_265 = arith.subf %add3A_251, %dot_general3A_264 : vector<10240x1xf32>
    %exp3A_266 = math.exp %sub3A_265 : vector<10240x1xf32>
    %dot_general3A_267 = arith.constant dense<0.000000e+00> : vector<64x1xf32>
    %dot_general3A_268 = tpu.matmul %convert_element_type3A_18, %exp3A_266, %dot_general3A_267 {dimension_numbers = #tpu.dot_dimension_numbers<[0], [0], [1], [1], [0, 1, 1, 1], [], []>, transpose_lhs_hint = false} : vector<10240x64xf32>, vector<10240x1xf32>, vector<64x1xf32> -> vector<64x1xf32>
    %mul3A_269 = vector.broadcast %exp3A_266 : vector<10240x1xf32> to vector<10240x128xf32>
    %mul3A_270 = arith.mulf %mul3A_269, %select_n3A : vector<10240x128xf32>
    %dot_general3A_271 = arith.constant dense<0.000000e+00> : vector<64x128xf32>
    %dot_general3A_272 = tpu.matmul %convert_element_type3A_18, %mul3A_270, %dot_general3A_271 {dimension_numbers = #tpu.dot_dimension_numbers<[0], [0], [1], [1], [0, 1, 1, 1], [], []>, transpose_lhs_hint = false} : vector<10240x64xf32>, vector<10240x128xf32>, vector<64x128xf32> -> vector<64x128xf32>
    %mul3A_273 = vector.broadcast %exp3A_266 : vector<10240x1xf32> to vector<10240x128xf32>
    %mul3A_274 = arith.mulf %mul3A_273, %select_n3A_16 : vector<10240x128xf32>
    %dot_general3A_275 = arith.constant dense<0.000000e+00> : vector<64x128xf32>
    %dot_general3A_276 = tpu.matmul %convert_element_type3A_18, %mul3A_274, %dot_general3A_275 {dimension_numbers = #tpu.dot_dimension_numbers<[0], [0], [1], [1], [0, 1, 1, 1], [], []>, transpose_lhs_hint = false} : vector<10240x64xf32>, vector<10240x128xf32>, vector<64x128xf32> -> vector<64x128xf32>
    %concatenate3A_277 = tpu.concatenate %dot_general3A_272, %dot_general3A_276 in 1 : vector<64x128xf32>, vector<64x128xf32> -> vector<64x256xf32>
    %max3A_278 = arith.constant 1.000000e-30 : f32
    %max3A_279 = vector.broadcast %max3A_278 : f32 to vector<64x1xf32>
    %max3A_280 = arith.maximumf %dot_general3A_268, %max3A_279 : vector<64x1xf32>
    %div3A_281 = vector.broadcast %max3A_280 : vector<64x1xf32> to vector<64x256xf32>
    %div3A_282 = arith.divf %concatenate3A_277, %div3A_281 : vector<64x256xf32>
    %concatenate3A_283 = tpu.concatenate %mul3A_236, %div3A_282 in 1 : vector<64x256xf32>, vector<64x256xf32> -> vector<64x512xf32>
    %get3A_284 = arith.constant 0 : index
    %get3A_285 = arith.constant 0 : index
    %get3A_286 = vector.load %arg5[%get3A_284, %get3A_285] : memref<512x1xf32, #tpu.memory_space<vmem>>, vector<512x1xf32>
    %dot_general3A_287 = arith.constant dense<0.000000e+00> : vector<64x1xf32>
    %dot_general3A_288 = tpu.matmul %concatenate3A_283, %get3A_286, %dot_general3A_287 {dimension_numbers = #tpu.dot_dimension_numbers<[1], [0], [0], [1], [0, 0, 1, 1], [], []>, transpose_lhs_hint = false} : vector<64x512xf32>, vector<512x1xf32>, vector<64x1xf32> -> vector<64x1xf32>
    %get3A_289 = arith.constant 0 : index
    %get3A_290 = arith.constant 0 : index
    %get3A_291 = vector.load %arg6[%get3A_289, %get3A_290] : memref<1x1xf32, #tpu.memory_space<vmem>>, vector<1x1xf32>
    %add3A_292 = vector.broadcast %get3A_291 : vector<1x1xf32> to vector<64x1xf32>
    %add3A_293 = arith.addf %dot_general3A_288, %add3A_292 : vector<64x1xf32>
    %swap3A = arith.constant 0 : index
    %swap3A_294 = arith.constant 0 : index
    %swap3A_295 = vector.load %arg7[%swap3A, %swap3A_294] : memref<64x1xf32, #tpu.memory_space<vmem>>, vector<64x1xf32>
    tpu.vector_store %arg7[%swap3A, %swap3A_294], %add3A_293 {strides = array<i32>} : memref<64x1xf32, #tpu.memory_space<vmem>>, vector<64x1xf32>,
    return
  }
}

</mosaic_0001>

<sc_bundles>
// kernel: kernel.5.cloned.1.call-start
scs
__scs_entry_jumppad:
0x0: {  	(pc) =	sbr.rel $0x88, $3  }
0x1: {  	(tag) =	ssettag $0x0;
	lr =	simm.s32 $0x1  }
0x2: {  	[smem:$0x3F96] =	sst lr;
	_ =	strace $0xD0000000  }
0x3: {  	_ = 	snop  }
0x4: {  	_ = 	snop  }
0x5: {  	_ = 	snop  }
0x6: {  	_ = 	snop  }
0x7: {  	_ = 	snop  }
__scs_overlays_trampoline_lowered:
0x8: {  	[smem:$0x3FA5] =	sst s0  }
0x9: {  	[smem:$0x3FA6] =	sst s1  }
0xa: {  	[smem:$0x3FA7] =	sst s2  }
0xb: {  	[smem:$0x3FA8] =	sst s3  }
0xc: {  	[smem:$0x3FA9] =	sst s4  }
0xd: {  	[smem:$0x3FAA] =	sst s5  }
0xe: {  	[smem:$0x3FAB] =	sst s6  }
0xf: {  	[smem:$0x3FAC] =	sst s7  }
0x10: {  	[smem:$0x3FAD] =	sst s8  }
0x11: {  	[smem:$0x3FAE] =	sst s9;
	s0 =	simm.s32 @!p0 $0x0  }
0x12: {  	s1 =	sld [smem:$0x3F94];
	s0 =	simm.s32 @p0 $0x1  }
0x13: {  	[smem:$0x3FAF] =	sst s0;
	s0 =	simm.s32 @!p1 $0x0  }
0x14: {  	s2 =	sld [smem:$0x3F93];
	s0 =	simm.s32 @p1 $0x1  }
0x15: {  	[smem:$0x3FB0] =	sst s0;
	s0 =	simm.s32 @!p2 $0x0  }
0x16: {  	s3 =	sld [smem:$0x3FDB];
	s0 =	simm.s32 @p2 $0x1  }
0x17: {  	s4 =	simm.s32 $0x1BF5;
	[smem:$0x3FB2] =	sst s0  }
0x18: {  	s0 =	sld [smem:$0x3F95];
	_ =	swait.ge [sflag:s4], $0x0  }
0x19: {  	s7 =	sld [smem:$0x3F96]  }
0x1a: {  	s8 =	sadd.s32 $0xFFFFE003, lr  }
0x1b: {  	s9 =	sadd.s32 $0xFFFFFEF7, lr;
	s5 =	simm.s32 $0xFFFFFFFF;
	p2 =	slt.u32 s8, $0xFFFFF086  }
0x1c: {  	p1 =	slt.u32 s9, $0xF7A;
	s5 =	simm.s32 @!p2 $0x0  }
0x1d: {  	s5 =	simm.s32 @p1 $0x1;
	p0 =	seq.s32 s7, s2  }
0x1e: {  	s7 =	smul.u32 @!p0 $0xF7A, s2;
	p2 =	seq.s32 @!p0 s5, $0x0  }
0x1f: {  	s9 =	smul.u32 $0xF7A, s1;
	s8 =	simm.s32 @!p0 $0x1BF5;
	p2 =	por !p2, p0  }
0x20: {  	[sflag:s8] =	ssyncset.s32 @!p0 $0xFFFFF086;
	s6 =	sadd.s32 @!p0 s3, s7;
	s7 =	simm.s32 @!p0 $0x108  }
0x21: {  	s3 =	sadd.s32 s3, s9;
	s6 =	sadd.s32 @!p0 $0x88, s6;
	s7 =	simm.s32 @p2 $0x1082  }
0x22: {  	[simem:s7], [sflag:s8] =	dma.local @!p0 [hbm:s6], $0xF7A  }
0x23: {  	s9 =	sor.u32 $0xD0000000, s2;
	s6 =	simm.s32 $0x108;
	_ =	swait.ge @!p0 [sflag:s8], $0x0  }
0x24: {  	s3 =	sadd.s32 $0x88, s3;
	s6 =	simm.s32 @!p1 $0x1082;
	[sflag:s4] =	ssyncset.s32 $0xFFFFF086  }
0x25: {  	[simem:s6], [sflag:s4] =	dma.local [hbm:s3], $0xF7A  }
0x26: {  	[smem:$0x3F96] =	sst s1;
	(tag) =	ssettag s2;
	_ =	strace s9  }
0x27: {  	s1 =	sld [smem:$0x3FA6]  }
0x28: {  	s2 =	sld [smem:$0x3FA7]  }
0x29: {  	s4 =	sld [smem:$0x3FA9]  }
0x2a: {  	p0 =	seq.s32 s5, $0x0;
	s5 =	sld [smem:$0x3FAA]  }
0x2b: {  	s6 =	sld [smem:$0x3FAB]  }
0x2c: {  	s7 =	sld [smem:$0x3FAC]  }
0x2d: {  	s3 =	simm.s32 $0x108;
	s8 =	sld [smem:$0x3FAD]  }
0x2e: {  	s3 =	simm.s32 @!p0 $0x1082;
	s9 =	sld [smem:$0x3FAE]  }
0x2f: {  	lr =	sadd.s32 s0, s3;
	s0 =	sld [smem:$0x3FA5]  }
0x30: {  	s3 =	sld [smem:$0x3FA8]  }
0x31: {  	[smem:$0x3FB1] =	sst s10  }
0x32: {  	s10 =	sld [smem:$0x3FAF];
	_ =	sdelay $0x3  }
0x33: {  	p0 =	seq.s32 s10, $0x1;
	s10 =	sld [smem:$0x3FB1];
	_ =	sdelay $0x3  }
0x34: {  	[smem:$0x3FB1] =	sst s10  }
0x35: {  	s10 =	sld [smem:$0x3FB0];
	_ =	sdelay $0x3  }
0x36: {  	p1 =	seq.s32 s10, $0x1;
	s10 =	sld [smem:$0x3FB1];
	_ =	sdelay $0x3  }
0x37: {  	[smem:$0x3FB1] =	sst s10  }
0x38: {  	s10 =	sld [smem:$0x3FB2]  }
0x39: {  	_ = 	snop;
	(pc) =	sbr.ind lr, $3  }
0x3a: {  	_ = 	snop  }
0x3b: {  	_ = 	snop  }
0x3c: {  	p2 =	seq.s32 s10, $0x1;
	s10 =	sld [smem:$0x3FB1]  }
0x3d: {  	_ =	shalt  }
0x3e: {  	_ =	shalt  }
0x3f: {  	_ =	shalt  }
0x40: {  	_ =	shalt  }
0x41: {  	_ =	shalt  }
0x42: {  	_ =	shalt  }
0x43: {  	_ =	shalt  }
0x44: {  	_ =	shalt  }
0x45: {  	_ =	shalt  }
0x46: {  	_ =	shalt  }
0x47: {  	_ =	shalt  }
0x48: {  	_ =	shalt  }
0x49: {  	_ =	shalt  }
0x4a: {  	_ =	shalt  }
0x4b: {  	_ =	shalt  }
0x4c: {  	_ =	shalt  }
0x4d: {  	_ =	shalt  }
0x4e: {  	_ =	shalt  }
0x4f: {  	_ =	shalt  }
0x50: {  	_ =	shalt  }
0x51: {  	_ =	shalt  }
0x52: {  	_ =	shalt  }
0x53: {  	_ =	shalt  }
0x54: {  	_ =	shalt  }
0x55: {  	_ =	shalt  }
0x56: {  	_ =	shalt  }
0x57: {  	_ =	shalt  }
0x58: {  	_ =	shalt  }
0x59: {  	_ =	shalt  }
0x5a: {  	_ =	shalt  }
0x5b: {  	_ =	shalt  }
0x5c: {  	_ =	shalt  }
0x5d: {  	_ =	shalt  }
0x5e: {  	_ =	shalt  }
0x5f: {  	_ =	shalt  }
0x60: {  	_ =	shalt  }
0x61: {  	_ =	shalt  }
0x62: {  	_ =	shalt  }
0x63: {  	_ =	shalt  }
0x64: {  	_ =	shalt  }
0x65: {  	_ =	shalt  }
0x66: {  	_ =	shalt  }
0x67: {  	_ =	shalt  }
0x68: {  	_ =	shalt  }
0x69: {  	_ =	shalt  }
0x6a: {  	_ =	shalt  }
0x6b: {  	_ =	shalt  }
0x6c: {  	_ =	shalt  }
0x6d: {  	_ =	shalt  }
0x6e: {  	_ =	shalt  }
0x6f: {  	_ =	shalt  }
0x70: {  	_ =	shalt  }
0x71: {  	_ =	shalt  }
0x72: {  	_ =	shalt  }
0x73: {  	_ =	shalt  }
0x74: {  	_ =	shalt  }
0x75: {  	_ =	shalt  }
0x76: {  	_ =	shalt  }
0x77: {  	_ =	shalt  }
0x78: {  	_ =	shalt  }
0x79: {  	_ =	shalt  }
0x7a: {  	_ =	shalt  }
0x7b: {  	_ =	shalt  }
0x7c: {  	_ =	shalt  }
0x7d: {  	_ =	shalt  }
0x7e: {  	_ =	shalt  }
0x7f: {  	_ =	shalt  }
0x80: {  	_ =	shalt  }
0x81: {  	_ =	shalt  }
0x82: {  	_ =	shalt  }
0x83: {  	_ =	shalt  }
0x84: {  	_ =	shalt  }
0x85: {  	_ =	shalt  }
0x86: {  	_ =	shalt  }
0x87: {  	_ =	shalt  }
.Lfunc_end0:
.L_simem_size_0:
called_computation_lowered:
.L_overlay_start_0:
0x88: {  	s2 =	sld [smem:$0x3FD9]  }
0x89: {  	s3 =	sld [smem:$0x3FFE];
	_ =	sdelay $0x1  }
0x8a: {  	s1 =	srdreg.scid  }
0x8b: {  	s0 =	sand.u32 $0x1, s1  }
0x8c: {  	s16 =	sshll.u32 s0, $0xA;
	s2 =	sadd.s32 s3, s2  }
0x8d: {  	s2 =	sadd.s32 s2, s16  }
0x8e: {  	[smem:$0x3FBD] =	sst s2  }
0x8f: {  	_ = 	snop  }
0x90: {  	(tm) =	ssettm $0x1  }
0x91: {  	s17 =	sld [smem:$0x3FFB];
	_ =	sdelay $0x3  }
0x92: {  	_ =	strace s17  }
0x93: {  	s2 =	sld [smem:$0x3FFC];
	_ =	sdelay $0x3  }
0x94: {  	_ =	strace s2  }
0x95: {  	s2 =	sld [smem:$0x3FFD];
	_ =	sdelay $0x3  }
0x96: {  	_ =	strace s2  }
0x97: {  	_ =	strace $0x8FFFFFFF  }
0x98: {  	s18 =	sld [smem:$0x3FDB];
	_ =	sdelay $0x1  }
0x99: {  	s19 =	simm.s32 $_scs_section_size  }
0x9a: {  	s4 =	simm.s32 $_size__tile_overlayer_lowered;
	s5 =	simm.s32 $_tile_overlayer_lowered  }
0x9b: {  	s22 =	simm.s32 $0x1BFF;
	s21 =	sshll.u32 s5, $0x1;
	s2 =	sadd.s32 s19, s18  }
0x9c: {  	s6 =	simm.s32 $0x0;
	s20 =	sshll.u32 s4, $0x1;
	s4 =	sadd.s32 s21, s2  }
0x9d: {  	[timem:s6], [sflag:s22] =	dma.local [hbm:s4], s20  }
0x9e: {  	_ =	swait.ge [sflag:s22], s20  }
0x9f: {  	s3 =	ssub.s32 $0x0, s20;
	[sflag:s22] =	ssyncset.done $0x0  }
0xa0: {  	[sflag:s22] =	ssyncadd.s32 s3;
	_ =	sdelay $0x1  }
0xa1: {  	s23 =	simm.s32 $0x1B8B  }
0xa2: {  	_ =	swait.ge [sflag:s23], $0x1  }
0xa3: {  	[sflag:s23] =	ssyncset.done $0x0  }
0xa4: {  	s25 =	simm.s32 $0x1B8E;
	s24 =	sld [smem:$0x3FFE];
	[sflag:s23] =	ssyncadd.s32 $0xFFFFFFFF  }
0xa5: {  	s26 =	simm.s32 $execute0_lowered;
	[smem:$0x3FD2] =	sst s25  }
0xa6: {  	s4 =	sshll.u32 s26, $0x1;
	_ =	strace $0x80000046;
	[dreg:$0x1] =	wrdreg $0xFFFFFFFF  }
0xa7: {  	s28 =	simm.s32 $_size_execute0_lowered;
	s2 =	sadd.s32 s2, s4;
	[dreg:$0x0] =	wrdreg $0x0  }
0xa8: {  	s4 =	sshll.u32 s28, $0x1;
	[dreg:$0x2] =	wrdreg s2  }
0xa9: {  	[dreg:$0x3] =	wrdreg s4  }
0xaa: {  	[dreg:$0x4] =	wrdreg $0xC0  }
0xab: {  	_ =	task [dreg:s6], $0x5FFFF  }
0xac: {  	[dreg:$0x1] =	wrdreg $0xFFFFFFFF  }
0xad: {  	[dreg:$0x0] =	wrdreg $0x60  }
0xae: {  	[dreg:$0x2] =	wrdreg s24  }
0xaf: {  	[dreg:$0x3] =	wrdreg $0x0  }
0xb0: {  	[dreg:$0x4] =	wrdreg $0x9  }
0xb1: {  	_ =	task.clear_ibuf [dreg:s6], $0x5FFFF;
	_ =	strace $0x90000046  }
0xb2: {  	s29 =	simm.s32 $0x9;
	_ =	strace $0x80000048  }
0xb3: {  	_ =	swait.ge [sflag:s29], $0x1  }
0xb4: {  	[sflag:s29] =	ssyncadd.s32 $0xFFFFFFFF  }
0xb5: {  	_ =	strace $0x90000048  }
0xb6: {  	_ =	sfence  }
0xb7: {  	s30 =	sld [smem:$0x0];
	_ =	sdelay $0x2  }
0xb8: {  	s31 =	sshll.u32 s1, $0xD;
	s1 =	sshrl.u32 s1, $0x2  }
0xb9: {  	s3 =	sand.u32 $0x4000, s31;
	s1 =	sadd.s32 s1, s30  }
0xba: {  	s0 =	sor.u32 s3, s0;
	s1 =	sshll.u32 s1, $0x11  }
0xbb: {  	s0 =	sor.u32 s1, s0  }
0xbc: {  	s0 =	sadd.s32 $0x8F2B, s0  }
0xbd: {  	[sflag:s0] =	ssyncadd.remote.s32 $0x1  }
0xbe: {  	_ =	sfence.sel $0xFFFF  }
0xbf: {  	[dreg:$0x0] =	wrdreg $0xFFFFFFFF;
	(pc) =	sbr.abs _section_cstart, $3  }
0xc0: {  	[dreg:$0x1] =	wrdreg $0xFFFFFFFF  }
0xc1: {  	_ =	task.clear_ibuf [dreg:s6], $0x2FFFF;
	_ =	strace $0x9FFFFFFF  }
0xc2: {  	(tm) =	ssettm $0x7FFFFFFF  }
0xc3: {  	_ =	shalt  }
tec
execute0_lowered:
.L_overlay_start_1:
0x0: {  	(tag) =	ssettag $0x1  }
0x1: {  	s0 =	rddreg [dreg:$0x0]  }
0x2: {  	s2 =	rddreg [dreg:$0x1]  }
0x3: {  	s3 =	simm.s32 $0x0;
	s1 =	stileid.u32;
	s6 =	srdreg.scid  }
0x4: {  	s14 =	simm.s32 $0x2;
	s15 =	simm.s32 $0x14080;
	s16 =	simm.s32 $0x80  }
0x5: {  	s17 =	simm.s32 $0x14100;
	s18 =	simm.s32 $0x1C900;
	s19 =	simm.s32 $0x14000  }
0x6: {  	s20 =	simm.s32 $0x1;
	s21 =	simm.s32 $0x18100;
	s5 =	smul.u32 $0x13A0, s1  }
0x7: {  	s22 =	simm.s32 $0x0;
	[smem:$0x7FF] =	sst s3;
	s7 =	smul.u32 $0x9D0, s1  }
0x8: {  	s4 =	sadd.s32 $0x1F600, s0;
	s9 =	sand.u32 $0x1, s6;
	s10 =	smul.u32 $0x50000, s1  }
0x9: {  	s6 =	sadd.s32 $0xBF600, s0;
	_ =	strace $0x80000047;
	s8 =	ssub.s32 $0x2, s9  }
0xa: {  	s13 =	sshll.u32 s9, $0x4;
	s9 =	smul.u32 $0x2800, s9;
	s11 =	sadd.s32 s5, s0  }
0xb: {  	s12 =	sadd.s32 s7, s0;
	s28 =	sshrl.u32 s8, $0x1;
	s30 =	sshrl.u32 s10, $0x2  }
0xc: {  	s5 =	sadd.s32 $0x6F600, s0;
	s29 =	ssub.s32 s8, s28;
	s7 =	sadd.s32 s30, s2  }
0xd: {  	s8 =	smul.u32 $0x280, s1;
	s31 =	sadd.s32 s13, s11;
	s11 =	sadd.s32 $0x15800, s12  }
0xe: {  	v0 =	vimm.f32 $1.000000000e+00;
	v1 =	vimm.f32 $0.0e+00;
	v2 =	vlaneseq.u32;
	s13 =	simm.s32 $0x1C100;
	s10 =	smax.u32 s29, $0x1;
	s12 =	sadd.s32 $0x1E00, s31  }
.LBB2_1:
0xf: {  	s0 =	simm.s32 $0x0;
	s23 =	simm.s32 $0x200  }
.LBB2_2:
0x10: {  	p0 =	sne.s32 s23, $0xFE00;
	[tilespmem:s0+$0x14170] =	vst v0  }
0x11: {  	[tilespmem:s0+$0x14100] =	vst v0  }
0x12: {  	[tilespmem:s0+$0x14110] =	vst v0  }
.Ltmp0:
0x13: {  	[tilespmem:s0+$0x14120] =	vst v0;
	(pc) =	sbr.rel @p0 .LBB2_2-.Ltmp0, $4  }
0x14: {  	[tilespmem:s0+$0x14130] =	vst v0  }
0x15: {  	[tilespmem:s0+$0x14140] =	vst v0  }
0x16: {  	[tilespmem:s0+$0x14150] =	vst v0  }
0x17: {  	[tilespmem:s0+$0x14160] =	vst v0;
	s0 =	sshra.s32 s23, $0x2;
	s23 =	sadd.s32 $0x200, s23  }
0x18: {  	[tilespmem:s0+$0x14170] =	vst v0  }
0x19: {  	[tilespmem:s0+$0x14100] =	vst v0  }
0x1a: {  	[tilespmem:s0+$0x14110] =	vst v0  }
0x1b: {  	[tilespmem:s0+$0x14120] =	vst v0  }
0x1c: {  	[tilespmem:s0+$0x14130] =	vst v0  }
0x1d: {  	[tilespmem:s0+$0x14140] =	vst v0  }
0x1e: {  	[tilespmem:s0+$0x14150] =	vst v0  }
0x1f: {  	[tilespmem:s0+$0x14160] =	vst v0;
	s0 =	simm.s32 $0x0;
	s23 =	simm.s32 $0x200  }
.LBB2_4:
0x20: {  	p0 =	sne.s32 s23, $0x1E00;
	[tilespmem:s0+$0x1C170] =	vst v1  }
0x21: {  	[tilespmem:s0+$0x1C100] =	vst v1  }
0x22: {  	[tilespmem:s0+$0x1C110] =	vst v1  }
.Ltmp1:
0x23: {  	[tilespmem:s0+$0x1C120] =	vst v1;
	(pc) =	sbr.rel @p0 .LBB2_4-.Ltmp1, $4  }
0x24: {  	[tilespmem:s0+$0x1C130] =	vst v1  }
0x25: {  	[tilespmem:s0+$0x1C140] =	vst v1  }
0x26: {  	[tilespmem:s0+$0x1C150] =	vst v1  }
0x27: {  	[tilespmem:s0+$0x1C160] =	vst v1;
	s0 =	sshra.s32 s23, $0x2;
	s23 =	sadd.s32 $0x200, s23  }
0x28: {  	[tilespmem:s0+$0x1C170] =	vst v1  }
0x29: {  	[tilespmem:s0+$0x1C100] =	vst v1  }
0x2a: {  	[tilespmem:s0+$0x1C110] =	vst v1  }
0x2b: {  	[tilespmem:s0+$0x1C120] =	vst v1  }
0x2c: {  	[tilespmem:s0+$0x1C130] =	vst v1  }
0x2d: {  	[tilespmem:s0+$0x1C140] =	vst v1  }
0x2e: {  	[tilespmem:s0+$0x1C150] =	vst v1  }
0x2f: {  	[tilespmem:s0+$0x1C160] =	vst v1;
	s31 =	sadd.s32 $0x0, s7  }
0x30: {  	[spmem:s31] =	stream.linear.scatter [tilespmem:s13], [sflag:$0x2], $0x800, $0x38;
	[tilespmem:$0x1CB80] =	vst v63  }
0x31: {  	s0 =	simm.s32 $0x2000;
	_ =	swait.ge [sflag:s14], $0x800  }
.LBB2_6:
0x32: {  	s23 =	sshra.s32 s0, $0x2;
	[sflag:s14] =	ssyncset.done $0x0;
	p0 =	sne.s32 s0, $0x4E000  }
.Ltmp2:
0x33: {  	s23 =	sadd.s32 s23, s7;
	[sflag:s14] =	ssyncadd.s32 $0xFFFFF800;
	(pc) =	sbr.rel @p0 .LBB2_6-.Ltmp2, $3  }
0x34: {  	[spmem:s23] =	stream.linear.scatter [tilespmem:s13], [sflag:$0x2], $0x800, $0x38;
	[tilespmem:$0x1CB80] =	vst v63  }
0x35: {  	s0 =	sadd.s32 $0x2000, s0;
	_ =	sdelay $0x1  }
0x36: {  	_ =	swait.ge [sflag:s14], $0x800  }
0x37: {  	[sflag:s14] =	ssyncset.done $0x0  }
0x38: {  	[sflag:s14] =	ssyncadd.s32 $0xFFFFF800  }
0x39: {  	s0 =	sadd.s32 $0x0, s11;
	[bflag:$0x0] =	sbarrier.arrive $0xFFFF  }
0x3a: {  	[tilespmem:s15], [sflag:$0x2] =	stream.linear.gather [hbm4b:s0+s3], $0x80, $0x38;
	[tilespmem:$0x1CB80] =	vst v63  }
0x3b: {  	_ =	swait.ge [sflag:s14], $0x80  }
0x3c: {  	[sflag:s14] =	ssyncset.done $0x0  }
0x3d: {  	[sflag:s14] =	ssyncadd.s32 $0xFFFFFF80  }
0x3e: {  	[spmem:s2] =	stream.indirect.scatter.add.f32 [tilespmem:s17], [sflag:$0x2], $0x80, s15, s16, $0xb8;
	[tilespmem:$0x1CB80] =	vst v63  }
0x3f: {  	_ =	swait.ge [sflag:s14], $0x4000  }
0x40: {  	s23 =	simm.s32 $0x20;
	s0 =	simm.s32 $0x10;
	[sflag:s14] =	ssyncset.done $0x0  }
.LBB2_8:
0x41: {  	s24 =	sadd.s32 s0, s11  }
0x42: {  	[sflag:s14] =	ssyncadd.s32 $0xFFFFC000;
	s0 =	smov.u32 s23;
	s25 =	sadd.s32 $0x10, s23  }
0x43: {  	[tilespmem:s15], [sflag:$0x2] =	stream.linear.gather [hbm4b:s24+s3], $0x80, $0x38;
	[tilespmem:$0x1CB80] =	vst v63  }
0x44: {  	p0 =	sne.s32 s23, $0x9C0;
	_ =	swait.ge [sflag:s14], $0x80  }
.Ltmp3:
0x45: {  	[sflag:s14] =	ssyncset.done $0x0;
	(pc) =	sbr.rel @p0 .LBB2_8-.Ltmp3, $4  }
0x46: {  	[sflag:s14] =	ssyncadd.s32 $0xFFFFFF80  }
0x47: {  	[spmem:s2] =	stream.indirect.scatter.add.f32 [tilespmem:s17], [sflag:$0x2], $0x80, s15, s16, $0xb8;
	[tilespmem:$0x1CB80] =	vst v63  }
0x48: {  	_ =	swait.ge [sflag:s14], $0x4000  }
0x49: {  	s23 =	smov.u32 s25;
	[sflag:s14] =	ssyncset.done $0x0  }
0x4a: {  	s0 =	sadd.s32 s0, s11;
	[sflag:s14] =	ssyncadd.s32 $0xFFFFC000  }
0x4b: {  	[tilespmem:s15], [sflag:$0x2] =	stream.linear.gather [hbm4b:s0+s3], $0x80, $0x38;
	[tilespmem:$0x1CB80] =	vst v63  }
0x4c: {  	_ =	swait.ge [sflag:s14], $0x80  }
0x4d: {  	[sflag:s14] =	ssyncset.done $0x0  }
0x4e: {  	[sflag:s14] =	ssyncadd.s32 $0xFFFFFF80  }
0x4f: {  	[spmem:s2] =	stream.indirect.scatter.add.f32 [tilespmem:s17], [sflag:$0x2], $0x80, s15, s16, $0xb8;
	[tilespmem:$0x1CB80] =	vst v63  }
0x50: {  	_ =	swait.ge [sflag:s14], $0x4000  }
0x51: {  	[sflag:s14] =	ssyncset.done $0x0  }
0x52: {  	[sflag:s14] =	ssyncadd.s32 $0xFFFFC000  }
0x53: {  	s23 =	simm.s32 $0x0;
	s24 =	simm.s32 $0x0;
	[bflag:$0x0] =	sbarrier.arrive $0xFFFF  }
.LBB2_10:
0x54: {  	s0 =	sshll.u32 s24, $0x7  }
0x55: {  	s25 =	sadd.s32 s8, s0  }
0x56: {  	s25 =	sshll.u32 s25, $0x7  }
0x57: {  	v4 =	vor.u32 s23, v2;
	s25 =	sand.u32 $0x3FFFFF80, s25  }
0x58: {  	v3 =	vshll.u32 v4, $0x7;
	s25 =	sadd.s32 s25, s2  }
0x59: {  	[tilespmem:s17], [sflag:$0x2] =	stream.linear.gather [spmem:s25], $0x4000, $0x38;
	[tilespmem:$0x1CB80] =	vst v63  }
0x5a: {  	_ =	swait.ge [sflag:s14], $0x4000  }
0x5b: {  	[sflag:s14] =	ssyncset.done $0x0  }
0x5c: {  	[sflag:s14] =	ssyncadd.s32 $0xFFFFC000  }
0x5d: {  	v3 =	vld.idx.msk [tilespmem:v3+s17+$0x0], $0xffff;
	_ =	sdelay $0x4  }
0x5e: {  	v3 =	vmax.f32 v3, $1.000000000e+00  }
0x5f: {  	(erf) = vrcp.f32 v3  }
0x60: {  	s31 =	sadd.s32 $0x0, s0  }
0x61: {  	v5 =	vmov s31  }
0x62: {  	v5 =	vshrl.u32 v5, $0x7  }
0x63: {  	v5 =	vshll.u32 v5, $0x7  }
0x64: {  	v5 =	vbroadcast v5, $0x0  }
0x65: {  	s25 =	simm.s32 $0x10  }
0x66: {  	s26 =	simm.s32 $0x20;
	v4 =	vor.u32 v4, v5;
	v3 =	vor.u32 s25, v2  }
.LBB2_11:
0x67: {  	p0 =	sne.s32 s26, $0x70;
	v5 =	vshll.u32 v3, $0x7  }
0x68: {  	v6 =	vpop (erf)  }
0x69: {  	v6 =	vmul.f32 $5.000000000e-01, v6;
	_ =	sdelay $0x1  }
0x6a: {  	[tilespmem:v4+s18+$0x0] =	vst.idx.msk $0xffff, v6  }
0x6b: {  	v4 =	vld.idx.msk [tilespmem:v5+s17+$0x0], $0xffff;
	_ =	sdelay $0x5  }
0x6c: {  	v4 =	vmax.f32 v4, $1.000000000e+00  }
0x6d: {  	(erf) = vrcp.f32 v4  }
0x6e: {  	s28 =	sadd.s32 s0, s25;
	s25 =	smov.u32 s26  }
0x6f: {  	v4 =	vmov s28  }
.Ltmp4:
0x70: {  	v4 =	vshrl.u32 v4, $0x7;
	(pc) =	sbr.rel @p0 .LBB2_11-.Ltmp4, $3  }
0x71: {  	v4 =	vshll.u32 v4, $0x7  }
0x72: {  	v4 =	vbroadcast v4, $0x0;
	_ =	sdelay $0x1  }
0x73: {  	s26 =	sadd.s32 $0x10, s26;
	v4 =	vor.u32 v3, v4;
	v3 =	vor.u32 s25, v2  }
0x74: {  	v5 =	vshll.u32 v3, $0x7  }
0x75: {  	v6 =	vpop (erf)  }
0x76: {  	v6 =	vmul.f32 $5.000000000e-01, v6;
	_ =	sdelay $0x1  }
0x77: {  	[tilespmem:v4+s18+$0x0] =	vst.idx.msk $0xffff, v6  }
0x78: {  	v4 =	vld.idx.msk [tilespmem:v5+s17+$0x0], $0xffff;
	_ =	sdelay $0x4  }
0x79: {  	v4 =	vmax.f32 v4, $1.000000000e+00  }
0x7a: {  	(erf) = vrcp.f32 v4  }
0x7b: {  	s0 =	sadd.s32 s0, s25  }
0x7c: {  	v62 =	vmov s0  }
0x7d: {  	v4 =	vshrl.u32 v62, $0x7  }
0x7e: {  	v4 =	vshll.u32 v4, $0x7  }
0x7f: {  	v4 =	vbroadcast v4, $0x0  }
0x80: {  	s24 =	sadd.s32 $0x1, s24  }
0x81: {  	p0 =	sne.s32 s24, $0x5;
	v3 =	vor.u32 v3, v4  }
.Ltmp5:
0x82: {  	_ = 	snop;
	(pc) =	sbr.rel @p0 .LBB2_10-.Ltmp5, $3  }
0x83: {  	v63 =	vpop (erf)  }
0x84: {  	v4 =	vmul.f32 $5.000000000e-01, v63;
	_ =	sdelay $0x1  }
0x85: {  	[tilespmem:v3+s18+$0x0] =	vst.idx.msk $0xffff, v4  }
0x86: {  	[bflag:$0x0] =	sbarrier.arrive $0xFFFF;
	s0 =	sadd.s32 $0x0, s7  }
0x87: {  	[spmem:s0] =	stream.linear.scatter [tilespmem:s13], [sflag:$0x2], $0x800, $0x38;
	[tilespmem:$0x1CB80] =	vst v63  }
0x88: {  	s0 =	simm.s32 $0x2000;
	_ =	swait.ge [sflag:s14], $0x800  }
.LBB2_14:
0x89: {  	s23 =	sshra.s32 s0, $0x2;
	[sflag:s14] =	ssyncset.done $0x0;
	p0 =	sne.s32 s0, $0x4E000  }
.Ltmp6:
0x8a: {  	s23 =	sadd.s32 s23, s7;
	[sflag:s14] =	ssyncadd.s32 $0xFFFFF800;
	(pc) =	sbr.rel @p0 .LBB2_14-.Ltmp6, $3  }
0x8b: {  	[spmem:s23] =	stream.linear.scatter [tilespmem:s13], [sflag:$0x2], $0x800, $0x38;
	[tilespmem:$0x1CB80] =	vst v63  }
0x8c: {  	s0 =	sadd.s32 $0x2000, s0;
	_ =	sdelay $0x1  }
0x8d: {  	_ =	swait.ge [sflag:s14], $0x800  }
0x8e: {  	[sflag:s14] =	ssyncset.done $0x0  }
0x8f: {  	[sflag:s14] =	ssyncadd.s32 $0xFFFFF800  }
0x90: {  	[bflag:$0x0] =	sbarrier.arrive $0xFFFF  }
0x91: {  	[tilespmem:s19], [sflag:$0x2] =	stream.linear.gather [hbm4b:s12+s3], $0x80, $0x38;
	[tilespmem:$0x1CB80] =	vst v63  }
0x92: {  	_ =	swait.ge [sflag:s14], $0x80  }
0x93: {  	[sflag:s14] =	ssyncset.done $0x0  }
0x94: {  	s0 =	sadd.s32 $0x0, s11;
	[sflag:s14] =	ssyncadd.s32 $0xFFFFFF80  }
0x95: {  	[tilespmem:s15], [sflag:$0x2] =	stream.linear.gather [hbm4b:s0+s3], $0x80, $0x38;
	[tilespmem:$0x1CB80] =	vst v63  }
0x96: {  	_ =	swait.ge [sflag:s14], $0x80  }
0x97: {  	[sflag:s14] =	ssyncset.done $0x0  }
0x98: {  	[sflag:s14] =	ssyncadd.s32 $0xFFFFFF80  }
0x99: {  	[tilespmem:s17], [sflag:$0x1] =	stream.indirect.gather [hbm4b:s4+s16], $0x80, s19, s16, $0xb8;
	[tilespmem:$0x1CB80] =	vst v63  }
0x9a: {  	_ =	swait.ge [sflag:s20], $0x4000  }
0x9b: {  	[sflag:s20] =	ssyncset.done $0x0  }
0x9c: {  	[sflag:s20] =	ssyncadd.s32 $0xFFFFC000  }
0x9d: {  	[spmem:s2] =	stream.indirect.scatter.add.f32 [tilespmem:s17], [sflag:$0x2], $0x80, s15, s16, $0xb8;
	[tilespmem:$0x1CB80] =	vst v63  }
0x9e: {  	_ =	swait.ge [sflag:s14], $0x4000  }
0x9f: {  	s23 =	smov.u32 s12;
	s0 =	simm.s32 $0x10;
	[sflag:s14] =	ssyncset.done $0x0  }
.LBB2_16:
0xa0: {  	p0 =	sne.s32 s0, $0x9C0;
	[sflag:s14] =	ssyncadd.s32 $0xFFFFC000;
	s23 =	sadd.s32 $0x20, s23  }
0xa1: {  	[tilespmem:s19], [sflag:$0x2] =	stream.linear.gather [hbm4b:s23+s3], $0x80, $0x38;
	[tilespmem:$0x1CB80] =	vst v63  }
0xa2: {  	s24 =	smov.u32 s0;
	s0 =	sadd.s32 $0x10, s0;
	_ =	swait.ge [sflag:s14], $0x80  }
0xa3: {  	[sflag:s14] =	ssyncset.done $0x0  }
0xa4: {  	s24 =	sadd.s32 s24, s11;
	[sflag:s14] =	ssyncadd.s32 $0xFFFFFF80  }
0xa5: {  	[tilespmem:s15], [sflag:$0x2] =	stream.linear.gather [hbm4b:s24+s3], $0x80, $0x38;
	[tilespmem:$0x1CB80] =	vst v63  }
0xa6: {  	_ =	swait.ge [sflag:s14], $0x80  }
0xa7: {  	[sflag:s14] =	ssyncset.done $0x0  }
0xa8: {  	[sflag:s14] =	ssyncadd.s32 $0xFFFFFF80  }
0xa9: {  	[tilespmem:s17], [sflag:$0x1] =	stream.indirect.gather [hbm4b:s4+s16], $0x80, s19, s16, $0xb8;
	[tilespmem:$0x1CB80] =	vst v63  }
0xaa: {  	_ =	swait.ge [sflag:s20], $0x4000  }
.Ltmp7:
0xab: {  	[sflag:s20] =	ssyncset.done $0x0;
	(pc) =	sbr.rel @p0 .LBB2_16-.Ltmp7, $4  }
0xac: {  	[sflag:s20] =	ssyncadd.s32 $0xFFFFC000  }
0xad: {  	[spmem:s2] =	stream.indirect.scatter.add.f32 [tilespmem:s17], [sflag:$0x2], $0x80, s15, s16, $0xb8;
	[tilespmem:$0x1CB80] =	vst v63  }
0xae: {  	_ =	swait.ge [sflag:s14], $0x4000  }
0xaf: {  	[sflag:s14] =	ssyncset.done $0x0  }
0xb0: {  	[sflag:s14] =	ssyncadd.s32 $0xFFFFC000;
	s23 =	simm.s32 $0x0  }
0xb1: {  	s24 =	simm.s32 $0x0;
	s25 =	simm.s32 $0x0;
	[bflag:$0x0] =	sbarrier.arrive $0xFFFF  }
.LBB2_18:
0xb2: {  	s0 =	sshll.u32 s25, $0x7  }
0xb3: {  	s0 =	sadd.s32 s8, s0  }
0xb4: {  	s26 =	sshll.u32 s0, $0x7  }
0xb5: {  	s26 =	sand.u32 $0x3FFFFF80, s26  }
0xb6: {  	s26 =	sadd.s32 s26, s2  }
0xb7: {  	[tilespmem:s17], [sflag:$0x2] =	stream.linear.gather [spmem:s26], $0x4000, $0x38;
	[tilespmem:$0x1CB80] =	vst v63  }
0xb8: {  	s0 =	sadd.s32 s9, s0;
	_ =	swait.ge [sflag:s14], $0x4000  }
0xb9: {  	s28 =	sshll.u32 s0, $0x4;
	[sflag:s14] =	ssyncset.done $0x0  }
0xba: {  	s0 =	sadd.s32 s4, s28;
	[sflag:s14] =	ssyncadd.s32 $0xFFFFC000  }
0xbb: {  	[tilespmem:s21], [sflag:$0x2] =	stream.linear.gather [hbm4b:s0+s23], $0x4000, $0x38;
	[tilespmem:$0x1CB80] =	vst v63  }
0xbc: {  	_ =	swait.ge [sflag:s14], $0x4000  }
0xbd: {  	[sflag:s14] =	ssyncset.done $0x0  }
0xbe: {  	s29 =	simm.s32 $0x0;
	[sflag:s14] =	ssyncadd.s32 $0xFFFFC000  }
0xbf: {  	v3 =	vld [tilespmem:s29+$0x14100]  }
0xc0: {  	v4 =	vld [tilespmem:s29+$0x14110]  }
0xc1: {  	v6 =	vmov s24;
	v5 =	vld [tilespmem:s29+$0x14120]  }
0xc2: {  	v7 =	vld [tilespmem:s29+$0x14130]  }
0xc3: {  	v8 =	vld [tilespmem:s29+$0x14140]  }
0xc4: {  	v9 =	vld [tilespmem:s29+$0x14150]  }
0xc5: {  	v10 =	vld [tilespmem:s29+$0x14160]  }
0xc6: {  	v14 =	vld.idx.msk [tilespmem:v6+s18+$0x0], $0xffff  }
0xc7: {  	v6 =	vld [tilespmem:s29+$0x18100]  }
0xc8: {  	v11 =	vld [tilespmem:s29+$0x18110]  }
0xc9: {  	v12 =	vld [tilespmem:s29+$0x18120]  }
0xca: {  	v15 =	vld [tilespmem:s29+$0x18130]  }
0xcb: {  	v16 =	vld [tilespmem:s29+$0x18140]  }
0xcc: {  	v17 =	vld [tilespmem:s29+$0x18150];
	v6 =	vmul.f32 $5.000000000e-01, v6;
	v3 =	vmul.f32 v3, v14  }
0xcd: {  	v13 =	vld [tilespmem:s29+$0x14170];
	v11 =	vmul.f32 $5.000000000e-01, v11;
	v4 =	vmul.f32 v4, v14  }
0xce: {  	v18 =	vld [tilespmem:s29+$0x18160];
	v12 =	vmul.f32 $5.000000000e-01, v12;
	v6 =	vadd.f32 v3, v6  }
0xcf: {  	s30 =	simm.s32 $0x80;
	v19 =	vld [tilespmem:s29+$0x18170];
	v5 =	vmul.f32 v5, v14;
	v8 =	vmul.f32 v8, v14;
	v11 =	vadd.f32 v4, v11  }
0xd0: {  	v3 =	vld [tilespmem:s30+$0x14100];
	[tilespmem:s29+$0x18100] =	vst v6;
	v6 =	vmul.f32 $5.000000000e-01, v15;
	v15 =	vmul.f32 v7, v14  }
0xd1: {  	v62 =	vmul.f32 $5.000000000e-01, v17;
	v12 =	vadd.f32 v5, v12;
	v4 =	vld [tilespmem:s30+$0x14110];
	[tilespmem:s29+$0x18110] =	vst v11;
	v11 =	vmul.f32 $5.000000000e-01, v16  }
0xd2: {  	v63 =	vmul.f32 v9, v14;
	v10 =	vmul.f32 v10, v14;
	v15 =	vadd.f32 v15, v6  }
0xd3: {  	s31 =	sadd.s32 $0x1, s24;
	v13 =	vmul.f32 v13, v14;
	v5 =	vld [tilespmem:s30+$0x14120];
	[tilespmem:s29+$0x18120] =	vst v12;
	v9 =	vadd.f32 v8, v11;
	v8 =	vmul.f32 $5.000000000e-01, v18  }
0xd4: {  	s0 =	simm.s32 $0x400;
	v7 =	vmov s31;
	v12 =	vadd.f32 v63, v62;
	v6 =	vld [tilespmem:s30+$0x14130];
	v11 =	vmul.f32 $5.000000000e-01, v19;
	[tilespmem:s29+$0x18130] =	vst v15  }
.LBB2_19:
0xd5: {  	p0 =	sne.s32 s0, $0xFE00;
	v14 =	vld [tilespmem:s30+$0x14140];
	[tilespmem:s29+$0x18140] =	vst v9;
	v8 =	vadd.f32 v10, v8  }
0xd6: {  	v9 =	vld [tilespmem:s30+$0x14150];
	[tilespmem:s29+$0x18150] =	vst v12;
	v10 =	vadd.f32 v13, v11  }
0xd7: {  	v11 =	vld [tilespmem:s30+$0x14160];
	[tilespmem:s29+$0x18160] =	vst v8  }
0xd8: {  	v13 =	vld [tilespmem:s30+$0x14170];
	[tilespmem:s29+$0x18170] =	vst v10;
	s29 =	smov.u32 s30  }
0xd9: {  	v15 =	vld.idx.msk [tilespmem:v7+s18+$0x0], $0xffff  }
0xda: {  	v7 =	vld [tilespmem:s29+$0x18100]  }
0xdb: {  	v8 =	vld [tilespmem:s29+$0x18110]  }
0xdc: {  	v10 =	vld [tilespmem:s29+$0x18120]  }
0xdd: {  	v12 =	vld [tilespmem:s29+$0x18130]  }
0xde: {  	v16 =	vld [tilespmem:s29+$0x18140]  }
0xdf: {  	s31 =	sadd.s32 $0x1, s31;
	v3 =	vmul.f32 v3, v15;
	v17 =	vmul.f32 $5.000000000e-01, v7;
	v18 =	vld [tilespmem:s29+$0x18150]  }
0xe0: {  	v4 =	vmul.f32 v4, v15;
	v7 =	vmov s31;
	v8 =	vmul.f32 $5.000000000e-01, v8;
	v19 =	vld [tilespmem:s29+$0x18160]  }
0xe1: {  	v5 =	vmul.f32 v5, v15;
	v17 =	vadd.f32 v3, v17;
	v10 =	vmul.f32 $5.000000000e-01, v10;
	v20 =	vld [tilespmem:s29+$0x18170]  }
.Ltmp8:
0xe2: {  	s30 =	sshra.s32 s0, $0x2;
	v6 =	vmul.f32 v6, v15;
	v8 =	vadd.f32 v4, v8;
	v12 =	vmul.f32 $5.000000000e-01, v12;
	(pc) =	sbr.rel @p0 .LBB2_19-.Ltmp8, $4  }
0xe3: {  	v14 =	vmul.f32 v14, v15;
	v3 =	vld [tilespmem:s30+$0x14100];
	[tilespmem:s29+$0x18100] =	vst v17;
	v10 =	vadd.f32 v5, v10;
	v16 =	vmul.f32 $5.000000000e-01, v16  }
0xe4: {  	v4 =	vld [tilespmem:s30+$0x14110];
	[tilespmem:s29+$0x18110] =	vst v8;
	v12 =	vadd.f32 v6, v12;
	v17 =	vmul.f32 $5.000000000e-01, v18;
	v18 =	vmul.f32 v9, v15  }
0xe5: {  	v5 =	vld [tilespmem:s30+$0x14120];
	[tilespmem:s29+$0x18120] =	vst v10;
	v9 =	vadd.f32 v14, v16;
	v8 =	vmul.f32 $5.000000000e-01, v19;
	v10 =	vmul.f32 v11, v15  }
0xe6: {  	s0 =	sadd.s32 $0x200, s0;
	v13 =	vmul.f32 v13, v15;
	v6 =	vld [tilespmem:s30+$0x14130];
	[tilespmem:s29+$0x18130] =	vst v12;
	v12 =	vadd.f32 v18, v17;
	v11 =	vmul.f32 $5.000000000e-01, v20  }
0xe7: {  	v14 =	vld [tilespmem:s30+$0x14140];
	[tilespmem:s29+$0x18140] =	vst v9;
	v8 =	vadd.f32 v10, v8  }
0xe8: {  	v9 =	vld [tilespmem:s30+$0x14150];
	[tilespmem:s29+$0x18150] =	vst v12;
	v11 =	vadd.f32 v13, v11  }
0xe9: {  	v51 =	vld [tilespmem:s30+$0x14160];
	[tilespmem:s29+$0x18160] =	vst v8  }
0xea: {  	v8 =	vld [tilespmem:s30+$0x14170];
	[tilespmem:s29+$0x18170] =	vst v11  }
0xeb: {  	v7 =	vld.idx.msk [tilespmem:v7+s18+$0x0], $0xffff  }
0xec: {  	v11 =	vld [tilespmem:s30+$0x18100]  }
0xed: {  	v12 =	vld [tilespmem:s30+$0x18110]  }
0xee: {  	v52 =	vld [tilespmem:s30+$0x18120]  }
0xef: {  	v15 =	vld [tilespmem:s30+$0x18130]  }
0xf0: {  	v16 =	vld [tilespmem:s30+$0x18140]  }
0xf1: {  	v17 =	vld [tilespmem:s30+$0x18150];
	v11 =	vmul.f32 $5.000000000e-01, v11  }
0xf2: {  	v3 =	vmul.f32 v3, v7;
	v12 =	vmul.f32 $5.000000000e-01, v12  }
0xf3: {  	v54 =	vld [tilespmem:s30+$0x18170];
	v4 =	vmul.f32 v4, v7;
	v53 =	vmul.f32 $5.000000000e-01, v52  }
0xf4: {  	v18 =	vld [tilespmem:s30+$0x18160];
	v55 =	vmul.f32 $5.000000000e-01, v15;
	v6 =	vmul.f32 v6, v7;
	v3 =	vadd.f32 v3, v11  }
0xf5: {  	v5 =	vmul.f32 v5, v7;
	v56 =	vmul.f32 $5.000000000e-01, v16;
	v4 =	vadd.f32 v4, v12  }
0xf6: {  	v59 =	vmul.f32 $5.000000000e-01, v17;
	v9 =	vmul.f32 v9, v7;
	v58 =	vadd.f32 v6, v55;
	[tilespmem:s30+$0x18100] =	vst v3  }
0xf7: {  	v57 =	vmul.f32 v14, v7;
	v10 =	vmul.f32 v51, v7;
	v3 =	vadd.f32 v5, v53;
	[tilespmem:s30+$0x18110] =	vst v4  }
0xf8: {  	v62 =	vmul.f32 $5.000000000e-01, v54;
	v7 =	vmul.f32 v8, v7;
	v61 =	vadd.f32 v9, v59;
	[tilespmem:s30+$0x18130] =	vst v58  }
0xf9: {  	v60 =	vmul.f32 $5.000000000e-01, v18;
	[tilespmem:s30+$0x18120] =	vst v3;
	v3 =	vadd.f32 v57, v56  }
0xfa: {  	v63 =	vadd.f32 v7, v62;
	[tilespmem:s30+$0x18150] =	vst v61  }
0xfb: {  	[tilespmem:s30+$0x18140] =	vst v3;
	v3 =	vadd.f32 v10, v60  }
0xfc: {  	[tilespmem:s30+$0x18170] =	vst v63  }
0xfd: {  	s0 =	sadd.s32 s5, s28;
	[tilespmem:s30+$0x18160] =	vst v3  }
0xfe: {  	[hbm4b:s0+s3] =	stream.linear.scatter [tilespmem:s21], [sflag:$0x2], $0x4000, $0x38;
	[tilespmem:$0x1CB80] =	vst v63  }
0xff: {  	_ =	swait.ge [sflag:s14], $0x4000  }
0x100: {  	[sflag:s14] =	ssyncset.done $0x0  }
0x101: {  	[sflag:s14] =	ssyncadd.s32 $0xFFFFC000  }
0x102: {  	[spmem:s26] =	stream.linear.scatter [tilespmem:s13], [sflag:$0x2], $0x800, $0x38;
	[tilespmem:$0x1CB80] =	vst v63  }
0x103: {  	_ =	swait.ge [sflag:s14], $0x800  }
0x104: {  	[sflag:s14] =	ssyncset.done $0x0  }
0x105: {  	s29 =	sadd.s32 $0x800, s26;
	[sflag:s14] =	ssyncadd.s32 $0xFFFFF800  }
0x106: {  	[spmem:s29] =	stream.linear.scatter [tilespmem:s13], [sflag:$0x2], $0x800, $0x38;
	[tilespmem:$0x1CB80] =	vst v63  }
0x107: {  	_ =	swait.ge [sflag:s14], $0x800  }
0x108: {  	[sflag:s14] =	ssyncset.done $0x0  }
0x109: {  	s30 =	sadd.s32 $0x1000, s26;
	[sflag:s14] =	ssyncadd.s32 $0xFFFFF800  }
0x10a: {  	[spmem:s30] =	stream.linear.scatter [tilespmem:s13], [sflag:$0x2], $0x800, $0x38;
	[tilespmem:$0x1CB80] =	vst v63  }
0x10b: {  	_ =	swait.ge [sflag:s14], $0x800  }
0x10c: {  	[sflag:s14] =	ssyncset.done $0x0  }
0x10d: {  	s31 =	sadd.s32 $0x1800, s26;
	[sflag:s14] =	ssyncadd.s32 $0xFFFFF800  }
0x10e: {  	[spmem:s31] =	stream.linear.scatter [tilespmem:s13], [sflag:$0x2], $0x800, $0x38;
	[tilespmem:$0x1CB80] =	vst v63  }
0x10f: {  	_ =	swait.ge [sflag:s14], $0x800  }
0x110: {  	[sflag:s14] =	ssyncset.done $0x0  }
0x111: {  	s28 =	sadd.s32 $0x2000, s26;
	[sflag:s14] =	ssyncadd.s32 $0xFFFFF800  }
0x112: {  	[spmem:s28] =	stream.linear.scatter [tilespmem:s13], [sflag:$0x2], $0x800, $0x38;
	[tilespmem:$0x1CB80] =	vst v63  }
0x113: {  	_ =	swait.ge [sflag:s14], $0x800  }
0x114: {  	[sflag:s14] =	ssyncset.done $0x0  }
0x115: {  	s29 =	sadd.s32 $0x2800, s26;
	[sflag:s14] =	ssyncadd.s32 $0xFFFFF800  }
0x116: {  	[spmem:s29] =	stream.linear.scatter [tilespmem:s13], [sflag:$0x2], $0x800, $0x38;
	[tilespmem:$0x1CB80] =	vst v63  }
0x117: {  	_ =	swait.ge [sflag:s14], $0x800  }
0x118: {  	[sflag:s14] =	ssyncset.done $0x0  }
0x119: {  	s30 =	sadd.s32 $0x3000, s26;
	[sflag:s14] =	ssyncadd.s32 $0xFFFFF800  }
0x11a: {  	[spmem:s30] =	stream.linear.scatter [tilespmem:s13], [sflag:$0x2], $0x800, $0x38;
	[tilespmem:$0x1CB80] =	vst v63  }
0x11b: {  	s25 =	sadd.s32 $0x1, s25;
	_ =	swait.ge [sflag:s14], $0x800  }
0x11c: {  	p0 =	sne.s32 s25, $0x5;
	[sflag:s14] =	ssyncset.done $0x0  }
.Ltmp9:
0x11d: {  	s31 =	sadd.s32 $0x3800, s26;
	[sflag:s14] =	ssyncadd.s32 $0xFFFFF800;
	(pc) =	sbr.rel @p0 .LBB2_18-.Ltmp9, $4  }
0x11e: {  	[spmem:s31] =	stream.linear.scatter [tilespmem:s13], [sflag:$0x2], $0x800, $0x38;
	[tilespmem:$0x1CB80] =	vst v63  }
0x11f: {  	_ =	swait.ge [sflag:s14], $0x800  }
0x120: {  	[sflag:s14] =	ssyncset.done $0x0  }
0x121: {  	s24 =	sadd.s32 $0x80, s24;
	[sflag:s14] =	ssyncadd.s32 $0xFFFFF800  }
0x122: {  	[bflag:$0x0] =	sbarrier.arrive $0xFFFF  }
0x123: {  	[tilespmem:s19], [sflag:$0x2] =	stream.linear.gather [hbm4b:s12+s3], $0x80, $0x38;
	[tilespmem:$0x1CB80] =	vst v63  }
0x124: {  	_ =	swait.ge [sflag:s14], $0x80  }
0x125: {  	[sflag:s14] =	ssyncset.done $0x0  }
0x126: {  	s0 =	sadd.s32 $0x0, s11;
	[sflag:s14] =	ssyncadd.s32 $0xFFFFFF80  }
0x127: {  	[tilespmem:s15], [sflag:$0x2] =	stream.linear.gather [hbm4b:s0+s3], $0x80, $0x38;
	[tilespmem:$0x1CB80] =	vst v63  }
0x128: {  	_ =	swait.ge [sflag:s14], $0x80  }
0x129: {  	[sflag:s14] =	ssyncset.done $0x0  }
0x12a: {  	[sflag:s14] =	ssyncadd.s32 $0xFFFFFF80  }
0x12b: {  	[tilespmem:s17], [sflag:$0x1] =	stream.indirect.gather [hbm4b:s5+s16], $0x80, s19, s16, $0xb8;
	[tilespmem:$0x1CB80] =	vst v63  }
0x12c: {  	_ =	swait.ge [sflag:s20], $0x4000  }
0x12d: {  	[sflag:s20] =	ssyncset.done $0x0  }
0x12e: {  	[sflag:s20] =	ssyncadd.s32 $0xFFFFC000  }
0x12f: {  	[spmem:s2] =	stream.indirect.scatter.add.f32 [tilespmem:s17], [sflag:$0x2], $0x80, s15, s16, $0xb8;
	[tilespmem:$0x1CB80] =	vst v63  }
0x130: {  	_ =	swait.ge [sflag:s14], $0x4000  }
0x131: {  	s23 =	smov.u32 s12;
	s0 =	simm.s32 $0x10;
	[sflag:s14] =	ssyncset.done $0x0  }
.LBB2_22:
0x132: {  	p0 =	sne.s32 s0, $0x9C0;
	[sflag:s14] =	ssyncadd.s32 $0xFFFFC000;
	s23 =	sadd.s32 $0x20, s23  }
0x133: {  	[tilespmem:s19], [sflag:$0x2] =	stream.linear.gather [hbm4b:s23+s3], $0x80, $0x38;
	[tilespmem:$0x1CB80] =	vst v63  }
0x134: {  	s24 =	smov.u32 s0;
	s0 =	sadd.s32 $0x10, s0;
	_ =	swait.ge [sflag:s14], $0x80  }
0x135: {  	[sflag:s14] =	ssyncset.done $0x0  }
0x136: {  	s24 =	sadd.s32 s24, s11;
	[sflag:s14] =	ssyncadd.s32 $0xFFFFFF80  }
0x137: {  	[tilespmem:s15], [sflag:$0x2] =	stream.linear.gather [hbm4b:s24+s3], $0x80, $0x38;
	[tilespmem:$0x1CB80] =	vst v63  }
0x138: {  	_ =	swait.ge [sflag:s14], $0x80  }
0x139: {  	[sflag:s14] =	ssyncset.done $0x0  }
0x13a: {  	[sflag:s14] =	ssyncadd.s32 $0xFFFFFF80  }
0x13b: {  	[tilespmem:s17], [sflag:$0x1] =	stream.indirect.gather [hbm4b:s5+s16], $0x80, s19, s16, $0xb8;
	[tilespmem:$0x1CB80] =	vst v63  }
0x13c: {  	_ =	swait.ge [sflag:s20], $0x4000  }
.Ltmp10:
0x13d: {  	[sflag:s20] =	ssyncset.done $0x0;
	(pc) =	sbr.rel @p0 .LBB2_22-.Ltmp10, $4  }
0x13e: {  	[sflag:s20] =	ssyncadd.s32 $0xFFFFC000  }
0x13f: {  	[spmem:s2] =	stream.indirect.scatter.add.f32 [tilespmem:s17], [sflag:$0x2], $0x80, s15, s16, $0xb8;
	[tilespmem:$0x1CB80] =	vst v63  }
0x140: {  	_ =	swait.ge [sflag:s14], $0x4000  }
0x141: {  	[sflag:s14] =	ssyncset.done $0x0  }
0x142: {  	[sflag:s14] =	ssyncadd.s32 $0xFFFFC000;
	s23 =	simm.s32 $0x0  }
0x143: {  	s24 =	simm.s32 $0x0;
	s25 =	simm.s32 $0x0;
	[bflag:$0x0] =	sbarrier.arrive $0xFFFF  }
.LBB2_24:
0x144: {  	s0 =	sshll.u32 s25, $0x7  }
0x145: {  	s0 =	sadd.s32 s8, s0  }
0x146: {  	s26 =	sshll.u32 s0, $0x7  }
0x147: {  	s26 =	sand.u32 $0x3FFFFF80, s26  }
0x148: {  	s26 =	sadd.s32 s26, s2  }
0x149: {  	[tilespmem:s17], [sflag:$0x2] =	stream.linear.gather [spmem:s26], $0x4000, $0x38;
	[tilespmem:$0x1CB80] =	vst v63  }
0x14a: {  	s0 =	sadd.s32 s9, s0;
	_ =	swait.ge [sflag:s14], $0x4000  }
0x14b: {  	s28 =	sshll.u32 s0, $0x4;
	[sflag:s14] =	ssyncset.done $0x0  }
0x14c: {  	s0 =	sadd.s32 s5, s28;
	[sflag:s14] =	ssyncadd.s32 $0xFFFFC000  }
0x14d: {  	[tilespmem:s21], [sflag:$0x2] =	stream.linear.gather [hbm4b:s0+s23], $0x4000, $0x38;
	[tilespmem:$0x1CB80] =	vst v63  }
0x14e: {  	_ =	swait.ge [sflag:s14], $0x4000  }
0x14f: {  	[sflag:s14] =	ssyncset.done $0x0  }
0x150: {  	s29 =	simm.s32 $0x0;
	[sflag:s14] =	ssyncadd.s32 $0xFFFFC000  }
0x151: {  	v3 =	vld [tilespmem:s29+$0x14100]  }
0x152: {  	v4 =	vld [tilespmem:s29+$0x14110]  }
0x153: {  	v6 =	vmov s24;
	v5 =	vld [tilespmem:s29+$0x14120]  }
0x154: {  	v7 =	vld [tilespmem:s29+$0x14130]  }
0x155: {  	v8 =	vld [tilespmem:s29+$0x14140]  }
0x156: {  	v9 =	vld [tilespmem:s29+$0x14150]  }
0x157: {  	v10 =	vld [tilespmem:s29+$0x14160]  }
0x158: {  	v14 =	vld.idx.msk [tilespmem:v6+s18+$0x0], $0xffff  }
0x159: {  	v6 =	vld [tilespmem:s29+$0x18100]  }
0x15a: {  	v11 =	vld [tilespmem:s29+$0x18110]  }
0x15b: {  	v12 =	vld [tilespmem:s29+$0x18120]  }
0x15c: {  	v15 =	vld [tilespmem:s29+$0x18130]  }
0x15d: {  	v16 =	vld [tilespmem:s29+$0x18140]  }
0x15e: {  	v17 =	vld [tilespmem:s29+$0x18150];
	v6 =	vmul.f32 $5.000000000e-01, v6;
	v3 =	vmul.f32 v3, v14  }
0x15f: {  	v13 =	vld [tilespmem:s29+$0x14170];
	v11 =	vmul.f32 $5.000000000e-01, v11;
	v4 =	vmul.f32 v4, v14  }
0x160: {  	v18 =	vld [tilespmem:s29+$0x18160];
	v12 =	vmul.f32 $5.000000000e-01, v12;
	v6 =	vadd.f32 v3, v6  }
0x161: {  	s30 =	simm.s32 $0x80;
	v19 =	vld [tilespmem:s29+$0x18170];
	v5 =	vmul.f32 v5, v14;
	v8 =	vmul.f32 v8, v14;
	v11 =	vadd.f32 v4, v11  }
0x162: {  	v3 =	vld [tilespmem:s30+$0x14100];
	[tilespmem:s29+$0x18100] =	vst v6;
	v6 =	vmul.f32 $5.000000000e-01, v15;
	v15 =	vmul.f32 v7, v14  }
0x163: {  	v62 =	vmul.f32 $5.000000000e-01, v17;
	v12 =	vadd.f32 v5, v12;
	v4 =	vld [tilespmem:s30+$0x14110];
	[tilespmem:s29+$0x18110] =	vst v11;
	v11 =	vmul.f32 $5.000000000e-01, v16  }
0x164: {  	v63 =	vmul.f32 v9, v14;
	v10 =	vmul.f32 v10, v14;
	v15 =	vadd.f32 v15, v6  }
0x165: {  	s31 =	sadd.s32 $0x1, s24;
	v13 =	vmul.f32 v13, v14;
	v5 =	vld [tilespmem:s30+$0x14120];
	[tilespmem:s29+$0x18120] =	vst v12;
	v9 =	vadd.f32 v8, v11;
	v8 =	vmul.f32 $5.000000000e-01, v18  }
0x166: {  	s0 =	simm.s32 $0x400;
	v7 =	vmov s31;
	v12 =	vadd.f32 v63, v62;
	v6 =	vld [tilespmem:s30+$0x14130];
	v11 =	vmul.f32 $5.000000000e-01, v19;
	[tilespmem:s29+$0x18130] =	vst v15  }
.LBB2_25:
0x167: {  	p0 =	sne.s32 s0, $0xFE00;
	v14 =	vld [tilespmem:s30+$0x14140];
	[tilespmem:s29+$0x18140] =	vst v9;
	v8 =	vadd.f32 v10, v8  }
0x168: {  	v9 =	vld [tilespmem:s30+$0x14150];
	[tilespmem:s29+$0x18150] =	vst v12;
	v10 =	vadd.f32 v13, v11  }
0x169: {  	v11 =	vld [tilespmem:s30+$0x14160];
	[tilespmem:s29+$0x18160] =	vst v8  }
0x16a: {  	v13 =	vld [tilespmem:s30+$0x14170];
	[tilespmem:s29+$0x18170] =	vst v10;
	s29 =	smov.u32 s30  }
0x16b: {  	v15 =	vld.idx.msk [tilespmem:v7+s18+$0x0], $0xffff  }
0x16c: {  	v7 =	vld [tilespmem:s29+$0x18100]  }
0x16d: {  	v8 =	vld [tilespmem:s29+$0x18110]  }
0x16e: {  	v10 =	vld [tilespmem:s29+$0x18120]  }
0x16f: {  	v12 =	vld [tilespmem:s29+$0x18130]  }
0x170: {  	v16 =	vld [tilespmem:s29+$0x18140]  }
0x171: {  	s31 =	sadd.s32 $0x1, s31;
	v3 =	vmul.f32 v3, v15;
	v17 =	vmul.f32 $5.000000000e-01, v7;
	v18 =	vld [tilespmem:s29+$0x18150]  }
0x172: {  	v4 =	vmul.f32 v4, v15;
	v7 =	vmov s31;
	v8 =	vmul.f32 $5.000000000e-01, v8;
	v19 =	vld [tilespmem:s29+$0x18160]  }
0x173: {  	v5 =	vmul.f32 v5, v15;
	v17 =	vadd.f32 v3, v17;
	v10 =	vmul.f32 $5.000000000e-01, v10;
	v20 =	vld [tilespmem:s29+$0x18170]  }
.Ltmp11:
0x174: {  	s30 =	sshra.s32 s0, $0x2;
	v6 =	vmul.f32 v6, v15;
	v8 =	vadd.f32 v4, v8;
	v12 =	vmul.f32 $5.000000000e-01, v12;
	(pc) =	sbr.rel @p0 .LBB2_25-.Ltmp11, $4  }
0x175: {  	v14 =	vmul.f32 v14, v15;
	v3 =	vld [tilespmem:s30+$0x14100];
	[tilespmem:s29+$0x18100] =	vst v17;
	v10 =	vadd.f32 v5, v10;
	v16 =	vmul.f32 $5.000000000e-01, v16  }
0x176: {  	v4 =	vld [tilespmem:s30+$0x14110];
	[tilespmem:s29+$0x18110] =	vst v8;
	v12 =	vadd.f32 v6, v12;
	v17 =	vmul.f32 $5.000000000e-01, v18;
	v18 =	vmul.f32 v9, v15  }
0x177: {  	v5 =	vld [tilespmem:s30+$0x14120];
	[tilespmem:s29+$0x18120] =	vst v10;
	v9 =	vadd.f32 v14, v16;
	v8 =	vmul.f32 $5.000000000e-01, v19;
	v10 =	vmul.f32 v11, v15  }
0x178: {  	s0 =	sadd.s32 $0x200, s0;
	v13 =	vmul.f32 v13, v15;
	v6 =	vld [tilespmem:s30+$0x14130];
	[tilespmem:s29+$0x18130] =	vst v12;
	v12 =	vadd.f32 v18, v17;
	v11 =	vmul.f32 $5.000000000e-01, v20  }
0x179: {  	v14 =	vld [tilespmem:s30+$0x14140];
	[tilespmem:s29+$0x18140] =	vst v9;
	v8 =	vadd.f32 v10, v8  }
0x17a: {  	v9 =	vld [tilespmem:s30+$0x14150];
	[tilespmem:s29+$0x18150] =	vst v12;
	v11 =	vadd.f32 v13, v11  }
0x17b: {  	v51 =	vld [tilespmem:s30+$0x14160];
	[tilespmem:s29+$0x18160] =	vst v8  }
0x17c: {  	v8 =	vld [tilespmem:s30+$0x14170];
	[tilespmem:s29+$0x18170] =	vst v11  }
0x17d: {  	v7 =	vld.idx.msk [tilespmem:v7+s18+$0x0], $0xffff  }
0x17e: {  	v11 =	vld [tilespmem:s30+$0x18100]  }
0x17f: {  	v12 =	vld [tilespmem:s30+$0x18110]  }
0x180: {  	v52 =	vld [tilespmem:s30+$0x18120]  }
0x181: {  	v15 =	vld [tilespmem:s30+$0x18130]  }
0x182: {  	v16 =	vld [tilespmem:s30+$0x18140]  }
0x183: {  	v17 =	vld [tilespmem:s30+$0x18150];
	v11 =	vmul.f32 $5.000000000e-01, v11  }
0x184: {  	v3 =	vmul.f32 v3, v7;
	v12 =	vmul.f32 $5.000000000e-01, v12  }
0x185: {  	v54 =	vld [tilespmem:s30+$0x18170];
	v4 =	vmul.f32 v4, v7;
	v53 =	vmul.f32 $5.000000000e-01, v52  }
0x186: {  	v18 =	vld [tilespmem:s30+$0x18160];
	v55 =	vmul.f32 $5.000000000e-01, v15;
	v6 =	vmul.f32 v6, v7;
	v3 =	vadd.f32 v3, v11  }
0x187: {  	v5 =	vmul.f32 v5, v7;
	v56 =	vmul.f32 $5.000000000e-01, v16;
	v4 =	vadd.f32 v4, v12  }
0x188: {  	v59 =	vmul.f32 $5.000000000e-01, v17;
	v9 =	vmul.f32 v9, v7;
	v58 =	vadd.f32 v6, v55;
	[tilespmem:s30+$0x18100] =	vst v3  }
0x189: {  	v57 =	vmul.f32 v14, v7;
	v10 =	vmul.f32 v51, v7;
	v3 =	vadd.f32 v5, v53;
	[tilespmem:s30+$0x18110] =	vst v4  }
0x18a: {  	v62 =	vmul.f32 $5.000000000e-01, v54;
	v7 =	vmul.f32 v8, v7;
	v61 =	vadd.f32 v9, v59;
	[tilespmem:s30+$0x18130] =	vst v58  }
0x18b: {  	v60 =	vmul.f32 $5.000000000e-01, v18;
	[tilespmem:s30+$0x18120] =	vst v3;
	v3 =	vadd.f32 v57, v56  }
0x18c: {  	v63 =	vadd.f32 v7, v62;
	[tilespmem:s30+$0x18150] =	vst v61  }
0x18d: {  	[tilespmem:s30+$0x18140] =	vst v3;
	v3 =	vadd.f32 v10, v60  }
0x18e: {  	[tilespmem:s30+$0x18170] =	vst v63  }
0x18f: {  	s0 =	sadd.s32 s6, s28;
	[tilespmem:s30+$0x18160] =	vst v3  }
0x190: {  	[hbm4b:s0+s3] =	stream.linear.scatter [tilespmem:s21], [sflag:$0x2], $0x4000, $0x38;
	[tilespmem:$0x1CB80] =	vst v63  }
0x191: {  	_ =	swait.ge [sflag:s14], $0x4000  }
0x192: {  	[sflag:s14] =	ssyncset.done $0x0  }
0x193: {  	[sflag:s14] =	ssyncadd.s32 $0xFFFFC000  }
0x194: {  	[spmem:s26] =	stream.linear.scatter [tilespmem:s13], [sflag:$0x2], $0x800, $0x38;
	[tilespmem:$0x1CB80] =	vst v63  }
0x195: {  	_ =	swait.ge [sflag:s14], $0x800  }
0x196: {  	[sflag:s14] =	ssyncset.done $0x0  }
0x197: {  	s29 =	sadd.s32 $0x800, s26;
	[sflag:s14] =	ssyncadd.s32 $0xFFFFF800  }
0x198: {  	[spmem:s29] =	stream.linear.scatter [tilespmem:s13], [sflag:$0x2], $0x800, $0x38;
	[tilespmem:$0x1CB80] =	vst v63  }
0x199: {  	_ =	swait.ge [sflag:s14], $0x800  }
0x19a: {  	[sflag:s14] =	ssyncset.done $0x0  }
0x19b: {  	s30 =	sadd.s32 $0x1000, s26;
	[sflag:s14] =	ssyncadd.s32 $0xFFFFF800  }
0x19c: {  	[spmem:s30] =	stream.linear.scatter [tilespmem:s13], [sflag:$0x2], $0x800, $0x38;
	[tilespmem:$0x1CB80] =	vst v63  }
0x19d: {  	_ =	swait.ge [sflag:s14], $0x800  }
0x19e: {  	[sflag:s14] =	ssyncset.done $0x0  }
0x19f: {  	s31 =	sadd.s32 $0x1800, s26;
	[sflag:s14] =	ssyncadd.s32 $0xFFFFF800  }
0x1a0: {  	[spmem:s31] =	stream.linear.scatter [tilespmem:s13], [sflag:$0x2], $0x800, $0x38;
	[tilespmem:$0x1CB80] =	vst v63  }
0x1a1: {  	_ =	swait.ge [sflag:s14], $0x800  }
0x1a2: {  	[sflag:s14] =	ssyncset.done $0x0  }
0x1a3: {  	s28 =	sadd.s32 $0x2000, s26;
	[sflag:s14] =	ssyncadd.s32 $0xFFFFF800  }
0x1a4: {  	[spmem:s28] =	stream.linear.scatter [tilespmem:s13], [sflag:$0x2], $0x800, $0x38;
	[tilespmem:$0x1CB80] =	vst v63  }
0x1a5: {  	_ =	swait.ge [sflag:s14], $0x800  }
0x1a6: {  	[sflag:s14] =	ssyncset.done $0x0  }
0x1a7: {  	s29 =	sadd.s32 $0x2800, s26;
	[sflag:s14] =	ssyncadd.s32 $0xFFFFF800  }
0x1a8: {  	[spmem:s29] =	stream.linear.scatter [tilespmem:s13], [sflag:$0x2], $0x800, $0x38;
	[tilespmem:$0x1CB80] =	vst v63  }
0x1a9: {  	_ =	swait.ge [sflag:s14], $0x800  }
0x1aa: {  	[sflag:s14] =	ssyncset.done $0x0  }
0x1ab: {  	s30 =	sadd.s32 $0x3000, s26;
	[sflag:s14] =	ssyncadd.s32 $0xFFFFF800  }
0x1ac: {  	[spmem:s30] =	stream.linear.scatter [tilespmem:s13], [sflag:$0x2], $0x800, $0x38;
	[tilespmem:$0x1CB80] =	vst v63  }
0x1ad: {  	s25 =	sadd.s32 $0x1, s25;
	_ =	swait.ge [sflag:s14], $0x800  }
0x1ae: {  	p0 =	sne.s32 s25, $0x5;
	[sflag:s14] =	ssyncset.done $0x0  }
.Ltmp12:
0x1af: {  	s31 =	sadd.s32 $0x3800, s26;
	[sflag:s14] =	ssyncadd.s32 $0xFFFFF800;
	(pc) =	sbr.rel @p0 .LBB2_24-.Ltmp12, $4  }
0x1b0: {  	[spmem:s31] =	stream.linear.scatter [tilespmem:s13], [sflag:$0x2], $0x800, $0x38;
	[tilespmem:$0x1CB80] =	vst v63  }
0x1b1: {  	_ =	swait.ge [sflag:s14], $0x800  }
0x1b2: {  	[sflag:s14] =	ssyncset.done $0x0  }
0x1b3: {  	s24 =	sadd.s32 $0x80, s24;
	[sflag:s14] =	ssyncadd.s32 $0xFFFFF800  }
0x1b4: {  	[bflag:$0x0] =	sbarrier.arrive $0xFFFF  }
0x1b5: {  	[tilespmem:s19], [sflag:$0x2] =	stream.linear.gather [hbm4b:s12+s3], $0x80, $0x38;
	[tilespmem:$0x1CB80] =	vst v63  }
0x1b6: {  	_ =	swait.ge [sflag:s14], $0x80  }
0x1b7: {  	[sflag:s14] =	ssyncset.done $0x0  }
0x1b8: {  	s0 =	sadd.s32 $0x0, s11;
	[sflag:s14] =	ssyncadd.s32 $0xFFFFFF80  }
0x1b9: {  	[tilespmem:s15], [sflag:$0x2] =	stream.linear.gather [hbm4b:s0+s3], $0x80, $0x38;
	[tilespmem:$0x1CB80] =	vst v63  }
0x1ba: {  	_ =	swait.ge [sflag:s14], $0x80  }
0x1bb: {  	[sflag:s14] =	ssyncset.done $0x0  }
0x1bc: {  	[sflag:s14] =	ssyncadd.s32 $0xFFFFFF80  }
0x1bd: {  	[tilespmem:s17], [sflag:$0x1] =	stream.indirect.gather [hbm4b:s6+s16], $0x80, s19, s16, $0xb8;
	[tilespmem:$0x1CB80] =	vst v63  }
0x1be: {  	_ =	swait.ge [sflag:s20], $0x4000  }
0x1bf: {  	[sflag:s20] =	ssyncset.done $0x0  }
0x1c0: {  	[sflag:s20] =	ssyncadd.s32 $0xFFFFC000  }
0x1c1: {  	[spmem:s2] =	stream.indirect.scatter.add.f32 [tilespmem:s17], [sflag:$0x2], $0x80, s15, s16, $0xb8;
	[tilespmem:$0x1CB80] =	vst v63  }
0x1c2: {  	_ =	swait.ge [sflag:s14], $0x4000  }
0x1c3: {  	s23 =	smov.u32 s12;
	s0 =	simm.s32 $0x10;
	[sflag:s14] =	ssyncset.done $0x0  }
.LBB2_28:
0x1c4: {  	p0 =	sne.s32 s0, $0x9C0;
	[sflag:s14] =	ssyncadd.s32 $0xFFFFC000;
	s23 =	sadd.s32 $0x20, s23  }
0x1c5: {  	[tilespmem:s19], [sflag:$0x2] =	stream.linear.gather [hbm4b:s23+s3], $0x80, $0x38;
	[tilespmem:$0x1CB80] =	vst v63  }
0x1c6: {  	s24 =	smov.u32 s0;
	s0 =	sadd.s32 $0x10, s0;
	_ =	swait.ge [sflag:s14], $0x80  }
0x1c7: {  	[sflag:s14] =	ssyncset.done $0x0  }
0x1c8: {  	s24 =	sadd.s32 s24, s11;
	[sflag:s14] =	ssyncadd.s32 $0xFFFFFF80  }
0x1c9: {  	[tilespmem:s15], [sflag:$0x2] =	stream.linear.gather [hbm4b:s24+s3], $0x80, $0x38;
	[tilespmem:$0x1CB80] =	vst v63  }
0x1ca: {  	_ =	swait.ge [sflag:s14], $0x80  }
0x1cb: {  	[sflag:s14] =	ssyncset.done $0x0  }
0x1cc: {  	[sflag:s14] =	ssyncadd.s32 $0xFFFFFF80  }
0x1cd: {  	[tilespmem:s17], [sflag:$0x1] =	stream.indirect.gather [hbm4b:s6+s16], $0x80, s19, s16, $0xb8;
	[tilespmem:$0x1CB80] =	vst v63  }
0x1ce: {  	_ =	swait.ge [sflag:s20], $0x4000  }
.Ltmp13:
0x1cf: {  	[sflag:s20] =	ssyncset.done $0x0;
	(pc) =	sbr.rel @p0 .LBB2_28-.Ltmp13, $4  }
0x1d0: {  	[sflag:s20] =	ssyncadd.s32 $0xFFFFC000  }
0x1d1: {  	[spmem:s2] =	stream.indirect.scatter.add.f32 [tilespmem:s17], [sflag:$0x2], $0x80, s15, s16, $0xb8;
	[tilespmem:$0x1CB80] =	vst v63  }
0x1d2: {  	_ =	swait.ge [sflag:s14], $0x4000  }
0x1d3: {  	[sflag:s14] =	ssyncset.done $0x0  }
0x1d4: {  	[sflag:s14] =	ssyncadd.s32 $0xFFFFC000;
	s23 =	simm.s32 $0x0  }
0x1d5: {  	s24 =	simm.s32 $0x0;
	s25 =	simm.s32 $0x0;
	[bflag:$0x0] =	sbarrier.arrive $0xFFFF  }
.LBB2_30:
0x1d6: {  	s0 =	sshll.u32 s25, $0x7  }
0x1d7: {  	s0 =	sadd.s32 s8, s0  }
0x1d8: {  	s26 =	sshll.u32 s0, $0x7  }
0x1d9: {  	s26 =	sand.u32 $0x3FFFFF80, s26  }
0x1da: {  	s26 =	sadd.s32 s26, s2  }
0x1db: {  	[tilespmem:s17], [sflag:$0x2] =	stream.linear.gather [spmem:s26], $0x4000, $0x38;
	[tilespmem:$0x1CB80] =	vst v63  }
0x1dc: {  	s0 =	sadd.s32 s9, s0;
	_ =	swait.ge [sflag:s14], $0x4000  }
0x1dd: {  	s28 =	sshll.u32 s0, $0x4;
	[sflag:s14] =	ssyncset.done $0x0  }
0x1de: {  	s0 =	sadd.s32 s6, s28;
	[sflag:s14] =	ssyncadd.s32 $0xFFFFC000  }
0x1df: {  	[tilespmem:s21], [sflag:$0x2] =	stream.linear.gather [hbm4b:s0+s23], $0x4000, $0x38;
	[tilespmem:$0x1CB80] =	vst v63  }
0x1e0: {  	_ =	swait.ge [sflag:s14], $0x4000  }
0x1e1: {  	[sflag:s14] =	ssyncset.done $0x0  }
0x1e2: {  	s29 =	simm.s32 $0x0;
	[sflag:s14] =	ssyncadd.s32 $0xFFFFC000  }
0x1e3: {  	v3 =	vld [tilespmem:s29+$0x14100]  }
0x1e4: {  	v4 =	vld [tilespmem:s29+$0x14110]  }
0x1e5: {  	v6 =	vmov s24;
	v5 =	vld [tilespmem:s29+$0x14120]  }
0x1e6: {  	v7 =	vld [tilespmem:s29+$0x14130]  }
0x1e7: {  	v8 =	vld [tilespmem:s29+$0x14140]  }
0x1e8: {  	v9 =	vld [tilespmem:s29+$0x14150]  }
0x1e9: {  	v10 =	vld [tilespmem:s29+$0x14160]  }
0x1ea: {  	v14 =	vld.idx.msk [tilespmem:v6+s18+$0x0], $0xffff  }
0x1eb: {  	v6 =	vld [tilespmem:s29+$0x18100]  }
0x1ec: {  	v11 =	vld [tilespmem:s29+$0x18110]  }
0x1ed: {  	v12 =	vld [tilespmem:s29+$0x18120]  }
0x1ee: {  	v15 =	vld [tilespmem:s29+$0x18130]  }
0x1ef: {  	v16 =	vld [tilespmem:s29+$0x18140]  }
0x1f0: {  	v17 =	vld [tilespmem:s29+$0x18150];
	v6 =	vmul.f32 $5.000000000e-01, v6;
	v3 =	vmul.f32 v3, v14  }
0x1f1: {  	v13 =	vld [tilespmem:s29+$0x14170];
	v11 =	vmul.f32 $5.000000000e-01, v11;
	v4 =	vmul.f32 v4, v14  }
0x1f2: {  	v18 =	vld [tilespmem:s29+$0x18160];
	v12 =	vmul.f32 $5.000000000e-01, v12;
	v6 =	vadd.f32 v3, v6  }
0x1f3: {  	s30 =	simm.s32 $0x80;
	v19 =	vld [tilespmem:s29+$0x18170];
	v5 =	vmul.f32 v5, v14;
	v8 =	vmul.f32 v8, v14;
	v11 =	vadd.f32 v4, v11  }
0x1f4: {  	v3 =	vld [tilespmem:s30+$0x14100];
	[tilespmem:s29+$0x18100] =	vst v6;
	v6 =	vmul.f32 $5.000000000e-01, v15;
	v15 =	vmul.f32 v7, v14  }
0x1f5: {  	v62 =	vmul.f32 $5.000000000e-01, v17;
	v12 =	vadd.f32 v5, v12;
	v4 =	vld [tilespmem:s30+$0x14110];
	[tilespmem:s29+$0x18110] =	vst v11;
	v11 =	vmul.f32 $5.000000000e-01, v16  }
0x1f6: {  	v63 =	vmul.f32 v9, v14;
	v10 =	vmul.f32 v10, v14;
	v15 =	vadd.f32 v15, v6  }
0x1f7: {  	s31 =	sadd.s32 $0x1, s24;
	v13 =	vmul.f32 v13, v14;
	v5 =	vld [tilespmem:s30+$0x14120];
	[tilespmem:s29+$0x18120] =	vst v12;
	v9 =	vadd.f32 v8, v11;
	v8 =	vmul.f32 $5.000000000e-01, v18  }
0x1f8: {  	s0 =	simm.s32 $0x400;
	v7 =	vmov s31;
	v12 =	vadd.f32 v63, v62;
	v6 =	vld [tilespmem:s30+$0x14130];
	v11 =	vmul.f32 $5.000000000e-01, v19;
	[tilespmem:s29+$0x18130] =	vst v15  }
.LBB2_31:
0x1f9: {  	p0 =	sne.s32 s0, $0xFE00;
	v14 =	vld [tilespmem:s30+$0x14140];
	[tilespmem:s29+$0x18140] =	vst v9;
	v8 =	vadd.f32 v10, v8  }
0x1fa: {  	v9 =	vld [tilespmem:s30+$0x14150];
	[tilespmem:s29+$0x18150] =	vst v12;
	v10 =	vadd.f32 v13, v11  }
0x1fb: {  	v11 =	vld [tilespmem:s30+$0x14160];
	[tilespmem:s29+$0x18160] =	vst v8  }
0x1fc: {  	v13 =	vld [tilespmem:s30+$0x14170];
	[tilespmem:s29+$0x18170] =	vst v10;
	s29 =	smov.u32 s30  }
0x1fd: {  	v15 =	vld.idx.msk [tilespmem:v7+s18+$0x0], $0xffff  }
0x1fe: {  	v7 =	vld [tilespmem:s29+$0x18100]  }
0x1ff: {  	v8 =	vld [tilespmem:s29+$0x18110]  }
0x200: {  	v10 =	vld [tilespmem:s29+$0x18120]  }
0x201: {  	v12 =	vld [tilespmem:s29+$0x18130]  }
0x202: {  	v16 =	vld [tilespmem:s29+$0x18140]  }
0x203: {  	s31 =	sadd.s32 $0x1, s31;
	v3 =	vmul.f32 v3, v15;
	v17 =	vmul.f32 $5.000000000e-01, v7;
	v18 =	vld [tilespmem:s29+$0x18150]  }
0x204: {  	v4 =	vmul.f32 v4, v15;
	v7 =	vmov s31;
	v8 =	vmul.f32 $5.000000000e-01, v8;
	v19 =	vld [tilespmem:s29+$0x18160]  }
0x205: {  	v5 =	vmul.f32 v5, v15;
	v17 =	vadd.f32 v3, v17;
	v10 =	vmul.f32 $5.000000000e-01, v10;
	v20 =	vld [tilespmem:s29+$0x18170]  }
.Ltmp14:
0x206: {  	s30 =	sshra.s32 s0, $0x2;
	v6 =	vmul.f32 v6, v15;
	v8 =	vadd.f32 v4, v8;
	v12 =	vmul.f32 $5.000000000e-01, v12;
	(pc) =	sbr.rel @p0 .LBB2_31-.Ltmp14, $4  }
0x207: {  	v14 =	vmul.f32 v14, v15;
	v3 =	vld [tilespmem:s30+$0x14100];
	[tilespmem:s29+$0x18100] =	vst v17;
	v10 =	vadd.f32 v5, v10;
	v16 =	vmul.f32 $5.000000000e-01, v16  }
0x208: {  	v4 =	vld [tilespmem:s30+$0x14110];
	[tilespmem:s29+$0x18110] =	vst v8;
	v12 =	vadd.f32 v6, v12;
	v17 =	vmul.f32 $5.000000000e-01, v18;
	v18 =	vmul.f32 v9, v15  }
0x209: {  	v5 =	vld [tilespmem:s30+$0x14120];
	[tilespmem:s29+$0x18120] =	vst v10;
	v9 =	vadd.f32 v14, v16;
	v8 =	vmul.f32 $5.000000000e-01, v19;
	v10 =	vmul.f32 v11, v15  }
0x20a: {  	s0 =	sadd.s32 $0x200, s0;
	v13 =	vmul.f32 v13, v15;
	v6 =	vld [tilespmem:s30+$0x14130];
	[tilespmem:s29+$0x18130] =	vst v12;
	v12 =	vadd.f32 v18, v17;
	v11 =	vmul.f32 $5.000000000e-01, v20  }
0x20b: {  	v14 =	vld [tilespmem:s30+$0x14140];
	[tilespmem:s29+$0x18140] =	vst v9;
	v8 =	vadd.f32 v10, v8  }
0x20c: {  	v9 =	vld [tilespmem:s30+$0x14150];
	[tilespmem:s29+$0x18150] =	vst v12;
	v11 =	vadd.f32 v13, v11  }
0x20d: {  	v51 =	vld [tilespmem:s30+$0x14160];
	[tilespmem:s29+$0x18160] =	vst v8  }
0x20e: {  	v8 =	vld [tilespmem:s30+$0x14170];
	[tilespmem:s29+$0x18170] =	vst v11  }
0x20f: {  	v7 =	vld.idx.msk [tilespmem:v7+s18+$0x0], $0xffff  }
0x210: {  	v11 =	vld [tilespmem:s30+$0x18100]  }
0x211: {  	v12 =	vld [tilespmem:s30+$0x18110]  }
0x212: {  	v52 =	vld [tilespmem:s30+$0x18120]  }
0x213: {  	v15 =	vld [tilespmem:s30+$0x18130]  }
0x214: {  	v16 =	vld [tilespmem:s30+$0x18140]  }
0x215: {  	v17 =	vld [tilespmem:s30+$0x18150];
	v11 =	vmul.f32 $5.000000000e-01, v11  }
0x216: {  	v3 =	vmul.f32 v3, v7;
	v12 =	vmul.f32 $5.000000000e-01, v12  }
0x217: {  	v54 =	vld [tilespmem:s30+$0x18170];
	v4 =	vmul.f32 v4, v7;
	v53 =	vmul.f32 $5.000000000e-01, v52  }
0x218: {  	v18 =	vld [tilespmem:s30+$0x18160];
	v55 =	vmul.f32 $5.000000000e-01, v15;
	v6 =	vmul.f32 v6, v7;
	v3 =	vadd.f32 v3, v11  }
0x219: {  	v5 =	vmul.f32 v5, v7;
	v56 =	vmul.f32 $5.000000000e-01, v16;
	v4 =	vadd.f32 v4, v12  }
0x21a: {  	v59 =	vmul.f32 $5.000000000e-01, v17;
	v9 =	vmul.f32 v9, v7;
	v58 =	vadd.f32 v6, v55;
	[tilespmem:s30+$0x18100] =	vst v3  }
0x21b: {  	v57 =	vmul.f32 v14, v7;
	v10 =	vmul.f32 v51, v7;
	v3 =	vadd.f32 v5, v53;
	[tilespmem:s30+$0x18110] =	vst v4  }
0x21c: {  	v62 =	vmul.f32 $5.000000000e-01, v54;
	v7 =	vmul.f32 v8, v7;
	v61 =	vadd.f32 v9, v59;
	[tilespmem:s30+$0x18130] =	vst v58  }
0x21d: {  	v60 =	vmul.f32 $5.000000000e-01, v18;
	[tilespmem:s30+$0x18120] =	vst v3;
	v3 =	vadd.f32 v57, v56  }
0x21e: {  	v63 =	vadd.f32 v7, v62;
	[tilespmem:s30+$0x18150] =	vst v61  }
0x21f: {  	[tilespmem:s30+$0x18140] =	vst v3;
	v3 =	vadd.f32 v10, v60  }
0x220: {  	[tilespmem:s30+$0x18170] =	vst v63  }
0x221: {  	s0 =	sadd.s32 s5, s28;
	[tilespmem:s30+$0x18160] =	vst v3  }
0x222: {  	[hbm4b:s0+s3] =	stream.linear.scatter [tilespmem:s21], [sflag:$0x2], $0x4000, $0x38;
	[tilespmem:$0x1CB80] =	vst v63  }
0x223: {  	_ =	swait.ge [sflag:s14], $0x4000  }
0x224: {  	[sflag:s14] =	ssyncset.done $0x0  }
0x225: {  	[sflag:s14] =	ssyncadd.s32 $0xFFFFC000  }
0x226: {  	[spmem:s26] =	stream.linear.scatter [tilespmem:s13], [sflag:$0x2], $0x800, $0x38;
	[tilespmem:$0x1CB80] =	vst v63  }
0x227: {  	_ =	swait.ge [sflag:s14], $0x800  }
0x228: {  	[sflag:s14] =	ssyncset.done $0x0  }
0x229: {  	s29 =	sadd.s32 $0x800, s26;
	[sflag:s14] =	ssyncadd.s32 $0xFFFFF800  }
0x22a: {  	[spmem:s29] =	stream.linear.scatter [tilespmem:s13], [sflag:$0x2], $0x800, $0x38;
	[tilespmem:$0x1CB80] =	vst v63  }
0x22b: {  	_ =	swait.ge [sflag:s14], $0x800  }
0x22c: {  	[sflag:s14] =	ssyncset.done $0x0  }
0x22d: {  	s30 =	sadd.s32 $0x1000, s26;
	[sflag:s14] =	ssyncadd.s32 $0xFFFFF800  }
0x22e: {  	[spmem:s30] =	stream.linear.scatter [tilespmem:s13], [sflag:$0x2], $0x800, $0x38;
	[tilespmem:$0x1CB80] =	vst v63  }
0x22f: {  	_ =	swait.ge [sflag:s14], $0x800  }
0x230: {  	[sflag:s14] =	ssyncset.done $0x0  }
0x231: {  	s31 =	sadd.s32 $0x1800, s26;
	[sflag:s14] =	ssyncadd.s32 $0xFFFFF800  }
0x232: {  	[spmem:s31] =	stream.linear.scatter [tilespmem:s13], [sflag:$0x2], $0x800, $0x38;
	[tilespmem:$0x1CB80] =	vst v63  }
0x233: {  	_ =	swait.ge [sflag:s14], $0x800  }
0x234: {  	[sflag:s14] =	ssyncset.done $0x0  }
0x235: {  	s28 =	sadd.s32 $0x2000, s26;
	[sflag:s14] =	ssyncadd.s32 $0xFFFFF800  }
0x236: {  	[spmem:s28] =	stream.linear.scatter [tilespmem:s13], [sflag:$0x2], $0x800, $0x38;
	[tilespmem:$0x1CB80] =	vst v63  }
0x237: {  	_ =	swait.ge [sflag:s14], $0x800  }
0x238: {  	[sflag:s14] =	ssyncset.done $0x0  }
0x239: {  	s29 =	sadd.s32 $0x2800, s26;
	[sflag:s14] =	ssyncadd.s32 $0xFFFFF800  }
0x23a: {  	[spmem:s29] =	stream.linear.scatter [tilespmem:s13], [sflag:$0x2], $0x800, $0x38;
	[tilespmem:$0x1CB80] =	vst v63  }
0x23b: {  	_ =	swait.ge [sflag:s14], $0x800  }
0x23c: {  	[sflag:s14] =	ssyncset.done $0x0  }
0x23d: {  	s30 =	sadd.s32 $0x3000, s26;
	[sflag:s14] =	ssyncadd.s32 $0xFFFFF800  }
0x23e: {  	[spmem:s30] =	stream.linear.scatter [tilespmem:s13], [sflag:$0x2], $0x800, $0x38;
	[tilespmem:$0x1CB80] =	vst v63  }
0x23f: {  	s25 =	sadd.s32 $0x1, s25;
	_ =	swait.ge [sflag:s14], $0x800  }
0x240: {  	p0 =	sne.s32 s25, $0x5;
	[sflag:s14] =	ssyncset.done $0x0  }
.Ltmp15:
0x241: {  	s31 =	sadd.s32 $0x3800, s26;
	[sflag:s14] =	ssyncadd.s32 $0xFFFFF800;
	(pc) =	sbr.rel @p0 .LBB2_30-.Ltmp15, $4  }
0x242: {  	[spmem:s31] =	stream.linear.scatter [tilespmem:s13], [sflag:$0x2], $0x800, $0x38;
	[tilespmem:$0x1CB80] =	vst v63  }
0x243: {  	_ =	swait.ge [sflag:s14], $0x800  }
0x244: {  	[sflag:s14] =	ssyncset.done $0x0  }
0x245: {  	s24 =	sadd.s32 $0x80, s24;
	[sflag:s14] =	ssyncadd.s32 $0xFFFFF800  }
0x246: {  	[bflag:$0x0] =	sbarrier.arrive $0xFFFF  }
0x247: {  	[tilespmem:s19], [sflag:$0x2] =	stream.linear.gather [hbm4b:s12+s3], $0x80, $0x38;
	[tilespmem:$0x1CB80] =	vst v63  }
0x248: {  	_ =	swait.ge [sflag:s14], $0x80  }
0x249: {  	[sflag:s14] =	ssyncset.done $0x0  }
0x24a: {  	s0 =	sadd.s32 $0x0, s11;
	[sflag:s14] =	ssyncadd.s32 $0xFFFFFF80  }
0x24b: {  	[tilespmem:s15], [sflag:$0x2] =	stream.linear.gather [hbm4b:s0+s3], $0x80, $0x38;
	[tilespmem:$0x1CB80] =	vst v63  }
0x24c: {  	_ =	swait.ge [sflag:s14], $0x80  }
0x24d: {  	[sflag:s14] =	ssyncset.done $0x0  }
0x24e: {  	[sflag:s14] =	ssyncadd.s32 $0xFFFFFF80  }
0x24f: {  	[tilespmem:s17], [sflag:$0x1] =	stream.indirect.gather [hbm4b:s5+s16], $0x80, s19, s16, $0xb8;
	[tilespmem:$0x1CB80] =	vst v63  }
0x250: {  	_ =	swait.ge [sflag:s20], $0x4000  }
0x251: {  	[sflag:s20] =	ssyncset.done $0x0  }
0x252: {  	[sflag:s20] =	ssyncadd.s32 $0xFFFFC000  }
0x253: {  	[spmem:s2] =	stream.indirect.scatter.add.f32 [tilespmem:s17], [sflag:$0x2], $0x80, s15, s16, $0xb8;
	[tilespmem:$0x1CB80] =	vst v63  }
0x254: {  	_ =	swait.ge [sflag:s14], $0x4000  }
0x255: {  	s23 =	smov.u32 s12;
	s0 =	simm.s32 $0x10;
	[sflag:s14] =	ssyncset.done $0x0  }
.LBB2_34:
0x256: {  	p0 =	sne.s32 s0, $0x9C0;
	[sflag:s14] =	ssyncadd.s32 $0xFFFFC000;
	s23 =	sadd.s32 $0x20, s23  }
0x257: {  	[tilespmem:s19], [sflag:$0x2] =	stream.linear.gather [hbm4b:s23+s3], $0x80, $0x38;
	[tilespmem:$0x1CB80] =	vst v63  }
0x258: {  	s24 =	smov.u32 s0;
	s0 =	sadd.s32 $0x10, s0;
	_ =	swait.ge [sflag:s14], $0x80  }
0x259: {  	[sflag:s14] =	ssyncset.done $0x0  }
0x25a: {  	s24 =	sadd.s32 s24, s11;
	[sflag:s14] =	ssyncadd.s32 $0xFFFFFF80  }
0x25b: {  	[tilespmem:s15], [sflag:$0x2] =	stream.linear.gather [hbm4b:s24+s3], $0x80, $0x38;
	[tilespmem:$0x1CB80] =	vst v63  }
0x25c: {  	_ =	swait.ge [sflag:s14], $0x80  }
0x25d: {  	[sflag:s14] =	ssyncset.done $0x0  }
0x25e: {  	[sflag:s14] =	ssyncadd.s32 $0xFFFFFF80  }
0x25f: {  	[tilespmem:s17], [sflag:$0x1] =	stream.indirect.gather [hbm4b:s5+s16], $0x80, s19, s16, $0xb8;
	[tilespmem:$0x1CB80] =	vst v63  }
0x260: {  	_ =	swait.ge [sflag:s20], $0x4000  }
.Ltmp16:
0x261: {  	[sflag:s20] =	ssyncset.done $0x0;
	(pc) =	sbr.rel @p0 .LBB2_34-.Ltmp16, $4  }
0x262: {  	[sflag:s20] =	ssyncadd.s32 $0xFFFFC000  }
0x263: {  	[spmem:s2] =	stream.indirect.scatter.add.f32 [tilespmem:s17], [sflag:$0x2], $0x80, s15, s16, $0xb8;
	[tilespmem:$0x1CB80] =	vst v63  }
0x264: {  	_ =	swait.ge [sflag:s14], $0x4000  }
0x265: {  	[sflag:s14] =	ssyncset.done $0x0  }
0x266: {  	[sflag:s14] =	ssyncadd.s32 $0xFFFFC000;
	s23 =	simm.s32 $0x0  }
0x267: {  	s24 =	simm.s32 $0x0;
	s25 =	simm.s32 $0x0;
	[bflag:$0x0] =	sbarrier.arrive $0xFFFF  }
.LBB2_36:
0x268: {  	s0 =	sshll.u32 s25, $0x7  }
0x269: {  	s0 =	sadd.s32 s8, s0  }
0x26a: {  	s26 =	sshll.u32 s0, $0x7  }
0x26b: {  	s26 =	sand.u32 $0x3FFFFF80, s26  }
0x26c: {  	s26 =	sadd.s32 s26, s2  }
0x26d: {  	[tilespmem:s17], [sflag:$0x2] =	stream.linear.gather [spmem:s26], $0x4000, $0x38;
	[tilespmem:$0x1CB80] =	vst v63  }
0x26e: {  	s0 =	sadd.s32 s9, s0;
	_ =	swait.ge [sflag:s14], $0x4000  }
0x26f: {  	s28 =	sshll.u32 s0, $0x4;
	[sflag:s14] =	ssyncset.done $0x0  }
0x270: {  	s0 =	sadd.s32 s5, s28;
	[sflag:s14] =	ssyncadd.s32 $0xFFFFC000  }
0x271: {  	[tilespmem:s21], [sflag:$0x2] =	stream.linear.gather [hbm4b:s0+s23], $0x4000, $0x38;
	[tilespmem:$0x1CB80] =	vst v63  }
0x272: {  	_ =	swait.ge [sflag:s14], $0x4000  }
0x273: {  	[sflag:s14] =	ssyncset.done $0x0  }
0x274: {  	s29 =	simm.s32 $0x0;
	[sflag:s14] =	ssyncadd.s32 $0xFFFFC000  }
0x275: {  	v3 =	vld [tilespmem:s29+$0x14100]  }
0x276: {  	v4 =	vld [tilespmem:s29+$0x14110]  }
0x277: {  	v6 =	vmov s24;
	v5 =	vld [tilespmem:s29+$0x14120]  }
0x278: {  	v7 =	vld [tilespmem:s29+$0x14130]  }
0x279: {  	v8 =	vld [tilespmem:s29+$0x14140]  }
0x27a: {  	v9 =	vld [tilespmem:s29+$0x14150]  }
0x27b: {  	v10 =	vld [tilespmem:s29+$0x14160]  }
0x27c: {  	v14 =	vld.idx.msk [tilespmem:v6+s18+$0x0], $0xffff  }
0x27d: {  	v6 =	vld [tilespmem:s29+$0x18100]  }
0x27e: {  	v11 =	vld [tilespmem:s29+$0x18110]  }
0x27f: {  	v12 =	vld [tilespmem:s29+$0x18120]  }
0x280: {  	v15 =	vld [tilespmem:s29+$0x18130]  }
0x281: {  	v16 =	vld [tilespmem:s29+$0x18140]  }
0x282: {  	v17 =	vld [tilespmem:s29+$0x18150];
	v6 =	vmul.f32 $5.000000000e-01, v6;
	v3 =	vmul.f32 v3, v14  }
0x283: {  	v13 =	vld [tilespmem:s29+$0x14170];
	v11 =	vmul.f32 $5.000000000e-01, v11;
	v4 =	vmul.f32 v4, v14  }
0x284: {  	v18 =	vld [tilespmem:s29+$0x18160];
	v12 =	vmul.f32 $5.000000000e-01, v12;
	v6 =	vadd.f32 v3, v6  }
0x285: {  	s30 =	simm.s32 $0x80;
	v19 =	vld [tilespmem:s29+$0x18170];
	v5 =	vmul.f32 v5, v14;
	v8 =	vmul.f32 v8, v14;
	v11 =	vadd.f32 v4, v11  }
0x286: {  	v3 =	vld [tilespmem:s30+$0x14100];
	[tilespmem:s29+$0x18100] =	vst v6;
	v6 =	vmul.f32 $5.000000000e-01, v15;
	v15 =	vmul.f32 v7, v14  }
0x287: {  	v62 =	vmul.f32 $5.000000000e-01, v17;
	v12 =	vadd.f32 v5, v12;
	v4 =	vld [tilespmem:s30+$0x14110];
	[tilespmem:s29+$0x18110] =	vst v11;
	v11 =	vmul.f32 $5.000000000e-01, v16  }
0x288: {  	v63 =	vmul.f32 v9, v14;
	v10 =	vmul.f32 v10, v14;
	v15 =	vadd.f32 v15, v6  }
0x289: {  	s31 =	sadd.s32 $0x1, s24;
	v13 =	vmul.f32 v13, v14;
	v5 =	vld [tilespmem:s30+$0x14120];
	[tilespmem:s29+$0x18120] =	vst v12;
	v9 =	vadd.f32 v8, v11;
	v8 =	vmul.f32 $5.000000000e-01, v18  }
0x28a: {  	s0 =	simm.s32 $0x400;
	v7 =	vmov s31;
	v12 =	vadd.f32 v63, v62;
	v6 =	vld [tilespmem:s30+$0x14130];
	v11 =	vmul.f32 $5.000000000e-01, v19;
	[tilespmem:s29+$0x18130] =	vst v15  }
.LBB2_37:
0x28b: {  	p0 =	sne.s32 s0, $0xFE00;
	v14 =	vld [tilespmem:s30+$0x14140];
	[tilespmem:s29+$0x18140] =	vst v9;
	v8 =	vadd.f32 v10, v8  }
0x28c: {  	v9 =	vld [tilespmem:s30+$0x14150];
	[tilespmem:s29+$0x18150] =	vst v12;
	v10 =	vadd.f32 v13, v11  }
0x28d: {  	v11 =	vld [tilespmem:s30+$0x14160];
	[tilespmem:s29+$0x18160] =	vst v8  }
0x28e: {  	v13 =	vld [tilespmem:s30+$0x14170];
	[tilespmem:s29+$0x18170] =	vst v10;
	s29 =	smov.u32 s30  }
0x28f: {  	v15 =	vld.idx.msk [tilespmem:v7+s18+$0x0], $0xffff  }
0x290: {  	v7 =	vld [tilespmem:s29+$0x18100]  }
0x291: {  	v8 =	vld [tilespmem:s29+$0x18110]  }
0x292: {  	v10 =	vld [tilespmem:s29+$0x18120]  }
0x293: {  	v12 =	vld [tilespmem:s29+$0x18130]  }
0x294: {  	v16 =	vld [tilespmem:s29+$0x18140]  }
0x295: {  	s31 =	sadd.s32 $0x1, s31;
	v3 =	vmul.f32 v3, v15;
	v17 =	vmul.f32 $5.000000000e-01, v7;
	v18 =	vld [tilespmem:s29+$0x18150]  }
0x296: {  	v4 =	vmul.f32 v4, v15;
	v7 =	vmov s31;
	v8 =	vmul.f32 $5.000000000e-01, v8;
	v19 =	vld [tilespmem:s29+$0x18160]  }
0x297: {  	v5 =	vmul.f32 v5, v15;
	v17 =	vadd.f32 v3, v17;
	v10 =	vmul.f32 $5.000000000e-01, v10;
	v20 =	vld [tilespmem:s29+$0x18170]  }
.Ltmp17:
0x298: {  	s30 =	sshra.s32 s0, $0x2;
	v6 =	vmul.f32 v6, v15;
	v8 =	vadd.f32 v4, v8;
	v12 =	vmul.f32 $5.000000000e-01, v12;
	(pc) =	sbr.rel @p0 .LBB2_37-.Ltmp17, $4  }
0x299: {  	v14 =	vmul.f32 v14, v15;
	v3 =	vld [tilespmem:s30+$0x14100];
	[tilespmem:s29+$0x18100] =	vst v17;
	v10 =	vadd.f32 v5, v10;
	v16 =	vmul.f32 $5.000000000e-01, v16  }
0x29a: {  	v4 =	vld [tilespmem:s30+$0x14110];
	[tilespmem:s29+$0x18110] =	vst v8;
	v12 =	vadd.f32 v6, v12;
	v17 =	vmul.f32 $5.000000000e-01, v18;
	v18 =	vmul.f32 v9, v15  }
0x29b: {  	v5 =	vld [tilespmem:s30+$0x14120];
	[tilespmem:s29+$0x18120] =	vst v10;
	v9 =	vadd.f32 v14, v16;
	v8 =	vmul.f32 $5.000000000e-01, v19;
	v10 =	vmul.f32 v11, v15  }
0x29c: {  	s0 =	sadd.s32 $0x200, s0;
	v13 =	vmul.f32 v13, v15;
	v6 =	vld [tilespmem:s30+$0x14130];
	[tilespmem:s29+$0x18130] =	vst v12;
	v12 =	vadd.f32 v18, v17;
	v11 =	vmul.f32 $5.000000000e-01, v20  }
0x29d: {  	v14 =	vld [tilespmem:s30+$0x14140];
	[tilespmem:s29+$0x18140] =	vst v9;
	v8 =	vadd.f32 v10, v8  }
0x29e: {  	v9 =	vld [tilespmem:s30+$0x14150];
	[tilespmem:s29+$0x18150] =	vst v12;
	v11 =	vadd.f32 v13, v11  }
0x29f: {  	v51 =	vld [tilespmem:s30+$0x14160];
	[tilespmem:s29+$0x18160] =	vst v8  }
0x2a0: {  	v8 =	vld [tilespmem:s30+$0x14170];
	[tilespmem:s29+$0x18170] =	vst v11  }
0x2a1: {  	v7 =	vld.idx.msk [tilespmem:v7+s18+$0x0], $0xffff  }
0x2a2: {  	v11 =	vld [tilespmem:s30+$0x18100]  }
0x2a3: {  	v12 =	vld [tilespmem:s30+$0x18110]  }
0x2a4: {  	v52 =	vld [tilespmem:s30+$0x18120]  }
0x2a5: {  	v15 =	vld [tilespmem:s30+$0x18130]  }
0x2a6: {  	v16 =	vld [tilespmem:s30+$0x18140]  }
0x2a7: {  	v17 =	vld [tilespmem:s30+$0x18150];
	v11 =	vmul.f32 $5.000000000e-01, v11  }
0x2a8: {  	v3 =	vmul.f32 v3, v7;
	v12 =	vmul.f32 $5.000000000e-01, v12  }
0x2a9: {  	v54 =	vld [tilespmem:s30+$0x18170];
	v4 =	vmul.f32 v4, v7;
	v53 =	vmul.f32 $5.000000000e-01, v52  }
0x2aa: {  	v18 =	vld [tilespmem:s30+$0x18160];
	v55 =	vmul.f32 $5.000000000e-01, v15;
	v6 =	vmul.f32 v6, v7;
	v3 =	vadd.f32 v3, v11  }
0x2ab: {  	v5 =	vmul.f32 v5, v7;
	v56 =	vmul.f32 $5.000000000e-01, v16;
	v4 =	vadd.f32 v4, v12  }
0x2ac: {  	v59 =	vmul.f32 $5.000000000e-01, v17;
	v9 =	vmul.f32 v9, v7;
	v58 =	vadd.f32 v6, v55;
	[tilespmem:s30+$0x18100] =	vst v3  }
0x2ad: {  	v57 =	vmul.f32 v14, v7;
	v10 =	vmul.f32 v51, v7;
	v3 =	vadd.f32 v5, v53;
	[tilespmem:s30+$0x18110] =	vst v4  }
0x2ae: {  	v62 =	vmul.f32 $5.000000000e-01, v54;
	v7 =	vmul.f32 v8, v7;
	v61 =	vadd.f32 v9, v59;
	[tilespmem:s30+$0x18130] =	vst v58  }
0x2af: {  	v60 =	vmul.f32 $5.000000000e-01, v18;
	[tilespmem:s30+$0x18120] =	vst v3;
	v3 =	vadd.f32 v57, v56  }
0x2b0: {  	v63 =	vadd.f32 v7, v62;
	[tilespmem:s30+$0x18150] =	vst v61  }
0x2b1: {  	[tilespmem:s30+$0x18140] =	vst v3;
	v3 =	vadd.f32 v10, v60  }
0x2b2: {  	[tilespmem:s30+$0x18170] =	vst v63  }
0x2b3: {  	s0 =	sadd.s32 s6, s28;
	[tilespmem:s30+$0x18160] =	vst v3  }
0x2b4: {  	[hbm4b:s0+s3] =	stream.linear.scatter [tilespmem:s21], [sflag:$0x2], $0x4000, $0x38;
	[tilespmem:$0x1CB80] =	vst v63  }
0x2b5: {  	_ =	swait.ge [sflag:s14], $0x4000  }
0x2b6: {  	[sflag:s14] =	ssyncset.done $0x0  }
0x2b7: {  	[sflag:s14] =	ssyncadd.s32 $0xFFFFC000  }
0x2b8: {  	[spmem:s26] =	stream.linear.scatter [tilespmem:s13], [sflag:$0x2], $0x800, $0x38;
	[tilespmem:$0x1CB80] =	vst v63  }
0x2b9: {  	_ =	swait.ge [sflag:s14], $0x800  }
0x2ba: {  	[sflag:s14] =	ssyncset.done $0x0  }
0x2bb: {  	s29 =	sadd.s32 $0x800, s26;
	[sflag:s14] =	ssyncadd.s32 $0xFFFFF800  }
0x2bc: {  	[spmem:s29] =	stream.linear.scatter [tilespmem:s13], [sflag:$0x2], $0x800, $0x38;
	[tilespmem:$0x1CB80] =	vst v63  }
0x2bd: {  	_ =	swait.ge [sflag:s14], $0x800  }
0x2be: {  	[sflag:s14] =	ssyncset.done $0x0  }
0x2bf: {  	s30 =	sadd.s32 $0x1000, s26;
	[sflag:s14] =	ssyncadd.s32 $0xFFFFF800  }
0x2c0: {  	[spmem:s30] =	stream.linear.scatter [tilespmem:s13], [sflag:$0x2], $0x800, $0x38;
	[tilespmem:$0x1CB80] =	vst v63  }
0x2c1: {  	_ =	swait.ge [sflag:s14], $0x800  }
0x2c2: {  	[sflag:s14] =	ssyncset.done $0x0  }
0x2c3: {  	s31 =	sadd.s32 $0x1800, s26;
	[sflag:s14] =	ssyncadd.s32 $0xFFFFF800  }
0x2c4: {  	[spmem:s31] =	stream.linear.scatter [tilespmem:s13], [sflag:$0x2], $0x800, $0x38;
	[tilespmem:$0x1CB80] =	vst v63  }
0x2c5: {  	_ =	swait.ge [sflag:s14], $0x800  }
0x2c6: {  	[sflag:s14] =	ssyncset.done $0x0  }
0x2c7: {  	s28 =	sadd.s32 $0x2000, s26;
	[sflag:s14] =	ssyncadd.s32 $0xFFFFF800  }
0x2c8: {  	[spmem:s28] =	stream.linear.scatter [tilespmem:s13], [sflag:$0x2], $0x800, $0x38;
	[tilespmem:$0x1CB80] =	vst v63  }
0x2c9: {  	_ =	swait.ge [sflag:s14], $0x800  }
0x2ca: {  	[sflag:s14] =	ssyncset.done $0x0  }
0x2cb: {  	s29 =	sadd.s32 $0x2800, s26;
	[sflag:s14] =	ssyncadd.s32 $0xFFFFF800  }
0x2cc: {  	[spmem:s29] =	stream.linear.scatter [tilespmem:s13], [sflag:$0x2], $0x800, $0x38;
	[tilespmem:$0x1CB80] =	vst v63  }
0x2cd: {  	_ =	swait.ge [sflag:s14], $0x800  }
0x2ce: {  	[sflag:s14] =	ssyncset.done $0x0  }
0x2cf: {  	s30 =	sadd.s32 $0x3000, s26;
	[sflag:s14] =	ssyncadd.s32 $0xFFFFF800  }
0x2d0: {  	[spmem:s30] =	stream.linear.scatter [tilespmem:s13], [sflag:$0x2], $0x800, $0x38;
	[tilespmem:$0x1CB80] =	vst v63  }
0x2d1: {  	s25 =	sadd.s32 $0x1, s25;
	_ =	swait.ge [sflag:s14], $0x800  }
0x2d2: {  	p0 =	sne.s32 s25, $0x5;
	[sflag:s14] =	ssyncset.done $0x0  }
.Ltmp18:
0x2d3: {  	s31 =	sadd.s32 $0x3800, s26;
	[sflag:s14] =	ssyncadd.s32 $0xFFFFF800;
	(pc) =	sbr.rel @p0 .LBB2_36-.Ltmp18, $4  }
0x2d4: {  	[spmem:s31] =	stream.linear.scatter [tilespmem:s13], [sflag:$0x2], $0x800, $0x38;
	[tilespmem:$0x1CB80] =	vst v63  }
0x2d5: {  	_ =	swait.ge [sflag:s14], $0x800  }
0x2d6: {  	[sflag:s14] =	ssyncset.done $0x0  }
0x2d7: {  	s24 =	sadd.s32 $0x80, s24;
	[sflag:s14] =	ssyncadd.s32 $0xFFFFF800  }
0x2d8: {  	s22 =	sadd.s32 $0x1, s22  }
0x2d9: {  	p0 =	sne.s32 s22, s10  }
.Ltmp19:
0x2da: {  	_ = 	snop;
	(pc) =	sbr.rel @p0 .LBB2_1-.Ltmp19, $2  }
0x2db: {  	_ =	sdelay $0x1  }
0x2dc: {  	[bflag:$0x0] =	sbarrier.arrive $0xFFFF;
	_ =	sdelay $0x1  }
0x2dd: {  	_ =	sfence.sel $0x180000  }
0x2de: {  	[bflag:$0x0] =	sbarrier.arrive $0xFFFF  }
0x2df: {  	_ =	strace $0x90000047  }
0x2e0: {  	[bflag:$0x2] =	sbarrier.arrive $0xFFFF  }
0x2e1: {  	p0 =	sne.s32 s1, $0x0;
	s0 =	rddreg [dreg:$0x2]  }
0x2e2: {  	s0 =	sadd.s32 @!p0 $0x100000, s0  }
0x2e3: {  	[sflag:s0] =	ssyncadd.tile.s32 @!p0 $0x1;
	_ =	shalt  }
.Lfunc_end2:
_tile_overlayer_lowered:
.L_overlay_start_2:
0x2e4: {  	(tag) =	ssettag $0x2  }
0x2e5: {  	s0 =	rddreg [dreg:$0x0];
	s2 =	stileid.u32  }
0x2e6: {  	s1 =	rddreg [dreg:$0x1];
	p0 =	sne.s32 s2, $0x0  }
0x2e7: {  	s3 =	rddreg [dreg:$0x2];
	[bflag:$0x3] =	sbarrier.arrive $0xFFFF;
	s2 =	simm.s32 @!p0 $0x1C02  }
0x2e8: {  	[timem:s3], [sflag:s2] =	dma.local @!p0 [hbm:s0], s1  }
0x2e9: {  	s0 =	simm.s32 @!p0 $0x2  }
0x2ea: {  	_ =	swait.ge @!p0 [sflag:s0], s1  }
0x2eb: {  	s1 =	ssub.s32 @!p0 $0x0, s1;
	[sflag:s0] =	ssyncset.done @!p0 $0x0  }
0x2ec: {  	[sflag:s0] =	ssyncadd.s32 @!p0 s1  }
0x2ed: {  	[bflag:$0x3] =	sbarrier.arrive $0xFFFF  }
0x2ee: {  	_ =	shalt  }

</sc_bundles>
